<compile_context>
chip_gen: v7x
topology: tpu7x:2x2x1
jax: 0.10.2.dev20260603
libtpu: 0.0.44.dev20260713+nightly
codegen_flags: <defaults>
</compile_context>

<pallas_src>
import functools

import jax
import jax.numpy as jnp
from jax import lax
from jax.experimental import pallas as pl
from jax.experimental.pallas import tpu as pltpu
from jax.experimental.pallas import tpu_sc as plsc

B, S = 4, 8192
N = B * S
DOUT = 192
NV = DOUT // 16
MAX2D = 1024
EPS = 1e-12

NC, NS = 2, 16
NW = NC * NS
TPW = N // NW
C = 32
NCHUNK = TPW // C


def _project_body(x_ref, y_ref, h_ref, w_ref, W_ref, b_ref, out_ref):
    f32 = jnp.float32
    out_ref[0 * MAX2D:1 * MAX2D, :] = jnp.dot(
        x_ref[...], W_ref[0:128, :], preferred_element_type=f32)
    out_ref[1 * MAX2D:2 * MAX2D, :] = jnp.dot(
        y_ref[...], W_ref[128:256, :], preferred_element_type=f32)
    out_ref[2 * MAX2D:3 * MAX2D, :] = jnp.dot(
        x_ref[...], W_ref[256:384, :], preferred_element_type=f32)
    out_ref[3 * MAX2D:4 * MAX2D, :] = jnp.dot(
        y_ref[...], W_ref[384:512, :], preferred_element_type=f32)
    out_ref[4 * MAX2D:5 * MAX2D, :] = jnp.dot(
        h_ref[...], W_ref[512:640, :], preferred_element_type=f32) + b_ref[...]
    out_ref[5 * MAX2D:6 * MAX2D, :] = jnp.dot(
        w_ref[...], W_ref[640:768, :], preferred_element_type=f32)


_project = pl.pallas_call(
    _project_body,
    out_shape=jax.ShapeDtypeStruct((6 * MAX2D, DOUT), jnp.float32),
)

_sc_mesh = plsc.VectorSubcoreMesh(
    core_axis_name="c", subcore_axis_name="s", num_cores=NC, num_subcores=NS)


@functools.partial(
    pl.kernel,
    out_type=jax.ShapeDtypeStruct((N, DOUT), jnp.float32),
    mesh=_sc_mesh,
    compiler_params=pltpu.CompilerParams(
        needs_layout_passes=False, use_tc_tiling_on_sc=False),
    scratch_types=[
        pltpu.VMEM((TPW,), jnp.int32),
        pltpu.VMEM((TPW,), jnp.int32),
        pltpu.VMEM((TPW,), jnp.int32),
        pltpu.VMEM((TPW,), jnp.int32),
        pltpu.VMEM((TPW,), jnp.int32),
        pltpu.VMEM((TPW,), jnp.int32),
        pltpu.VMEM((TPW,), jnp.int32),
        pltpu.VMEM((TPW,), jnp.int32),
        pltpu.VMEM((TPW,), jnp.int32),
        pltpu.VMEM((TPW,), jnp.int32),
        pltpu.VMEM((TPW,), jnp.int32),
        [pltpu.VMEM((C, DOUT), jnp.float32)] * 7,
        [pltpu.VMEM((C, DOUT), jnp.float32)] * 7,
        pltpu.VMEM((C, DOUT), jnp.float32),
        pltpu.VMEM((C, DOUT), jnp.float32),
        pltpu.VMEM((DOUT,), jnp.float32),
        pltpu.VMEM((DOUT,), jnp.float32),
        pltpu.SemaphoreType.DMA,
        pltpu.SemaphoreType.DMA,
        pltpu.SemaphoreType.DMA,
        pltpu.SemaphoreType.DMA,
    ],
)
def _lookup(ptab_h, box_h, x0_h, y0_h, x1_h, y1_h, pos_h, gam_h, bet_h,
            out_h,
            x0v, y0v, x1v, y1v, pv, i0, i1, i2, i3, i4, i5,
            gb0, gb1, ov0, ov1, gam, bet, sem0, sem1, osem0, osem1):
    wid = lax.axis_index("s") * NC + lax.axis_index("c")
    base = wid * TPW

    pltpu.sync_copy(x0_h.at[pl.ds(base, TPW)], x0v)
    pltpu.sync_copy(y0_h.at[pl.ds(base, TPW)], y0v)
    pltpu.sync_copy(x1_h.at[pl.ds(base, TPW)], x1v)
    pltpu.sync_copy(y1_h.at[pl.ds(base, TPW)], y1v)
    pltpu.sync_copy(pos_h.at[pl.ds(base, TPW)], pv)
    pltpu.sync_copy(gam_h, gam)
    pltpu.sync_copy(bet_h, bet)

    def idx_body(v, carry):
        sl = pl.ds(v * 16, 16)
        a0 = x0v[sl]
        c0 = y0v[sl]
        a1 = x1v[sl]
        c1 = y1v[sl]
        i0[sl] = a0
        i1[sl] = c0 + 1 * MAX2D
        i2[sl] = a1 + 2 * MAX2D
        i3[sl] = c1 + 3 * MAX2D
        i4[sl] = (c1 - c0) + 4 * MAX2D
        i5[sl] = (a1 - a0) + 5 * MAX2D
        return carry

    lax.fori_loop(0, TPW // 16, idx_body, 0, unroll=False)

    gl = [gam[pl.ds(c * 16, 16)] for c in range(NV)]
    bl = [bet[pl.ds(c * 16, 16)] for c in range(NV)]

    gsets = (gb0, gb1)
    osets = (ov0, ov1)
    sems = (sem0, sem1)
    osems = (osem0, osem1)

    def fire(k, par):
        off = k * C
        gb = gsets[par]
        sm = sems[par]
        pltpu.async_copy(ptab_h.at[i0.at[pl.ds(off, C)]], gb[0], sm)
        pltpu.async_copy(ptab_h.at[i1.at[pl.ds(off, C)]], gb[1], sm)
        pltpu.async_copy(ptab_h.at[i2.at[pl.ds(off, C)]], gb[2], sm)
        pltpu.async_copy(ptab_h.at[i3.at[pl.ds(off, C)]], gb[3], sm)
        pltpu.async_copy(ptab_h.at[i4.at[pl.ds(off, C)]], gb[4], sm)
        pltpu.async_copy(ptab_h.at[i5.at[pl.ds(off, C)]], gb[5], sm)
        pltpu.async_copy(box_h.at[pv.at[pl.ds(off, C)]], gb[6], sm)

    def drain(par):
        gb = gsets[par]
        sm = sems[par]
        for j in range(7):
            pltpu.make_async_copy(ptab_h.at[pl.ds(0, C)], gb[j], sm).wait()

    def compute(k, par):
        gb = gsets[par]
        ov = osets[par]

        @pl.when(k >= 2)
        def _():
            pltpu.make_async_copy(
                ov, out_h.at[pl.ds(base + (k - 2) * C, C)],
                osems[par]).wait()

        def token(t, tc):
            s = jnp.zeros((16,), jnp.float32)
            q = jnp.zeros((16,), jnp.float32)
            vs = []
            for c in range(NV):
                sl = pl.ds(c * 16, 16)
                v = (gb[0][t, sl] + gb[1][t, sl] + gb[2][t, sl]
                     + gb[3][t, sl] + gb[4][t, sl] + gb[5][t, sl]
                     + gb[6][t, sl])
                vs.append(v)
                s = s + v
                q = q + v * v
            tot = plsc.cumsum(s)[15]
            totq = plsc.cumsum(q)[15]
            mu = tot * (1.0 / DOUT)
            var = totq * (1.0 / DOUT) - mu * mu
            xv = jnp.full((16,), var + EPS, dtype=jnp.float32)
            iv = lax.bitcast_convert_type(xv, jnp.int32)
            iv = jnp.int32(0x5F3759DF) - (iv >> 1)
            y = lax.bitcast_convert_type(iv, jnp.float32)
            for _ in range(3):
                y = y * (1.5 - 0.5 * xv * y * y)
            muv = jnp.full((16,), mu, dtype=jnp.float32)
            for c in range(NV):
                sl = pl.ds(c * 16, 16)
                ov[t, sl] = (vs[c] - muv) * y * gl[c] + bl[c]
            return tc

        lax.fori_loop(0, C, token, 0, unroll=False)
        pltpu.async_copy(ov, out_h.at[pl.ds(base + k * C, C)], osems[par])

    fire(0, 0)

    def pipe(j, carry):
        k = 2 * j
        fire(k + 1, 1)
        drain(0)
        compute(k, 0)

        @pl.when(k + 2 < NCHUNK)
        def _():
            fire(k + 2, 0)

        drain(1)
        compute(k + 1, 1)
        return carry

    lax.fori_loop(0, NCHUNK // 2, pipe, 0, unroll=False)

    pltpu.make_async_copy(
        ov0, out_h.at[pl.ds(base + (NCHUNK - 2) * C, C)], osem0).wait()
    pltpu.make_async_copy(
        ov1, out_h.at[pl.ds(base + (NCHUNK - 1) * C, C)], osem1).wait()


def kernel(bbox, position_ids, x_tab, y_tab, h_tab, w_tab, box_tab, W, b,
           gamma, beta):
    bb = bbox.reshape(N, 4).astype(jnp.int32)
    x0 = bb[:, 0]
    y0 = bb[:, 1]
    x1 = bb[:, 2]
    y1 = bb[:, 3]
    pos = position_ids.reshape(N).astype(jnp.int32)
    ptab = _project(x_tab, y_tab, h_tab, w_tab, W, b.reshape(1, DOUT))
    out = _lookup(ptab, box_tab, x0, y0, x1, y1, pos, gamma, beta)
    return out.reshape(B, S, DOUT)

# --- scband reference (transcript-rebuilt; emitter-appended) ---
"""Pipeline reference for scband-lilt-layout-embeddings-55336358642312 (READ-ONLY COPY).

The authoritative reference and input builder live on the scoring server;
editing this copy changes nothing except your own understanding.
"""

import jax, jax.numpy as jnp
import numpy as np

B, S = 4, 8192
HID = 768
SHRINK = 4
D6 = HID // 6  # 128
DOUT = HID // SHRINK  # 192
MAX2D = 1024
MAXPOS = 8192
EPS = 1e-12


def setup_inputs(seed: int = 0) -> dict:
    key = jax.random.key(seed)
    ks = jax.random.split(key, 12)
    # bbox with guaranteed x0<=x1, y0<=y1 so h/w deltas are valid indices
    raw = jax.random.randint(ks[0], (B, S, 4), 0, 1000)
    xs = jnp.sort(raw[:, :, 0:2], axis=-1)
    ys = jnp.sort(raw[:, :, 2:4], axis=-1)
    bbox = jnp.stack([xs[:, :, 0], ys[:, :, 0], xs[:, :, 1], ys[:, :, 1]], axis=-1).astype(jnp.int64)
    position_ids = jax.random.randint(ks[1], (B, S), 0, MAXPOS).astype(jnp.int64)
    x_tab = jax.random.normal(ks[2], (MAX2D, D6), dtype=jnp.float32) * 0.02
    y_tab = jax.random.normal(ks[3], (MAX2D, D6), dtype=jnp.float32) * 0.02
    h_tab = jax.random.normal(ks[4], (MAX2D, D6), dtype=jnp.float32) * 0.02
    w_tab = jax.random.normal(ks[5], (MAX2D, D6), dtype=jnp.float32) * 0.02
    box_tab = jax.random.normal(ks[6], (MAXPOS, DOUT), dtype=jnp.float32) * 0.02
    W = jax.random.normal(ks[7], (HID, DOUT), dtype=jnp.float32) * (1.0 / np.sqrt(HID))
    b = jnp.zeros((DOUT,), dtype=jnp.float32)
    gamma = jnp.ones((DOUT,), dtype=jnp.float32)
    beta = jnp.zeros((DOUT,), dtype=jnp.float32)
    return {"bbox": bbox, "position_ids": position_ids, "x_tab": x_tab, "y_tab": y_tab,
            "h_tab": h_tab, "w_tab": w_tab, "box_tab": box_tab, "W": W, "b": b,
            "gamma": gamma, "beta": beta}


def reference(bbox, position_ids, x_tab, y_tab, h_tab, w_tab, box_tab, W, b, gamma, beta):
    left = jnp.take(x_tab, bbox[:, :, 0], axis=0)
    upper = jnp.take(y_tab, bbox[:, :, 1], axis=0)
    right = jnp.take(x_tab, bbox[:, :, 2], axis=0)
    lower = jnp.take(y_tab, bbox[:, :, 3], axis=0)
    h_emb = jnp.take(h_tab, bbox[:, :, 3] - bbox[:, :, 1], axis=0)
    w_emb = jnp.take(w_tab, bbox[:, :, 2] - bbox[:, :, 0], axis=0)
    spatial = jnp.concatenate([left, upper, right, lower, h_emb, w_emb], axis=-1)
    spatial = jnp.dot(spatial, W) + b
    box_pos = jnp.take(box_tab, position_ids, axis=0)
    spatial = spatial + box_pos
    mu = jnp.mean(spatial, axis=-1, keepdims=True)
    var = jnp.mean(jnp.square(spatial - mu), axis=-1, keepdims=True)
    out = (spatial - mu) / jnp.sqrt(var + EPS) * gamma + beta
    # dropout is identity in eval mode
    return out

if __name__ == "__main__":
    import jax
    _d = setup_inputs()
    print(jax.jit(kernel)(*tuple(_d.values())))

</pallas_src>

<mosaic_0001>
#map = affine_map<(d0, d1) -> (0, 0)>
#map1 = affine_map<(d0, d1) -> (0)>
module attributes {stable_mosaic.version = 14 : i64} {
  func.func @_lookup(%arg0: i32, %arg1: i32, %arg2: memref<6144x192xf32, #tpu.memory_space<hbm>>, %arg3: memref<8192x192xf32, #tpu.memory_space<hbm>>, %arg4: memref<32768xi32, #tpu.memory_space<hbm>>, %arg5: memref<32768xi32, #tpu.memory_space<hbm>>, %arg6: memref<32768xi32, #tpu.memory_space<hbm>>, %arg7: memref<32768xi32, #tpu.memory_space<hbm>>, %arg8: memref<32768xi32, #tpu.memory_space<hbm>>, %arg9: memref<192xf32, #tpu.memory_space<hbm>>, %arg10: memref<192xf32, #tpu.memory_space<hbm>>, %arg11: memref<32768x192xf32, #tpu.memory_space<hbm>>, %arg12: memref<1024xi32, #tpu.memory_space<vmem>>, %arg13: memref<1024xi32, #tpu.memory_space<vmem>>, %arg14: memref<1024xi32, #tpu.memory_space<vmem>>, %arg15: memref<1024xi32, #tpu.memory_space<vmem>>, %arg16: memref<1024xi32, #tpu.memory_space<vmem>>, %arg17: memref<1024xi32, #tpu.memory_space<vmem>>, %arg18: memref<1024xi32, #tpu.memory_space<vmem>>, %arg19: memref<1024xi32, #tpu.memory_space<vmem>>, %arg20: memref<1024xi32, #tpu.memory_space<vmem>>, %arg21: memref<1024xi32, #tpu.memory_space<vmem>>, %arg22: memref<1024xi32, #tpu.memory_space<vmem>>, %arg23: memref<32x192xf32, #tpu.memory_space<vmem>>, %arg24: memref<32x192xf32, #tpu.memory_space<vmem>>, %arg25: memref<32x192xf32, #tpu.memory_space<vmem>>, %arg26: memref<32x192xf32, #tpu.memory_space<vmem>>, %arg27: memref<32x192xf32, #tpu.memory_space<vmem>>, %arg28: memref<32x192xf32, #tpu.memory_space<vmem>>, %arg29: memref<32x192xf32, #tpu.memory_space<vmem>>, %arg30: memref<32x192xf32, #tpu.memory_space<vmem>>, %arg31: memref<32x192xf32, #tpu.memory_space<vmem>>, %arg32: memref<32x192xf32, #tpu.memory_space<vmem>>, %arg33: memref<32x192xf32, #tpu.memory_space<vmem>>, %arg34: memref<32x192xf32, #tpu.memory_space<vmem>>, %arg35: memref<32x192xf32, #tpu.memory_space<vmem>>, %arg36: memref<32x192xf32, #tpu.memory_space<vmem>>, %arg37: memref<32x192xf32, #tpu.memory_space<vmem>>, %arg38: memref<32x192xf32, #tpu.memory_space<vmem>>, %arg39: memref<192xf32, #tpu.memory_space<vmem>>, %arg40: memref<192xf32, #tpu.memory_space<vmem>>, %arg41: memref<!tpu.dma_semaphore, #tpu.memory_space<semaphore_mem>>, %arg42: memref<!tpu.dma_semaphore, #tpu.memory_space<semaphore_mem>>, %arg43: memref<!tpu.dma_semaphore, #tpu.memory_space<semaphore_mem>>, %arg44: memref<!tpu.dma_semaphore, #tpu.memory_space<semaphore_mem>>) attributes {dimension_semantics = [#tpu.dimension_semantics<core_parallel>, #tpu.dimension_semantics<subcore_parallel>], iteration_bounds = array<i64: 2, 16>, scalar_prefetch = 0 : i64, scratch_operands = 33 : i64, tpu.core_type = #tpu.core_type<sc_vector_subcore>, window_params = [{transform_indices = #map}, {transform_indices = #map}, {transform_indices = #map1}, {transform_indices = #map1}, {transform_indices = #map1}, {transform_indices = #map1}, {transform_indices = #map1}, {transform_indices = #map1}, {transform_indices = #map1}, {transform_indices = #map}]} {
    %mul3A = arith.constant 2 : i32
    %mul3A_0 = arith.muli %arg1, %mul3A : i32
    %add3A = arith.addi %mul3A_0, %arg0 : i32
    %mul3A_1 = arith.constant 1024 : i32
    %mul3A_2 = arith.muli %add3A, %mul3A_1 : i32
    "tpu.region"() ({
      %run_scoped3A = tpu.sem_alloc : memref<!tpu.dma_semaphore, #tpu.memory_space<semaphore_mem>>
      %dma_start3A_106 = tpu.memref_slice %arg4[%mul3A_2] : memref<32768xi32, #tpu.memory_space<hbm>> -> memref<1024xi32, #tpu.memory_space<hbm>>
      %dma_start3A_107 = tpu.memref_slice %arg4[%mul3A_2] : memref<32768xi32, #tpu.memory_space<hbm>> -> memref<1024xi32, #tpu.memory_space<hbm>>
      tpu.enqueue_dma source(%dma_start3A_107 : memref<1024xi32, #tpu.memory_space<hbm>>) target(%arg12 : memref<1024xi32, #tpu.memory_space<vmem>>) target_semaphore(%run_scoped3A : memref<!tpu.dma_semaphore, #tpu.memory_space<semaphore_mem>>)
      %dma_wait3A_108 = tpu.memref_slice %arg4[%mul3A_2] : memref<32768xi32, #tpu.memory_space<hbm>> -> memref<1024xi32, #tpu.memory_space<hbm>>
      %dma_wait3A_109 = tpu.memref_slice %arg4[%mul3A_2] : memref<32768xi32, #tpu.memory_space<hbm>> -> memref<1024xi32, #tpu.memory_space<hbm>>
      tpu.wait_dma2 semaphore(%run_scoped3A : memref<!tpu.dma_semaphore, #tpu.memory_space<semaphore_mem>>) src(%dma_wait3A_109 : memref<1024xi32, #tpu.memory_space<hbm>>) dst(%arg12 : memref<1024xi32, #tpu.memory_space<vmem>>)
      tpu.yield
    }) : () -> ()
    "tpu.region"() ({
      %run_scoped3A = tpu.sem_alloc : memref<!tpu.dma_semaphore, #tpu.memory_space<semaphore_mem>>
      %dma_start3A_106 = tpu.memref_slice %arg5[%mul3A_2] : memref<32768xi32, #tpu.memory_space<hbm>> -> memref<1024xi32, #tpu.memory_space<hbm>>
      %dma_start3A_107 = tpu.memref_slice %arg5[%mul3A_2] : memref<32768xi32, #tpu.memory_space<hbm>> -> memref<1024xi32, #tpu.memory_space<hbm>>
      tpu.enqueue_dma source(%dma_start3A_107 : memref<1024xi32, #tpu.memory_space<hbm>>) target(%arg13 : memref<1024xi32, #tpu.memory_space<vmem>>) target_semaphore(%run_scoped3A : memref<!tpu.dma_semaphore, #tpu.memory_space<semaphore_mem>>)
      %dma_wait3A_108 = tpu.memref_slice %arg5[%mul3A_2] : memref<32768xi32, #tpu.memory_space<hbm>> -> memref<1024xi32, #tpu.memory_space<hbm>>
      %dma_wait3A_109 = tpu.memref_slice %arg5[%mul3A_2] : memref<32768xi32, #tpu.memory_space<hbm>> -> memref<1024xi32, #tpu.memory_space<hbm>>
      tpu.wait_dma2 semaphore(%run_scoped3A : memref<!tpu.dma_semaphore, #tpu.memory_space<semaphore_mem>>) src(%dma_wait3A_109 : memref<1024xi32, #tpu.memory_space<hbm>>) dst(%arg13 : memref<1024xi32, #tpu.memory_space<vmem>>)
      tpu.yield
    }) : () -> ()
    "tpu.region"() ({
      %run_scoped3A = tpu.sem_alloc : memref<!tpu.dma_semaphore, #tpu.memory_space<semaphore_mem>>
      %dma_start3A_106 = tpu.memref_slice %arg6[%mul3A_2] : memref<32768xi32, #tpu.memory_space<hbm>> -> memref<1024xi32, #tpu.memory_space<hbm>>
      %dma_start3A_107 = tpu.memref_slice %arg6[%mul3A_2] : memref<32768xi32, #tpu.memory_space<hbm>> -> memref<1024xi32, #tpu.memory_space<hbm>>
      tpu.enqueue_dma source(%dma_start3A_107 : memref<1024xi32, #tpu.memory_space<hbm>>) target(%arg14 : memref<1024xi32, #tpu.memory_space<vmem>>) target_semaphore(%run_scoped3A : memref<!tpu.dma_semaphore, #tpu.memory_space<semaphore_mem>>)
      %dma_wait3A_108 = tpu.memref_slice %arg6[%mul3A_2] : memref<32768xi32, #tpu.memory_space<hbm>> -> memref<1024xi32, #tpu.memory_space<hbm>>
      %dma_wait3A_109 = tpu.memref_slice %arg6[%mul3A_2] : memref<32768xi32, #tpu.memory_space<hbm>> -> memref<1024xi32, #tpu.memory_space<hbm>>
      tpu.wait_dma2 semaphore(%run_scoped3A : memref<!tpu.dma_semaphore, #tpu.memory_space<semaphore_mem>>) src(%dma_wait3A_109 : memref<1024xi32, #tpu.memory_space<hbm>>) dst(%arg14 : memref<1024xi32, #tpu.memory_space<vmem>>)
      tpu.yield
    }) : () -> ()
    "tpu.region"() ({
      %run_scoped3A = tpu.sem_alloc : memref<!tpu.dma_semaphore, #tpu.memory_space<semaphore_mem>>
      %dma_start3A_106 = tpu.memref_slice %arg7[%mul3A_2] : memref<32768xi32, #tpu.memory_space<hbm>> -> memref<1024xi32, #tpu.memory_space<hbm>>
      %dma_start3A_107 = tpu.memref_slice %arg7[%mul3A_2] : memref<32768xi32, #tpu.memory_space<hbm>> -> memref<1024xi32, #tpu.memory_space<hbm>>
      tpu.enqueue_dma source(%dma_start3A_107 : memref<1024xi32, #tpu.memory_space<hbm>>) target(%arg15 : memref<1024xi32, #tpu.memory_space<vmem>>) target_semaphore(%run_scoped3A : memref<!tpu.dma_semaphore, #tpu.memory_space<semaphore_mem>>)
      %dma_wait3A_108 = tpu.memref_slice %arg7[%mul3A_2] : memref<32768xi32, #tpu.memory_space<hbm>> -> memref<1024xi32, #tpu.memory_space<hbm>>
      %dma_wait3A_109 = tpu.memref_slice %arg7[%mul3A_2] : memref<32768xi32, #tpu.memory_space<hbm>> -> memref<1024xi32, #tpu.memory_space<hbm>>
      tpu.wait_dma2 semaphore(%run_scoped3A : memref<!tpu.dma_semaphore, #tpu.memory_space<semaphore_mem>>) src(%dma_wait3A_109 : memref<1024xi32, #tpu.memory_space<hbm>>) dst(%arg15 : memref<1024xi32, #tpu.memory_space<vmem>>)
      tpu.yield
    }) : () -> ()
    "tpu.region"() ({
      %run_scoped3A = tpu.sem_alloc : memref<!tpu.dma_semaphore, #tpu.memory_space<semaphore_mem>>
      %dma_start3A_106 = tpu.memref_slice %arg8[%mul3A_2] : memref<32768xi32, #tpu.memory_space<hbm>> -> memref<1024xi32, #tpu.memory_space<hbm>>
      %dma_start3A_107 = tpu.memref_slice %arg8[%mul3A_2] : memref<32768xi32, #tpu.memory_space<hbm>> -> memref<1024xi32, #tpu.memory_space<hbm>>
      tpu.enqueue_dma source(%dma_start3A_107 : memref<1024xi32, #tpu.memory_space<hbm>>) target(%arg16 : memref<1024xi32, #tpu.memory_space<vmem>>) target_semaphore(%run_scoped3A : memref<!tpu.dma_semaphore, #tpu.memory_space<semaphore_mem>>)
      %dma_wait3A_108 = tpu.memref_slice %arg8[%mul3A_2] : memref<32768xi32, #tpu.memory_space<hbm>> -> memref<1024xi32, #tpu.memory_space<hbm>>
      %dma_wait3A_109 = tpu.memref_slice %arg8[%mul3A_2] : memref<32768xi32, #tpu.memory_space<hbm>> -> memref<1024xi32, #tpu.memory_space<hbm>>
      tpu.wait_dma2 semaphore(%run_scoped3A : memref<!tpu.dma_semaphore, #tpu.memory_space<semaphore_mem>>) src(%dma_wait3A_109 : memref<1024xi32, #tpu.memory_space<hbm>>) dst(%arg16 : memref<1024xi32, #tpu.memory_space<vmem>>)
      tpu.yield
    }) : () -> ()
    "tpu.region"() ({
      %run_scoped3A = tpu.sem_alloc : memref<!tpu.dma_semaphore, #tpu.memory_space<semaphore_mem>>
      tpu.enqueue_dma source(%arg9 : memref<192xf32, #tpu.memory_space<hbm>>) target(%arg39 : memref<192xf32, #tpu.memory_space<vmem>>) target_semaphore(%run_scoped3A : memref<!tpu.dma_semaphore, #tpu.memory_space<semaphore_mem>>)
      tpu.wait_dma2 semaphore(%run_scoped3A : memref<!tpu.dma_semaphore, #tpu.memory_space<semaphore_mem>>) src(%arg9 : memref<192xf32, #tpu.memory_space<hbm>>) dst(%arg39 : memref<192xf32, #tpu.memory_space<vmem>>)
      tpu.yield
    }) : () -> ()
    "tpu.region"() ({
      %run_scoped3A = tpu.sem_alloc : memref<!tpu.dma_semaphore, #tpu.memory_space<semaphore_mem>>
      tpu.enqueue_dma source(%arg10 : memref<192xf32, #tpu.memory_space<hbm>>) target(%arg40 : memref<192xf32, #tpu.memory_space<vmem>>) target_semaphore(%run_scoped3A : memref<!tpu.dma_semaphore, #tpu.memory_space<semaphore_mem>>)
      tpu.wait_dma2 semaphore(%run_scoped3A : memref<!tpu.dma_semaphore, #tpu.memory_space<semaphore_mem>>) src(%arg10 : memref<192xf32, #tpu.memory_space<hbm>>) dst(%arg40 : memref<192xf32, #tpu.memory_space<vmem>>)
      tpu.yield
    }) : () -> ()
    %scan3A = arith.constant 0 : i32
    %scan3A_3 = arith.constant 0 : i32
    %scan3A_4 = arith.constant 64 : i32
    %scan3A_5 = arith.addi %scan3A_3, %scan3A_4 : i32
    %scan3A_6 = arith.constant 1 : i32
    scf.for %scan3A_106 = %scan3A_3 to %scan3A_5 step %scan3A_6  : i32 {
      %mul3A_107 = arith.constant 16 : i32
      %mul3A_108 = arith.muli %scan3A_106, %mul3A_107 : i32
      %get3A_109 = arith.index_cast %mul3A_108 : i32 to index
      %get3A_110 = tpu.vector_load %arg12[%get3A_109] {strides = array<i32>} : memref<1024xi32, #tpu.memory_space<vmem>>, vector<16xi32>,
      %get3A_111 = arith.index_cast %mul3A_108 : i32 to index
      %get3A_112 = tpu.vector_load %arg13[%get3A_111] {strides = array<i32>} : memref<1024xi32, #tpu.memory_space<vmem>>, vector<16xi32>,
      %get3A_113 = arith.index_cast %mul3A_108 : i32 to index
      %get3A_114 = tpu.vector_load %arg14[%get3A_113] {strides = array<i32>} : memref<1024xi32, #tpu.memory_space<vmem>>, vector<16xi32>,
      %get3A_115 = arith.index_cast %mul3A_108 : i32 to index
      %get3A_116 = tpu.vector_load %arg15[%get3A_115] {strides = array<i32>} : memref<1024xi32, #tpu.memory_space<vmem>>, vector<16xi32>,
      %swap3A = arith.index_cast %mul3A_108 : i32 to index
      %swap3A_117 = tpu.vector_load %arg17[%swap3A] {strides = array<i32>} : memref<1024xi32, #tpu.memory_space<vmem>>, vector<16xi32>,
      tpu.vector_store %arg17[%swap3A], %get3A_110 {strides = array<i32>} : memref<1024xi32, #tpu.memory_space<vmem>>, vector<16xi32>,
      %add3A_118 = arith.constant 1024 : i32
      %add3A_119 = vector.broadcast %add3A_118 : i32 to vector<16xi32>
      %add3A_120 = arith.addi %get3A_112, %add3A_119 : vector<16xi32>
      %swap3A_121 = arith.index_cast %mul3A_108 : i32 to index
      %swap3A_122 = tpu.vector_load %arg18[%swap3A_121] {strides = array<i32>} : memref<1024xi32, #tpu.memory_space<vmem>>, vector<16xi32>,
      tpu.vector_store %arg18[%swap3A_121], %add3A_120 {strides = array<i32>} : memref<1024xi32, #tpu.memory_space<vmem>>, vector<16xi32>,
      %add3A_123 = arith.constant 2048 : i32
      %add3A_124 = vector.broadcast %add3A_123 : i32 to vector<16xi32>
      %add3A_125 = arith.addi %get3A_114, %add3A_124 : vector<16xi32>
      %swap3A_126 = arith.index_cast %mul3A_108 : i32 to index
      %swap3A_127 = tpu.vector_load %arg19[%swap3A_126] {strides = array<i32>} : memref<1024xi32, #tpu.memory_space<vmem>>, vector<16xi32>,
      tpu.vector_store %arg19[%swap3A_126], %add3A_125 {strides = array<i32>} : memref<1024xi32, #tpu.memory_space<vmem>>, vector<16xi32>,
      %add3A_128 = arith.constant 3072 : i32
      %add3A_129 = vector.broadcast %add3A_128 : i32 to vector<16xi32>
      %add3A_130 = arith.addi %get3A_116, %add3A_129 : vector<16xi32>
      %swap3A_131 = arith.index_cast %mul3A_108 : i32 to index
      %swap3A_132 = tpu.vector_load %arg20[%swap3A_131] {strides = array<i32>} : memref<1024xi32, #tpu.memory_space<vmem>>, vector<16xi32>,
      tpu.vector_store %arg20[%swap3A_131], %add3A_130 {strides = array<i32>} : memref<1024xi32, #tpu.memory_space<vmem>>, vector<16xi32>,
      %sub3A = arith.subi %get3A_116, %get3A_112 : vector<16xi32>
      %add3A_133 = arith.constant 4096 : i32
      %add3A_134 = vector.broadcast %add3A_133 : i32 to vector<16xi32>
      %add3A_135 = arith.addi %sub3A, %add3A_134 : vector<16xi32>
      %swap3A_136 = arith.index_cast %mul3A_108 : i32 to index
      %swap3A_137 = tpu.vector_load %arg21[%swap3A_136] {strides = array<i32>} : memref<1024xi32, #tpu.memory_space<vmem>>, vector<16xi32>,
      tpu.vector_store %arg21[%swap3A_136], %add3A_135 {strides = array<i32>} : memref<1024xi32, #tpu.memory_space<vmem>>, vector<16xi32>,
      %sub3A_138 = arith.subi %get3A_114, %get3A_110 : vector<16xi32>
      %add3A_139 = arith.constant 5120 : i32
      %add3A_140 = vector.broadcast %add3A_139 : i32 to vector<16xi32>
      %add3A_141 = arith.addi %sub3A_138, %add3A_140 : vector<16xi32>
      %swap3A_142 = arith.index_cast %mul3A_108 : i32 to index
      %swap3A_143 = tpu.vector_load %arg22[%swap3A_142] {strides = array<i32>} : memref<1024xi32, #tpu.memory_space<vmem>>, vector<16xi32>,
      tpu.vector_store %arg22[%swap3A_142], %add3A_141 {strides = array<i32>} : memref<1024xi32, #tpu.memory_space<vmem>>, vector<16xi32>,
    }
    %scan3A_7 = arith.constant 64 : i32
    %get3A = arith.constant 0 : index
    %get3A_8 = tpu.vector_load %arg39[%get3A] {strides = array<i32>} : memref<192xf32, #tpu.memory_space<vmem>>, vector<16xf32>,
    %get3A_9 = arith.constant 16 : index
    %get3A_10 = tpu.vector_load %arg39[%get3A_9] {strides = array<i32>} : memref<192xf32, #tpu.memory_space<vmem>>, vector<16xf32>,
    %get3A_11 = arith.constant 32 : index
    %get3A_12 = tpu.vector_load %arg39[%get3A_11] {strides = array<i32>} : memref<192xf32, #tpu.memory_space<vmem>>, vector<16xf32>,
    %get3A_13 = arith.constant 48 : index
    %get3A_14 = tpu.vector_load %arg39[%get3A_13] {strides = array<i32>} : memref<192xf32, #tpu.memory_space<vmem>>, vector<16xf32>,
    %get3A_15 = arith.constant 64 : index
    %get3A_16 = tpu.vector_load %arg39[%get3A_15] {strides = array<i32>} : memref<192xf32, #tpu.memory_space<vmem>>, vector<16xf32>,
    %get3A_17 = arith.constant 80 : index
    %get3A_18 = tpu.vector_load %arg39[%get3A_17] {strides = array<i32>} : memref<192xf32, #tpu.memory_space<vmem>>, vector<16xf32>,
    %get3A_19 = arith.constant 96 : index
    %get3A_20 = tpu.vector_load %arg39[%get3A_19] {strides = array<i32>} : memref<192xf32, #tpu.memory_space<vmem>>, vector<16xf32>,
    %get3A_21 = arith.constant 112 : index
    %get3A_22 = tpu.vector_load %arg39[%get3A_21] {strides = array<i32>} : memref<192xf32, #tpu.memory_space<vmem>>, vector<16xf32>,
    %get3A_23 = arith.constant 128 : index
    %get3A_24 = tpu.vector_load %arg39[%get3A_23] {strides = array<i32>} : memref<192xf32, #tpu.memory_space<vmem>>, vector<16xf32>,
    %get3A_25 = arith.constant 144 : index
    %get3A_26 = tpu.vector_load %arg39[%get3A_25] {strides = array<i32>} : memref<192xf32, #tpu.memory_space<vmem>>, vector<16xf32>,
    %get3A_27 = arith.constant 160 : index
    %get3A_28 = tpu.vector_load %arg39[%get3A_27] {strides = array<i32>} : memref<192xf32, #tpu.memory_space<vmem>>, vector<16xf32>,
    %get3A_29 = arith.constant 176 : index
    %get3A_30 = tpu.vector_load %arg39[%get3A_29] {strides = array<i32>} : memref<192xf32, #tpu.memory_space<vmem>>, vector<16xf32>,
    %get3A_31 = arith.constant 0 : index
    %get3A_32 = tpu.vector_load %arg40[%get3A_31] {strides = array<i32>} : memref<192xf32, #tpu.memory_space<vmem>>, vector<16xf32>,
    %get3A_33 = arith.constant 16 : index
    %get3A_34 = tpu.vector_load %arg40[%get3A_33] {strides = array<i32>} : memref<192xf32, #tpu.memory_space<vmem>>, vector<16xf32>,
    %get3A_35 = arith.constant 32 : index
    %get3A_36 = tpu.vector_load %arg40[%get3A_35] {strides = array<i32>} : memref<192xf32, #tpu.memory_space<vmem>>, vector<16xf32>,
    %get3A_37 = arith.constant 48 : index
    %get3A_38 = tpu.vector_load %arg40[%get3A_37] {strides = array<i32>} : memref<192xf32, #tpu.memory_space<vmem>>, vector<16xf32>,
    %get3A_39 = arith.constant 64 : index
    %get3A_40 = tpu.vector_load %arg40[%get3A_39] {strides = array<i32>} : memref<192xf32, #tpu.memory_space<vmem>>, vector<16xf32>,
    %get3A_41 = arith.constant 80 : index
    %get3A_42 = tpu.vector_load %arg40[%get3A_41] {strides = array<i32>} : memref<192xf32, #tpu.memory_space<vmem>>, vector<16xf32>,
    %get3A_43 = arith.constant 96 : index
    %get3A_44 = tpu.vector_load %arg40[%get3A_43] {strides = array<i32>} : memref<192xf32, #tpu.memory_space<vmem>>, vector<16xf32>,
    %get3A_45 = arith.constant 112 : index
    %get3A_46 = tpu.vector_load %arg40[%get3A_45] {strides = array<i32>} : memref<192xf32, #tpu.memory_space<vmem>>, vector<16xf32>,
    %get3A_47 = arith.constant 128 : index
    %get3A_48 = tpu.vector_load %arg40[%get3A_47] {strides = array<i32>} : memref<192xf32, #tpu.memory_space<vmem>>, vector<16xf32>,
    %get3A_49 = arith.constant 144 : index
    %get3A_50 = tpu.vector_load %arg40[%get3A_49] {strides = array<i32>} : memref<192xf32, #tpu.memory_space<vmem>>, vector<16xf32>,
    %get3A_51 = arith.constant 160 : index
    %get3A_52 = tpu.vector_load %arg40[%get3A_51] {strides = array<i32>} : memref<192xf32, #tpu.memory_space<vmem>>, vector<16xf32>,
    %get3A_53 = arith.constant 176 : index
    %get3A_54 = tpu.vector_load %arg40[%get3A_53] {strides = array<i32>} : memref<192xf32, #tpu.memory_space<vmem>>, vector<16xf32>,
    %dma_start3A = arith.constant 0 : i32
    %dma_start3A_55 = tpu.memref_slice %arg17[%dma_start3A] : memref<1024xi32, #tpu.memory_space<vmem>> -> memref<32xi32, #tpu.memory_space<vmem>>
    %dma_start3A_56 = arith.constant 0 : i32
    %dma_start3A_57 = arith.constant 0 : i32
    %dma_start3A_58 = tpu.memref_slice %arg2[%dma_start3A_56, %dma_start3A_57] : memref<6144x192xf32, #tpu.memory_space<hbm>> -> memref<6144x192xf32, #tpu.memory_space<hbm>>
    tpu.enqueue_indirect_dma source(%dma_start3A_58 : memref<6144x192xf32, #tpu.memory_space<hbm>>) target(%arg23 : memref<32x192xf32, #tpu.memory_space<vmem>>) offsets(%dma_start3A_55 : memref<32xi32, #tpu.memory_space<vmem>>) semaphore(%arg41 : memref<!tpu.dma_semaphore, #tpu.memory_space<semaphore_mem>>)
    %dma_start3A_59 = arith.constant 0 : i32
    %dma_start3A_60 = tpu.memref_slice %arg18[%dma_start3A_59] : memref<1024xi32, #tpu.memory_space<vmem>> -> memref<32xi32, #tpu.memory_space<vmem>>
    %dma_start3A_61 = arith.constant 0 : i32
    %dma_start3A_62 = arith.constant 0 : i32
    %dma_start3A_63 = tpu.memref_slice %arg2[%dma_start3A_61, %dma_start3A_62] : memref<6144x192xf32, #tpu.memory_space<hbm>> -> memref<6144x192xf32, #tpu.memory_space<hbm>>
    tpu.enqueue_indirect_dma source(%dma_start3A_63 : memref<6144x192xf32, #tpu.memory_space<hbm>>) target(%arg24 : memref<32x192xf32, #tpu.memory_space<vmem>>) offsets(%dma_start3A_60 : memref<32xi32, #tpu.memory_space<vmem>>) semaphore(%arg41 : memref<!tpu.dma_semaphore, #tpu.memory_space<semaphore_mem>>)
    %dma_start3A_64 = arith.constant 0 : i32
    %dma_start3A_65 = tpu.memref_slice %arg19[%dma_start3A_64] : memref<1024xi32, #tpu.memory_space<vmem>> -> memref<32xi32, #tpu.memory_space<vmem>>
    %dma_start3A_66 = arith.constant 0 : i32
    %dma_start3A_67 = arith.constant 0 : i32
    %dma_start3A_68 = tpu.memref_slice %arg2[%dma_start3A_66, %dma_start3A_67] : memref<6144x192xf32, #tpu.memory_space<hbm>> -> memref<6144x192xf32, #tpu.memory_space<hbm>>
    tpu.enqueue_indirect_dma source(%dma_start3A_68 : memref<6144x192xf32, #tpu.memory_space<hbm>>) target(%arg25 : memref<32x192xf32, #tpu.memory_space<vmem>>) offsets(%dma_start3A_65 : memref<32xi32, #tpu.memory_space<vmem>>) semaphore(%arg41 : memref<!tpu.dma_semaphore, #tpu.memory_space<semaphore_mem>>)
    %dma_start3A_69 = arith.constant 0 : i32
    %dma_start3A_70 = tpu.memref_slice %arg20[%dma_start3A_69] : memref<1024xi32, #tpu.memory_space<vmem>> -> memref<32xi32, #tpu.memory_space<vmem>>
    %dma_start3A_71 = arith.constant 0 : i32
    %dma_start3A_72 = arith.constant 0 : i32
    %dma_start3A_73 = tpu.memref_slice %arg2[%dma_start3A_71, %dma_start3A_72] : memref<6144x192xf32, #tpu.memory_space<hbm>> -> memref<6144x192xf32, #tpu.memory_space<hbm>>
    tpu.enqueue_indirect_dma source(%dma_start3A_73 : memref<6144x192xf32, #tpu.memory_space<hbm>>) target(%arg26 : memref<32x192xf32, #tpu.memory_space<vmem>>) offsets(%dma_start3A_70 : memref<32xi32, #tpu.memory_space<vmem>>) semaphore(%arg41 : memref<!tpu.dma_semaphore, #tpu.memory_space<semaphore_mem>>)
    %dma_start3A_74 = arith.constant 0 : i32
    %dma_start3A_75 = tpu.memref_slice %arg21[%dma_start3A_74] : memref<1024xi32, #tpu.memory_space<vmem>> -> memref<32xi32, #tpu.memory_space<vmem>>
    %dma_start3A_76 = arith.constant 0 : i32
    %dma_start3A_77 = arith.constant 0 : i32
    %dma_start3A_78 = tpu.memref_slice %arg2[%dma_start3A_76, %dma_start3A_77] : memref<6144x192xf32, #tpu.memory_space<hbm>> -> memref<6144x192xf32, #tpu.memory_space<hbm>>
    tpu.enqueue_indirect_dma source(%dma_start3A_78 : memref<6144x192xf32, #tpu.memory_space<hbm>>) target(%arg27 : memref<32x192xf32, #tpu.memory_space<vmem>>) offsets(%dma_start3A_75 : memref<32xi32, #tpu.memory_space<vmem>>) semaphore(%arg41 : memref<!tpu.dma_semaphore, #tpu.memory_space<semaphore_mem>>)
    %dma_start3A_79 = arith.constant 0 : i32
    %dma_start3A_80 = tpu.memref_slice %arg22[%dma_start3A_79] : memref<1024xi32, #tpu.memory_space<vmem>> -> memref<32xi32, #tpu.memory_space<vmem>>
    %dma_start3A_81 = arith.constant 0 : i32
    %dma_start3A_82 = arith.constant 0 : i32
    %dma_start3A_83 = tpu.memref_slice %arg2[%dma_start3A_81, %dma_start3A_82] : memref<6144x192xf32, #tpu.memory_space<hbm>> -> memref<6144x192xf32, #tpu.memory_space<hbm>>
    tpu.enqueue_indirect_dma source(%dma_start3A_83 : memref<6144x192xf32, #tpu.memory_space<hbm>>) target(%arg28 : memref<32x192xf32, #tpu.memory_space<vmem>>) offsets(%dma_start3A_80 : memref<32xi32, #tpu.memory_space<vmem>>) semaphore(%arg41 : memref<!tpu.dma_semaphore, #tpu.memory_space<semaphore_mem>>)
    %dma_start3A_84 = arith.constant 0 : i32
    %dma_start3A_85 = tpu.memref_slice %arg16[%dma_start3A_84] : memref<1024xi32, #tpu.memory_space<vmem>> -> memref<32xi32, #tpu.memory_space<vmem>>
    %dma_start3A_86 = arith.constant 0 : i32
    %dma_start3A_87 = arith.constant 0 : i32
    %dma_start3A_88 = tpu.memref_slice %arg3[%dma_start3A_86, %dma_start3A_87] : memref<8192x192xf32, #tpu.memory_space<hbm>> -> memref<8192x192xf32, #tpu.memory_space<hbm>>
    tpu.enqueue_indirect_dma source(%dma_start3A_88 : memref<8192x192xf32, #tpu.memory_space<hbm>>) target(%arg29 : memref<32x192xf32, #tpu.memory_space<vmem>>) offsets(%dma_start3A_85 : memref<32xi32, #tpu.memory_space<vmem>>) semaphore(%arg41 : memref<!tpu.dma_semaphore, #tpu.memory_space<semaphore_mem>>)
    %scan3A_89 = arith.constant 0 : i32
    %scan3A_90 = arith.constant 0 : i32
    %scan3A_91 = arith.constant 16 : i32
    %scan3A_92 = arith.addi %scan3A_90, %scan3A_91 : i32
    %scan3A_93 = arith.constant 1 : i32
    scf.for %scan3A_106 = %scan3A_90 to %scan3A_92 step %scan3A_93  : i32 {
      %mul3A_107 = arith.constant 2 : i32
      %mul3A_108 = arith.muli %mul3A_107, %scan3A_106 : i32
      %add3A_109 = arith.constant 1 : i32
      %add3A_110 = arith.addi %mul3A_108, %add3A_109 : i32
      %mul3A_111 = arith.constant 32 : i32
      %mul3A_112 = arith.muli %add3A_110, %mul3A_111 : i32
      %dma_start3A_113 = tpu.memref_slice %arg17[%mul3A_112] : memref<1024xi32, #tpu.memory_space<vmem>> -> memref<32xi32, #tpu.memory_space<vmem>>
      %dma_start3A_114 = arith.constant 0 : i32
      %dma_start3A_115 = arith.constant 0 : i32
      %dma_start3A_116 = tpu.memref_slice %arg2[%dma_start3A_114, %dma_start3A_115] : memref<6144x192xf32, #tpu.memory_space<hbm>> -> memref<6144x192xf32, #tpu.memory_space<hbm>>
      tpu.enqueue_indirect_dma source(%dma_start3A_116 : memref<6144x192xf32, #tpu.memory_space<hbm>>) target(%arg30 : memref<32x192xf32, #tpu.memory_space<vmem>>) offsets(%dma_start3A_113 : memref<32xi32, #tpu.memory_space<vmem>>) semaphore(%arg42 : memref<!tpu.dma_semaphore, #tpu.memory_space<semaphore_mem>>)
      %dma_start3A_117 = tpu.memref_slice %arg18[%mul3A_112] : memref<1024xi32, #tpu.memory_space<vmem>> -> memref<32xi32, #tpu.memory_space<vmem>>
      %dma_start3A_118 = arith.constant 0 : i32
      %dma_start3A_119 = arith.constant 0 : i32
      %dma_start3A_120 = tpu.memref_slice %arg2[%dma_start3A_118, %dma_start3A_119] : memref<6144x192xf32, #tpu.memory_space<hbm>> -> memref<6144x192xf32, #tpu.memory_space<hbm>>
      tpu.enqueue_indirect_dma source(%dma_start3A_120 : memref<6144x192xf32, #tpu.memory_space<hbm>>) target(%arg31 : memref<32x192xf32, #tpu.memory_space<vmem>>) offsets(%dma_start3A_117 : memref<32xi32, #tpu.memory_space<vmem>>) semaphore(%arg42 : memref<!tpu.dma_semaphore, #tpu.memory_space<semaphore_mem>>)
      %dma_start3A_121 = tpu.memref_slice %arg19[%mul3A_112] : memref<1024xi32, #tpu.memory_space<vmem>> -> memref<32xi32, #tpu.memory_space<vmem>>
      %dma_start3A_122 = arith.constant 0 : i32
      %dma_start3A_123 = arith.constant 0 : i32
      %dma_start3A_124 = tpu.memref_slice %arg2[%dma_start3A_122, %dma_start3A_123] : memref<6144x192xf32, #tpu.memory_space<hbm>> -> memref<6144x192xf32, #tpu.memory_space<hbm>>
      tpu.enqueue_indirect_dma source(%dma_start3A_124 : memref<6144x192xf32, #tpu.memory_space<hbm>>) target(%arg32 : memref<32x192xf32, #tpu.memory_space<vmem>>) offsets(%dma_start3A_121 : memref<32xi32, #tpu.memory_space<vmem>>) semaphore(%arg42 : memref<!tpu.dma_semaphore, #tpu.memory_space<semaphore_mem>>)
      %dma_start3A_125 = tpu.memref_slice %arg20[%mul3A_112] : memref<1024xi32, #tpu.memory_space<vmem>> -> memref<32xi32, #tpu.memory_space<vmem>>
      %dma_start3A_126 = arith.constant 0 : i32
      %dma_start3A_127 = arith.constant 0 : i32
      %dma_start3A_128 = tpu.memref_slice %arg2[%dma_start3A_126, %dma_start3A_127] : memref<6144x192xf32, #tpu.memory_space<hbm>> -> memref<6144x192xf32, #tpu.memory_space<hbm>>
      tpu.enqueue_indirect_dma source(%dma_start3A_128 : memref<6144x192xf32, #tpu.memory_space<hbm>>) target(%arg33 : memref<32x192xf32, #tpu.memory_space<vmem>>) offsets(%dma_start3A_125 : memref<32xi32, #tpu.memory_space<vmem>>) semaphore(%arg42 : memref<!tpu.dma_semaphore, #tpu.memory_space<semaphore_mem>>)
      %dma_start3A_129 = tpu.memref_slice %arg21[%mul3A_112] : memref<1024xi32, #tpu.memory_space<vmem>> -> memref<32xi32, #tpu.memory_space<vmem>>
      %dma_start3A_130 = arith.constant 0 : i32
      %dma_start3A_131 = arith.constant 0 : i32
      %dma_start3A_132 = tpu.memref_slice %arg2[%dma_start3A_130, %dma_start3A_131] : memref<6144x192xf32, #tpu.memory_space<hbm>> -> memref<6144x192xf32, #tpu.memory_space<hbm>>
      tpu.enqueue_indirect_dma source(%dma_start3A_132 : memref<6144x192xf32, #tpu.memory_space<hbm>>) target(%arg34 : memref<32x192xf32, #tpu.memory_space<vmem>>) offsets(%dma_start3A_129 : memref<32xi32, #tpu.memory_space<vmem>>) semaphore(%arg42 : memref<!tpu.dma_semaphore, #tpu.memory_space<semaphore_mem>>)
      %dma_start3A_133 = tpu.memref_slice %arg22[%mul3A_112] : memref<1024xi32, #tpu.memory_space<vmem>> -> memref<32xi32, #tpu.memory_space<vmem>>
      %dma_start3A_134 = arith.constant 0 : i32
      %dma_start3A_135 = arith.constant 0 : i32
      %dma_start3A_136 = tpu.memref_slice %arg2[%dma_start3A_134, %dma_start3A_135] : memref<6144x192xf32, #tpu.memory_space<hbm>> -> memref<6144x192xf32, #tpu.memory_space<hbm>>
      tpu.enqueue_indirect_dma source(%dma_start3A_136 : memref<6144x192xf32, #tpu.memory_space<hbm>>) target(%arg35 : memref<32x192xf32, #tpu.memory_space<vmem>>) offsets(%dma_start3A_133 : memref<32xi32, #tpu.memory_space<vmem>>) semaphore(%arg42 : memref<!tpu.dma_semaphore, #tpu.memory_space<semaphore_mem>>)
      %dma_start3A_137 = tpu.memref_slice %arg16[%mul3A_112] : memref<1024xi32, #tpu.memory_space<vmem>> -> memref<32xi32, #tpu.memory_space<vmem>>
      %dma_start3A_138 = arith.constant 0 : i32
      %dma_start3A_139 = arith.constant 0 : i32
      %dma_start3A_140 = tpu.memref_slice %arg3[%dma_start3A_138, %dma_start3A_139] : memref<8192x192xf32, #tpu.memory_space<hbm>> -> memref<8192x192xf32, #tpu.memory_space<hbm>>
      tpu.enqueue_indirect_dma source(%dma_start3A_140 : memref<8192x192xf32, #tpu.memory_space<hbm>>) target(%arg36 : memref<32x192xf32, #tpu.memory_space<vmem>>) offsets(%dma_start3A_137 : memref<32xi32, #tpu.memory_space<vmem>>) semaphore(%arg42 : memref<!tpu.dma_semaphore, #tpu.memory_space<semaphore_mem>>)
      %dma_wait3A_141 = arith.constant 0 : i32
      %dma_wait3A_142 = arith.constant 0 : i32
      %dma_wait3A_143 = tpu.memref_slice %arg2[%dma_wait3A_141, %dma_wait3A_142] : memref<6144x192xf32, #tpu.memory_space<hbm>> -> memref<32x192xf32, #tpu.memory_space<hbm>>
      %dma_wait3A_144 = arith.constant 0 : i32
      %dma_wait3A_145 = arith.constant 0 : i32
      %dma_wait3A_146 = tpu.memref_slice %arg2[%dma_wait3A_144, %dma_wait3A_145] : memref<6144x192xf32, #tpu.memory_space<hbm>> -> memref<32x192xf32, #tpu.memory_space<hbm>>
      tpu.wait_dma2 semaphore(%arg41 : memref<!tpu.dma_semaphore, #tpu.memory_space<semaphore_mem>>) src(%dma_wait3A_146 : memref<32x192xf32, #tpu.memory_space<hbm>>) dst(%arg23 : memref<32x192xf32, #tpu.memory_space<vmem>>)
      %dma_wait3A_147 = arith.constant 0 : i32
      %dma_wait3A_148 = arith.constant 0 : i32
      %dma_wait3A_149 = tpu.memref_slice %arg2[%dma_wait3A_147, %dma_wait3A_148] : memref<6144x192xf32, #tpu.memory_space<hbm>> -> memref<32x192xf32, #tpu.memory_space<hbm>>
      %dma_wait3A_150 = arith.constant 0 : i32
      %dma_wait3A_151 = arith.constant 0 : i32
      %dma_wait3A_152 = tpu.memref_slice %arg2[%dma_wait3A_150, %dma_wait3A_151] : memref<6144x192xf32, #tpu.memory_space<hbm>> -> memref<32x192xf32, #tpu.memory_space<hbm>>
      tpu.wait_dma2 semaphore(%arg41 : memref<!tpu.dma_semaphore, #tpu.memory_space<semaphore_mem>>) src(%dma_wait3A_152 : memref<32x192xf32, #tpu.memory_space<hbm>>) dst(%arg24 : memref<32x192xf32, #tpu.memory_space<vmem>>)
      %dma_wait3A_153 = arith.constant 0 : i32
      %dma_wait3A_154 = arith.constant 0 : i32
      %dma_wait3A_155 = tpu.memref_slice %arg2[%dma_wait3A_153, %dma_wait3A_154] : memref<6144x192xf32, #tpu.memory_space<hbm>> -> memref<32x192xf32, #tpu.memory_space<hbm>>
      %dma_wait3A_156 = arith.constant 0 : i32
      %dma_wait3A_157 = arith.constant 0 : i32
      %dma_wait3A_158 = tpu.memref_slice %arg2[%dma_wait3A_156, %dma_wait3A_157] : memref<6144x192xf32, #tpu.memory_space<hbm>> -> memref<32x192xf32, #tpu.memory_space<hbm>>
      tpu.wait_dma2 semaphore(%arg41 : memref<!tpu.dma_semaphore, #tpu.memory_space<semaphore_mem>>) src(%dma_wait3A_158 : memref<32x192xf32, #tpu.memory_space<hbm>>) dst(%arg25 : memref<32x192xf32, #tpu.memory_space<vmem>>)
      %dma_wait3A_159 = arith.constant 0 : i32
      %dma_wait3A_160 = arith.constant 0 : i32
      %dma_wait3A_161 = tpu.memref_slice %arg2[%dma_wait3A_159, %dma_wait3A_160] : memref<6144x192xf32, #tpu.memory_space<hbm>> -> memref<32x192xf32, #tpu.memory_space<hbm>>
      %dma_wait3A_162 = arith.constant 0 : i32
      %dma_wait3A_163 = arith.constant 0 : i32
      %dma_wait3A_164 = tpu.memref_slice %arg2[%dma_wait3A_162, %dma_wait3A_163] : memref<6144x192xf32, #tpu.memory_space<hbm>> -> memref<32x192xf32, #tpu.memory_space<hbm>>
      tpu.wait_dma2 semaphore(%arg41 : memref<!tpu.dma_semaphore, #tpu.memory_space<semaphore_mem>>) src(%dma_wait3A_164 : memref<32x192xf32, #tpu.memory_space<hbm>>) dst(%arg26 : memref<32x192xf32, #tpu.memory_space<vmem>>)
      %dma_wait3A_165 = arith.constant 0 : i32
      %dma_wait3A_166 = arith.constant 0 : i32
      %dma_wait3A_167 = tpu.memref_slice %arg2[%dma_wait3A_165, %dma_wait3A_166] : memref<6144x192xf32, #tpu.memory_space<hbm>> -> memref<32x192xf32, #tpu.memory_space<hbm>>
      %dma_wait3A_168 = arith.constant 0 : i32
      %dma_wait3A_169 = arith.constant 0 : i32
      %dma_wait3A_170 = tpu.memref_slice %arg2[%dma_wait3A_168, %dma_wait3A_169] : memref<6144x192xf32, #tpu.memory_space<hbm>> -> memref<32x192xf32, #tpu.memory_space<hbm>>
      tpu.wait_dma2 semaphore(%arg41 : memref<!tpu.dma_semaphore, #tpu.memory_space<semaphore_mem>>) src(%dma_wait3A_170 : memref<32x192xf32, #tpu.memory_space<hbm>>) dst(%arg27 : memref<32x192xf32, #tpu.memory_space<vmem>>)
      %dma_wait3A_171 = arith.constant 0 : i32
      %dma_wait3A_172 = arith.constant 0 : i32
      %dma_wait3A_173 = tpu.memref_slice %arg2[%dma_wait3A_171, %dma_wait3A_172] : memref<6144x192xf32, #tpu.memory_space<hbm>> -> memref<32x192xf32, #tpu.memory_space<hbm>>
      %dma_wait3A_174 = arith.constant 0 : i32
      %dma_wait3A_175 = arith.constant 0 : i32
      %dma_wait3A_176 = tpu.memref_slice %arg2[%dma_wait3A_174, %dma_wait3A_175] : memref<6144x192xf32, #tpu.memory_space<hbm>> -> memref<32x192xf32, #tpu.memory_space<hbm>>
      tpu.wait_dma2 semaphore(%arg41 : memref<!tpu.dma_semaphore, #tpu.memory_space<semaphore_mem>>) src(%dma_wait3A_176 : memref<32x192xf32, #tpu.memory_space<hbm>>) dst(%arg28 : memref<32x192xf32, #tpu.memory_space<vmem>>)
      %dma_wait3A_177 = arith.constant 0 : i32
      %dma_wait3A_178 = arith.constant 0 : i32
      %dma_wait3A_179 = tpu.memref_slice %arg2[%dma_wait3A_177, %dma_wait3A_178] : memref<6144x192xf32, #tpu.memory_space<hbm>> -> memref<32x192xf32, #tpu.memory_space<hbm>>
      %dma_wait3A_180 = arith.constant 0 : i32
      %dma_wait3A_181 = arith.constant 0 : i32
      %dma_wait3A_182 = tpu.memref_slice %arg2[%dma_wait3A_180, %dma_wait3A_181] : memref<6144x192xf32, #tpu.memory_space<hbm>> -> memref<32x192xf32, #tpu.memory_space<hbm>>
      tpu.wait_dma2 semaphore(%arg41 : memref<!tpu.dma_semaphore, #tpu.memory_space<semaphore_mem>>) src(%dma_wait3A_182 : memref<32x192xf32, #tpu.memory_space<hbm>>) dst(%arg29 : memref<32x192xf32, #tpu.memory_space<vmem>>)
      %ge3A = arith.constant 2 : i32
      %ge3A_183 = arith.cmpi sge, %mul3A_108, %ge3A : i32
      %convert_element_type3A = arith.extui %ge3A_183 : i1 to i32
      %cond3A = arith.constant 0 : i32
      %cond3A_184 = arith.cmpi ne, %convert_element_type3A, %cond3A : i32
      scf.if %cond3A_184 {
        %sub3A = arith.constant 2 : i32
        %sub3A_266 = arith.subi %mul3A_108, %sub3A : i32
        %mul3A_267 = arith.constant 32 : i32
        %mul3A_268 = arith.muli %sub3A_266, %mul3A_267 : i32
        %add3A_269 = arith.addi %mul3A_2, %mul3A_268 : i32
        %dma_wait3A_270 = arith.constant 0 : i32
        %dma_wait3A_271 = tpu.memref_slice %arg11[%add3A_269, %dma_wait3A_270] : memref<32768x192xf32, #tpu.memory_space<hbm>> -> memref<32x192xf32, #tpu.memory_space<hbm>>
        %dma_wait3A_272 = arith.constant 0 : i32
        %dma_wait3A_273 = tpu.memref_slice %arg11[%add3A_269, %dma_wait3A_272] : memref<32768x192xf32, #tpu.memory_space<hbm>> -> memref<32x192xf32, #tpu.memory_space<hbm>>
        tpu.wait_dma2 semaphore(%arg43 : memref<!tpu.dma_semaphore, #tpu.memory_space<semaphore_mem>>) src(%arg37 : memref<32x192xf32, #tpu.memory_space<vmem>>) dst(%dma_wait3A_273 : memref<32x192xf32, #tpu.memory_space<hbm>>)
      } else {
      }
      %scan3A_185 = arith.constant 0 : i32
      %scan3A_186 = arith.constant 0 : i32
      %scan3A_187 = arith.constant 32 : i32
      %scan3A_188 = arith.addi %scan3A_186, %scan3A_187 : i32
      %scan3A_189 = arith.constant 1 : i32
      scf.for %scan3A_266 = %scan3A_186 to %scan3A_188 step %scan3A_189  : i32 {
        %broadcast_in_dim3A = arith.constant 0.000000e+00 : f32
        %broadcast_in_dim3A_267 = vector.broadcast %broadcast_in_dim3A : f32 to vector<16xf32>
        %broadcast_in_dim3A_268 = arith.constant 0.000000e+00 : f32
        %broadcast_in_dim3A_269 = vector.broadcast %broadcast_in_dim3A_268 : f32 to vector<16xf32>
        %get3A_270 = arith.index_cast %scan3A_266 : i32 to index
        %get3A_271 = arith.constant 0 : index
        %get3A_272 = tpu.vector_load %arg23[%get3A_270, %get3A_271] {strides = array<i32>} : memref<32x192xf32, #tpu.memory_space<vmem>>, vector<16xf32>,
        %get3A_273 = arith.index_cast %scan3A_266 : i32 to index
        %get3A_274 = arith.constant 0 : index
        %get3A_275 = tpu.vector_load %arg24[%get3A_273, %get3A_274] {strides = array<i32>} : memref<32x192xf32, #tpu.memory_space<vmem>>, vector<16xf32>,
        %add3A_276 = arith.addf %get3A_272, %get3A_275 : vector<16xf32>
        %get3A_277 = arith.index_cast %scan3A_266 : i32 to index
        %get3A_278 = arith.constant 0 : index
        %get3A_279 = tpu.vector_load %arg25[%get3A_277, %get3A_278] {strides = array<i32>} : memref<32x192xf32, #tpu.memory_space<vmem>>, vector<16xf32>,
        %add3A_280 = arith.addf %add3A_276, %get3A_279 : vector<16xf32>
        %get3A_281 = arith.index_cast %scan3A_266 : i32 to index
        %get3A_282 = arith.constant 0 : index
        %get3A_283 = tpu.vector_load %arg26[%get3A_281, %get3A_282] {strides = array<i32>} : memref<32x192xf32, #tpu.memory_space<vmem>>, vector<16xf32>,
        %add3A_284 = arith.addf %add3A_280, %get3A_283 : vector<16xf32>
        %get3A_285 = arith.index_cast %scan3A_266 : i32 to index
        %get3A_286 = arith.constant 0 : index
        %get3A_287 = tpu.vector_load %arg27[%get3A_285, %get3A_286] {strides = array<i32>} : memref<32x192xf32, #tpu.memory_space<vmem>>, vector<16xf32>,
        %add3A_288 = arith.addf %add3A_284, %get3A_287 : vector<16xf32>
        %get3A_289 = arith.index_cast %scan3A_266 : i32 to index
        %get3A_290 = arith.constant 0 : index
        %get3A_291 = tpu.vector_load %arg28[%get3A_289, %get3A_290] {strides = array<i32>} : memref<32x192xf32, #tpu.memory_space<vmem>>, vector<16xf32>,
        %add3A_292 = arith.addf %add3A_288, %get3A_291 : vector<16xf32>
        %get3A_293 = arith.index_cast %scan3A_266 : i32 to index
        %get3A_294 = arith.constant 0 : index
        %get3A_295 = tpu.vector_load %arg29[%get3A_293, %get3A_294] {strides = array<i32>} : memref<32x192xf32, #tpu.memory_space<vmem>>, vector<16xf32>,
        %add3A_296 = arith.addf %add3A_292, %get3A_295 : vector<16xf32>
        %add3A_297 = arith.addf %broadcast_in_dim3A_267, %add3A_296 : vector<16xf32>
        %mul3A_298 = arith.mulf %add3A_296, %add3A_296 : vector<16xf32>
        %add3A_299 = arith.addf %broadcast_in_dim3A_269, %mul3A_298 : vector<16xf32>
        %get3A_300 = arith.index_cast %scan3A_266 : i32 to index
        %get3A_301 = arith.constant 16 : index
        %get3A_302 = tpu.vector_load %arg23[%get3A_300, %get3A_301] {strides = array<i32>} : memref<32x192xf32, #tpu.memory_space<vmem>>, vector<16xf32>,
        %get3A_303 = arith.index_cast %scan3A_266 : i32 to index
        %get3A_304 = arith.constant 16 : index
        %get3A_305 = tpu.vector_load %arg24[%get3A_303, %get3A_304] {strides = array<i32>} : memref<32x192xf32, #tpu.memory_space<vmem>>, vector<16xf32>,
        %add3A_306 = arith.addf %get3A_302, %get3A_305 : vector<16xf32>
        %get3A_307 = arith.index_cast %scan3A_266 : i32 to index
        %get3A_308 = arith.constant 16 : index
        %get3A_309 = tpu.vector_load %arg25[%get3A_307, %get3A_308] {strides = array<i32>} : memref<32x192xf32, #tpu.memory_space<vmem>>, vector<16xf32>,
        %add3A_310 = arith.addf %add3A_306, %get3A_309 : vector<16xf32>
        %get3A_311 = arith.index_cast %scan3A_266 : i32 to index
        %get3A_312 = arith.constant 16 : index
        %get3A_313 = tpu.vector_load %arg26[%get3A_311, %get3A_312] {strides = array<i32>} : memref<32x192xf32, #tpu.memory_space<vmem>>, vector<16xf32>,
        %add3A_314 = arith.addf %add3A_310, %get3A_313 : vector<16xf32>
        %get3A_315 = arith.index_cast %scan3A_266 : i32 to index
        %get3A_316 = arith.constant 16 : index
        %get3A_317 = tpu.vector_load %arg27[%get3A_315, %get3A_316] {strides = array<i32>} : memref<32x192xf32, #tpu.memory_space<vmem>>, vector<16xf32>,
        %add3A_318 = arith.addf %add3A_314, %get3A_317 : vector<16xf32>
        %get3A_319 = arith.index_cast %scan3A_266 : i32 to index
        %get3A_320 = arith.constant 16 : index
        %get3A_321 = tpu.vector_load %arg28[%get3A_319, %get3A_320] {strides = array<i32>} : memref<32x192xf32, #tpu.memory_space<vmem>>, vector<16xf32>,
        %add3A_322 = arith.addf %add3A_318, %get3A_321 : vector<16xf32>
        %get3A_323 = arith.index_cast %scan3A_266 : i32 to index
        %get3A_324 = arith.constant 16 : index
        %get3A_325 = tpu.vector_load %arg29[%get3A_323, %get3A_324] {strides = array<i32>} : memref<32x192xf32, #tpu.memory_space<vmem>>, vector<16xf32>,
        %add3A_326 = arith.addf %add3A_322, %get3A_325 : vector<16xf32>
        %add3A_327 = arith.addf %add3A_297, %add3A_326 : vector<16xf32>
        %mul3A_328 = arith.mulf %add3A_326, %add3A_326 : vector<16xf32>
        %add3A_329 = arith.addf %add3A_299, %mul3A_328 : vector<16xf32>
        %get3A_330 = arith.index_cast %scan3A_266 : i32 to index
        %get3A_331 = arith.constant 32 : index
        %get3A_332 = tpu.vector_load %arg23[%get3A_330, %get3A_331] {strides = array<i32>} : memref<32x192xf32, #tpu.memory_space<vmem>>, vector<16xf32>,
        %get3A_333 = arith.index_cast %scan3A_266 : i32 to index
        %get3A_334 = arith.constant 32 : index
        %get3A_335 = tpu.vector_load %arg24[%get3A_333, %get3A_334] {strides = array<i32>} : memref<32x192xf32, #tpu.memory_space<vmem>>, vector<16xf32>,
        %add3A_336 = arith.addf %get3A_332, %get3A_335 : vector<16xf32>
        %get3A_337 = arith.index_cast %scan3A_266 : i32 to index
        %get3A_338 = arith.constant 32 : index
        %get3A_339 = tpu.vector_load %arg25[%get3A_337, %get3A_338] {strides = array<i32>} : memref<32x192xf32, #tpu.memory_space<vmem>>, vector<16xf32>,
        %add3A_340 = arith.addf %add3A_336, %get3A_339 : vector<16xf32>
        %get3A_341 = arith.index_cast %scan3A_266 : i32 to index
        %get3A_342 = arith.constant 32 : index
        %get3A_343 = tpu.vector_load %arg26[%get3A_341, %get3A_342] {strides = array<i32>} : memref<32x192xf32, #tpu.memory_space<vmem>>, vector<16xf32>,
        %add3A_344 = arith.addf %add3A_340, %get3A_343 : vector<16xf32>
        %get3A_345 = arith.index_cast %scan3A_266 : i32 to index
        %get3A_346 = arith.constant 32 : index
        %get3A_347 = tpu.vector_load %arg27[%get3A_345, %get3A_346] {strides = array<i32>} : memref<32x192xf32, #tpu.memory_space<vmem>>, vector<16xf32>,
        %add3A_348 = arith.addf %add3A_344, %get3A_347 : vector<16xf32>
        %get3A_349 = arith.index_cast %scan3A_266 : i32 to index
        %get3A_350 = arith.constant 32 : index
        %get3A_351 = tpu.vector_load %arg28[%get3A_349, %get3A_350] {strides = array<i32>} : memref<32x192xf32, #tpu.memory_space<vmem>>, vector<16xf32>,
        %add3A_352 = arith.addf %add3A_348, %get3A_351 : vector<16xf32>
        %get3A_353 = arith.index_cast %scan3A_266 : i32 to index
        %get3A_354 = arith.constant 32 : index
        %get3A_355 = tpu.vector_load %arg29[%get3A_353, %get3A_354] {strides = array<i32>} : memref<32x192xf32, #tpu.memory_space<vmem>>, vector<16xf32>,
        %add3A_356 = arith.addf %add3A_352, %get3A_355 : vector<16xf32>
        %add3A_357 = arith.addf %add3A_327, %add3A_356 : vector<16xf32>
        %mul3A_358 = arith.mulf %add3A_356, %add3A_356 : vector<16xf32>
        %add3A_359 = arith.addf %add3A_329, %mul3A_358 : vector<16xf32>
        %get3A_360 = arith.index_cast %scan3A_266 : i32 to index
        %get3A_361 = arith.constant 48 : index
        %get3A_362 = tpu.vector_load %arg23[%get3A_360, %get3A_361] {strides = array<i32>} : memref<32x192xf32, #tpu.memory_space<vmem>>, vector<16xf32>,
        %get3A_363 = arith.index_cast %scan3A_266 : i32 to index
        %get3A_364 = arith.constant 48 : index
        %get3A_365 = tpu.vector_load %arg24[%get3A_363, %get3A_364] {strides = array<i32>} : memref<32x192xf32, #tpu.memory_space<vmem>>, vector<16xf32>,
        %add3A_366 = arith.addf %get3A_362, %get3A_365 : vector<16xf32>
        %get3A_367 = arith.index_cast %scan3A_266 : i32 to index
        %get3A_368 = arith.constant 48 : index
        %get3A_369 = tpu.vector_load %arg25[%get3A_367, %get3A_368] {strides = array<i32>} : memref<32x192xf32, #tpu.memory_space<vmem>>, vector<16xf32>,
        %add3A_370 = arith.addf %add3A_366, %get3A_369 : vector<16xf32>
        %get3A_371 = arith.index_cast %scan3A_266 : i32 to index
        %get3A_372 = arith.constant 48 : index
        %get3A_373 = tpu.vector_load %arg26[%get3A_371, %get3A_372] {strides = array<i32>} : memref<32x192xf32, #tpu.memory_space<vmem>>, vector<16xf32>,
        %add3A_374 = arith.addf %add3A_370, %get3A_373 : vector<16xf32>
        %get3A_375 = arith.index_cast %scan3A_266 : i32 to index
        %get3A_376 = arith.constant 48 : index
        %get3A_377 = tpu.vector_load %arg27[%get3A_375, %get3A_376] {strides = array<i32>} : memref<32x192xf32, #tpu.memory_space<vmem>>, vector<16xf32>,
        %add3A_378 = arith.addf %add3A_374, %get3A_377 : vector<16xf32>
        %get3A_379 = arith.index_cast %scan3A_266 : i32 to index
        %get3A_380 = arith.constant 48 : index
        %get3A_381 = tpu.vector_load %arg28[%get3A_379, %get3A_380] {strides = array<i32>} : memref<32x192xf32, #tpu.memory_space<vmem>>, vector<16xf32>,
        %add3A_382 = arith.addf %add3A_378, %get3A_381 : vector<16xf32>
        %get3A_383 = arith.index_cast %scan3A_266 : i32 to index
        %get3A_384 = arith.constant 48 : index
        %get3A_385 = tpu.vector_load %arg29[%get3A_383, %get3A_384] {strides = array<i32>} : memref<32x192xf32, #tpu.memory_space<vmem>>, vector<16xf32>,
        %add3A_386 = arith.addf %add3A_382, %get3A_385 : vector<16xf32>
        %add3A_387 = arith.addf %add3A_357, %add3A_386 : vector<16xf32>
        %mul3A_388 = arith.mulf %add3A_386, %add3A_386 : vector<16xf32>
        %add3A_389 = arith.addf %add3A_359, %mul3A_388 : vector<16xf32>
        %get3A_390 = arith.index_cast %scan3A_266 : i32 to index
        %get3A_391 = arith.constant 64 : index
        %get3A_392 = tpu.vector_load %arg23[%get3A_390, %get3A_391] {strides = array<i32>} : memref<32x192xf32, #tpu.memory_space<vmem>>, vector<16xf32>,
        %get3A_393 = arith.index_cast %scan3A_266 : i32 to index
        %get3A_394 = arith.constant 64 : index
        %get3A_395 = tpu.vector_load %arg24[%get3A_393, %get3A_394] {strides = array<i32>} : memref<32x192xf32, #tpu.memory_space<vmem>>, vector<16xf32>,
        %add3A_396 = arith.addf %get3A_392, %get3A_395 : vector<16xf32>
        %get3A_397 = arith.index_cast %scan3A_266 : i32 to index
        %get3A_398 = arith.constant 64 : index
        %get3A_399 = tpu.vector_load %arg25[%get3A_397, %get3A_398] {strides = array<i32>} : memref<32x192xf32, #tpu.memory_space<vmem>>, vector<16xf32>,
        %add3A_400 = arith.addf %add3A_396, %get3A_399 : vector<16xf32>
        %get3A_401 = arith.index_cast %scan3A_266 : i32 to index
        %get3A_402 = arith.constant 64 : index
        %get3A_403 = tpu.vector_load %arg26[%get3A_401, %get3A_402] {strides = array<i32>} : memref<32x192xf32, #tpu.memory_space<vmem>>, vector<16xf32>,
        %add3A_404 = arith.addf %add3A_400, %get3A_403 : vector<16xf32>
        %get3A_405 = arith.index_cast %scan3A_266 : i32 to index
        %get3A_406 = arith.constant 64 : index
        %get3A_407 = tpu.vector_load %arg27[%get3A_405, %get3A_406] {strides = array<i32>} : memref<32x192xf32, #tpu.memory_space<vmem>>, vector<16xf32>,
        %add3A_408 = arith.addf %add3A_404, %get3A_407 : vector<16xf32>
        %get3A_409 = arith.index_cast %scan3A_266 : i32 to index
        %get3A_410 = arith.constant 64 : index
        %get3A_411 = tpu.vector_load %arg28[%get3A_409, %get3A_410] {strides = array<i32>} : memref<32x192xf32, #tpu.memory_space<vmem>>, vector<16xf32>,
        %add3A_412 = arith.addf %add3A_408, %get3A_411 : vector<16xf32>
        %get3A_413 = arith.index_cast %scan3A_266 : i32 to index
        %get3A_414 = arith.constant 64 : index
        %get3A_415 = tpu.vector_load %arg29[%get3A_413, %get3A_414] {strides = array<i32>} : memref<32x192xf32, #tpu.memory_space<vmem>>, vector<16xf32>,
        %add3A_416 = arith.addf %add3A_412, %get3A_415 : vector<16xf32>
        %add3A_417 = arith.addf %add3A_387, %add3A_416 : vector<16xf32>
        %mul3A_418 = arith.mulf %add3A_416, %add3A_416 : vector<16xf32>
        %add3A_419 = arith.addf %add3A_389, %mul3A_418 : vector<16xf32>
        %get3A_420 = arith.index_cast %scan3A_266 : i32 to index
        %get3A_421 = arith.constant 80 : index
        %get3A_422 = tpu.vector_load %arg23[%get3A_420, %get3A_421] {strides = array<i32>} : memref<32x192xf32, #tpu.memory_space<vmem>>, vector<16xf32>,
        %get3A_423 = arith.index_cast %scan3A_266 : i32 to index
        %get3A_424 = arith.constant 80 : index
        %get3A_425 = tpu.vector_load %arg24[%get3A_423, %get3A_424] {strides = array<i32>} : memref<32x192xf32, #tpu.memory_space<vmem>>, vector<16xf32>,
        %add3A_426 = arith.addf %get3A_422, %get3A_425 : vector<16xf32>
        %get3A_427 = arith.index_cast %scan3A_266 : i32 to index
        %get3A_428 = arith.constant 80 : index
        %get3A_429 = tpu.vector_load %arg25[%get3A_427, %get3A_428] {strides = array<i32>} : memref<32x192xf32, #tpu.memory_space<vmem>>, vector<16xf32>,
        %add3A_430 = arith.addf %add3A_426, %get3A_429 : vector<16xf32>
        %get3A_431 = arith.index_cast %scan3A_266 : i32 to index
        %get3A_432 = arith.constant 80 : index
        %get3A_433 = tpu.vector_load %arg26[%get3A_431, %get3A_432] {strides = array<i32>} : memref<32x192xf32, #tpu.memory_space<vmem>>, vector<16xf32>,
        %add3A_434 = arith.addf %add3A_430, %get3A_433 : vector<16xf32>
        %get3A_435 = arith.index_cast %scan3A_266 : i32 to index
        %get3A_436 = arith.constant 80 : index
        %get3A_437 = tpu.vector_load %arg27[%get3A_435, %get3A_436] {strides = array<i32>} : memref<32x192xf32, #tpu.memory_space<vmem>>, vector<16xf32>,
        %add3A_438 = arith.addf %add3A_434, %get3A_437 : vector<16xf32>
        %get3A_439 = arith.index_cast %scan3A_266 : i32 to index
        %get3A_440 = arith.constant 80 : index
        %get3A_441 = tpu.vector_load %arg28[%get3A_439, %get3A_440] {strides = array<i32>} : memref<32x192xf32, #tpu.memory_space<vmem>>, vector<16xf32>,
        %add3A_442 = arith.addf %add3A_438, %get3A_441 : vector<16xf32>
        %get3A_443 = arith.index_cast %scan3A_266 : i32 to index
        %get3A_444 = arith.constant 80 : index
        %get3A_445 = tpu.vector_load %arg29[%get3A_443, %get3A_444] {strides = array<i32>} : memref<32x192xf32, #tpu.memory_space<vmem>>, vector<16xf32>,
        %add3A_446 = arith.addf %add3A_442, %get3A_445 : vector<16xf32>
        %add3A_447 = arith.addf %add3A_417, %add3A_446 : vector<16xf32>
        %mul3A_448 = arith.mulf %add3A_446, %add3A_446 : vector<16xf32>
        %add3A_449 = arith.addf %add3A_419, %mul3A_448 : vector<16xf32>
        %get3A_450 = arith.index_cast %scan3A_266 : i32 to index
        %get3A_451 = arith.constant 96 : index
        %get3A_452 = tpu.vector_load %arg23[%get3A_450, %get3A_451] {strides = array<i32>} : memref<32x192xf32, #tpu.memory_space<vmem>>, vector<16xf32>,
        %get3A_453 = arith.index_cast %scan3A_266 : i32 to index
        %get3A_454 = arith.constant 96 : index
        %get3A_455 = tpu.vector_load %arg24[%get3A_453, %get3A_454] {strides = array<i32>} : memref<32x192xf32, #tpu.memory_space<vmem>>, vector<16xf32>,
        %add3A_456 = arith.addf %get3A_452, %get3A_455 : vector<16xf32>
        %get3A_457 = arith.index_cast %scan3A_266 : i32 to index
        %get3A_458 = arith.constant 96 : index
        %get3A_459 = tpu.vector_load %arg25[%get3A_457, %get3A_458] {strides = array<i32>} : memref<32x192xf32, #tpu.memory_space<vmem>>, vector<16xf32>,
        %add3A_460 = arith.addf %add3A_456, %get3A_459 : vector<16xf32>
        %get3A_461 = arith.index_cast %scan3A_266 : i32 to index
        %get3A_462 = arith.constant 96 : index
        %get3A_463 = tpu.vector_load %arg26[%get3A_461, %get3A_462] {strides = array<i32>} : memref<32x192xf32, #tpu.memory_space<vmem>>, vector<16xf32>,
        %add3A_464 = arith.addf %add3A_460, %get3A_463 : vector<16xf32>
        %get3A_465 = arith.index_cast %scan3A_266 : i32 to index
        %get3A_466 = arith.constant 96 : index
        %get3A_467 = tpu.vector_load %arg27[%get3A_465, %get3A_466] {strides = array<i32>} : memref<32x192xf32, #tpu.memory_space<vmem>>, vector<16xf32>,
        %add3A_468 = arith.addf %add3A_464, %get3A_467 : vector<16xf32>
        %get3A_469 = arith.index_cast %scan3A_266 : i32 to index
        %get3A_470 = arith.constant 96 : index
        %get3A_471 = tpu.vector_load %arg28[%get3A_469, %get3A_470] {strides = array<i32>} : memref<32x192xf32, #tpu.memory_space<vmem>>, vector<16xf32>,
        %add3A_472 = arith.addf %add3A_468, %get3A_471 : vector<16xf32>
        %get3A_473 = arith.index_cast %scan3A_266 : i32 to index
        %get3A_474 = arith.constant 96 : index
        %get3A_475 = tpu.vector_load %arg29[%get3A_473, %get3A_474] {strides = array<i32>} : memref<32x192xf32, #tpu.memory_space<vmem>>, vector<16xf32>,
        %add3A_476 = arith.addf %add3A_472, %get3A_475 : vector<16xf32>
        %add3A_477 = arith.addf %add3A_447, %add3A_476 : vector<16xf32>
        %mul3A_478 = arith.mulf %add3A_476, %add3A_476 : vector<16xf32>
        %add3A_479 = arith.addf %add3A_449, %mul3A_478 : vector<16xf32>
        %get3A_480 = arith.index_cast %scan3A_266 : i32 to index
        %get3A_481 = arith.constant 112 : index
        %get3A_482 = tpu.vector_load %arg23[%get3A_480, %get3A_481] {strides = array<i32>} : memref<32x192xf32, #tpu.memory_space<vmem>>, vector<16xf32>,
        %get3A_483 = arith.index_cast %scan3A_266 : i32 to index
        %get3A_484 = arith.constant 112 : index
        %get3A_485 = tpu.vector_load %arg24[%get3A_483, %get3A_484] {strides = array<i32>} : memref<32x192xf32, #tpu.memory_space<vmem>>, vector<16xf32>,
        %add3A_486 = arith.addf %get3A_482, %get3A_485 : vector<16xf32>
        %get3A_487 = arith.index_cast %scan3A_266 : i32 to index
        %get3A_488 = arith.constant 112 : index
        %get3A_489 = tpu.vector_load %arg25[%get3A_487, %get3A_488] {strides = array<i32>} : memref<32x192xf32, #tpu.memory_space<vmem>>, vector<16xf32>,
        %add3A_490 = arith.addf %add3A_486, %get3A_489 : vector<16xf32>
        %get3A_491 = arith.index_cast %scan3A_266 : i32 to index
        %get3A_492 = arith.constant 112 : index
        %get3A_493 = tpu.vector_load %arg26[%get3A_491, %get3A_492] {strides = array<i32>} : memref<32x192xf32, #tpu.memory_space<vmem>>, vector<16xf32>,
        %add3A_494 = arith.addf %add3A_490, %get3A_493 : vector<16xf32>
        %get3A_495 = arith.index_cast %scan3A_266 : i32 to index
        %get3A_496 = arith.constant 112 : index
        %get3A_497 = tpu.vector_load %arg27[%get3A_495, %get3A_496] {strides = array<i32>} : memref<32x192xf32, #tpu.memory_space<vmem>>, vector<16xf32>,
        %add3A_498 = arith.addf %add3A_494, %get3A_497 : vector<16xf32>
        %get3A_499 = arith.index_cast %scan3A_266 : i32 to index
        %get3A_500 = arith.constant 112 : index
        %get3A_501 = tpu.vector_load %arg28[%get3A_499, %get3A_500] {strides = array<i32>} : memref<32x192xf32, #tpu.memory_space<vmem>>, vector<16xf32>,
        %add3A_502 = arith.addf %add3A_498, %get3A_501 : vector<16xf32>
        %get3A_503 = arith.index_cast %scan3A_266 : i32 to index
        %get3A_504 = arith.constant 112 : index
        %get3A_505 = tpu.vector_load %arg29[%get3A_503, %get3A_504] {strides = array<i32>} : memref<32x192xf32, #tpu.memory_space<vmem>>, vector<16xf32>,
        %add3A_506 = arith.addf %add3A_502, %get3A_505 : vector<16xf32>
        %add3A_507 = arith.addf %add3A_477, %add3A_506 : vector<16xf32>
        %mul3A_508 = arith.mulf %add3A_506, %add3A_506 : vector<16xf32>
        %add3A_509 = arith.addf %add3A_479, %mul3A_508 : vector<16xf32>
        %get3A_510 = arith.index_cast %scan3A_266 : i32 to index
        %get3A_511 = arith.constant 128 : index
        %get3A_512 = tpu.vector_load %arg23[%get3A_510, %get3A_511] {strides = array<i32>} : memref<32x192xf32, #tpu.memory_space<vmem>>, vector<16xf32>,
        %get3A_513 = arith.index_cast %scan3A_266 : i32 to index
        %get3A_514 = arith.constant 128 : index
        %get3A_515 = tpu.vector_load %arg24[%get3A_513, %get3A_514] {strides = array<i32>} : memref<32x192xf32, #tpu.memory_space<vmem>>, vector<16xf32>,
        %add3A_516 = arith.addf %get3A_512, %get3A_515 : vector<16xf32>
        %get3A_517 = arith.index_cast %scan3A_266 : i32 to index
        %get3A_518 = arith.constant 128 : index
        %get3A_519 = tpu.vector_load %arg25[%get3A_517, %get3A_518] {strides = array<i32>} : memref<32x192xf32, #tpu.memory_space<vmem>>, vector<16xf32>,
        %add3A_520 = arith.addf %add3A_516, %get3A_519 : vector<16xf32>
        %get3A_521 = arith.index_cast %scan3A_266 : i32 to index
        %get3A_522 = arith.constant 128 : index
        %get3A_523 = tpu.vector_load %arg26[%get3A_521, %get3A_522] {strides = array<i32>} : memref<32x192xf32, #tpu.memory_space<vmem>>, vector<16xf32>,
        %add3A_524 = arith.addf %add3A_520, %get3A_523 : vector<16xf32>
        %get3A_525 = arith.index_cast %scan3A_266 : i32 to index
        %get3A_526 = arith.constant 128 : index
        %get3A_527 = tpu.vector_load %arg27[%get3A_525, %get3A_526] {strides = array<i32>} : memref<32x192xf32, #tpu.memory_space<vmem>>, vector<16xf32>,
        %add3A_528 = arith.addf %add3A_524, %get3A_527 : vector<16xf32>
        %get3A_529 = arith.index_cast %scan3A_266 : i32 to index
        %get3A_530 = arith.constant 128 : index
        %get3A_531 = tpu.vector_load %arg28[%get3A_529, %get3A_530] {strides = array<i32>} : memref<32x192xf32, #tpu.memory_space<vmem>>, vector<16xf32>,
        %add3A_532 = arith.addf %add3A_528, %get3A_531 : vector<16xf32>
        %get3A_533 = arith.index_cast %scan3A_266 : i32 to index
        %get3A_534 = arith.constant 128 : index
        %get3A_535 = tpu.vector_load %arg29[%get3A_533, %get3A_534] {strides = array<i32>} : memref<32x192xf32, #tpu.memory_space<vmem>>, vector<16xf32>,
        %add3A_536 = arith.addf %add3A_532, %get3A_535 : vector<16xf32>
        %add3A_537 = arith.addf %add3A_507, %add3A_536 : vector<16xf32>
        %mul3A_538 = arith.mulf %add3A_536, %add3A_536 : vector<16xf32>
        %add3A_539 = arith.addf %add3A_509, %mul3A_538 : vector<16xf32>
        %get3A_540 = arith.index_cast %scan3A_266 : i32 to index
        %get3A_541 = arith.constant 144 : index
        %get3A_542 = tpu.vector_load %arg23[%get3A_540, %get3A_541] {strides = array<i32>} : memref<32x192xf32, #tpu.memory_space<vmem>>, vector<16xf32>,
        %get3A_543 = arith.index_cast %scan3A_266 : i32 to index
        %get3A_544 = arith.constant 144 : index
        %get3A_545 = tpu.vector_load %arg24[%get3A_543, %get3A_544] {strides = array<i32>} : memref<32x192xf32, #tpu.memory_space<vmem>>, vector<16xf32>,
        %add3A_546 = arith.addf %get3A_542, %get3A_545 : vector<16xf32>
        %get3A_547 = arith.index_cast %scan3A_266 : i32 to index
        %get3A_548 = arith.constant 144 : index
        %get3A_549 = tpu.vector_load %arg25[%get3A_547, %get3A_548] {strides = array<i32>} : memref<32x192xf32, #tpu.memory_space<vmem>>, vector<16xf32>,
        %add3A_550 = arith.addf %add3A_546, %get3A_549 : vector<16xf32>
        %get3A_551 = arith.index_cast %scan3A_266 : i32 to index
        %get3A_552 = arith.constant 144 : index
        %get3A_553 = tpu.vector_load %arg26[%get3A_551, %get3A_552] {strides = array<i32>} : memref<32x192xf32, #tpu.memory_space<vmem>>, vector<16xf32>,
        %add3A_554 = arith.addf %add3A_550, %get3A_553 : vector<16xf32>
        %get3A_555 = arith.index_cast %scan3A_266 : i32 to index
        %get3A_556 = arith.constant 144 : index
        %get3A_557 = tpu.vector_load %arg27[%get3A_555, %get3A_556] {strides = array<i32>} : memref<32x192xf32, #tpu.memory_space<vmem>>, vector<16xf32>,
        %add3A_558 = arith.addf %add3A_554, %get3A_557 : vector<16xf32>
        %get3A_559 = arith.index_cast %scan3A_266 : i32 to index
        %get3A_560 = arith.constant 144 : index
        %get3A_561 = tpu.vector_load %arg28[%get3A_559, %get3A_560] {strides = array<i32>} : memref<32x192xf32, #tpu.memory_space<vmem>>, vector<16xf32>,
        %add3A_562 = arith.addf %add3A_558, %get3A_561 : vector<16xf32>
        %get3A_563 = arith.index_cast %scan3A_266 : i32 to index
        %get3A_564 = arith.constant 144 : index
        %get3A_565 = tpu.vector_load %arg29[%get3A_563, %get3A_564] {strides = array<i32>} : memref<32x192xf32, #tpu.memory_space<vmem>>, vector<16xf32>,
        %add3A_566 = arith.addf %add3A_562, %get3A_565 : vector<16xf32>
        %add3A_567 = arith.addf %add3A_537, %add3A_566 : vector<16xf32>
        %mul3A_568 = arith.mulf %add3A_566, %add3A_566 : vector<16xf32>
        %add3A_569 = arith.addf %add3A_539, %mul3A_568 : vector<16xf32>
        %get3A_570 = arith.index_cast %scan3A_266 : i32 to index
        %get3A_571 = arith.constant 160 : index
        %get3A_572 = tpu.vector_load %arg23[%get3A_570, %get3A_571] {strides = array<i32>} : memref<32x192xf32, #tpu.memory_space<vmem>>, vector<16xf32>,
        %get3A_573 = arith.index_cast %scan3A_266 : i32 to index
        %get3A_574 = arith.constant 160 : index
        %get3A_575 = tpu.vector_load %arg24[%get3A_573, %get3A_574] {strides = array<i32>} : memref<32x192xf32, #tpu.memory_space<vmem>>, vector<16xf32>,
        %add3A_576 = arith.addf %get3A_572, %get3A_575 : vector<16xf32>
        %get3A_577 = arith.index_cast %scan3A_266 : i32 to index
        %get3A_578 = arith.constant 160 : index
        %get3A_579 = tpu.vector_load %arg25[%get3A_577, %get3A_578] {strides = array<i32>} : memref<32x192xf32, #tpu.memory_space<vmem>>, vector<16xf32>,
        %add3A_580 = arith.addf %add3A_576, %get3A_579 : vector<16xf32>
        %get3A_581 = arith.index_cast %scan3A_266 : i32 to index
        %get3A_582 = arith.constant 160 : index
        %get3A_583 = tpu.vector_load %arg26[%get3A_581, %get3A_582] {strides = array<i32>} : memref<32x192xf32, #tpu.memory_space<vmem>>, vector<16xf32>,
        %add3A_584 = arith.addf %add3A_580, %get3A_583 : vector<16xf32>
        %get3A_585 = arith.index_cast %scan3A_266 : i32 to index
        %get3A_586 = arith.constant 160 : index
        %get3A_587 = tpu.vector_load %arg27[%get3A_585, %get3A_586] {strides = array<i32>} : memref<32x192xf32, #tpu.memory_space<vmem>>, vector<16xf32>,
        %add3A_588 = arith.addf %add3A_584, %get3A_587 : vector<16xf32>
        %get3A_589 = arith.index_cast %scan3A_266 : i32 to index
        %get3A_590 = arith.constant 160 : index
        %get3A_591 = tpu.vector_load %arg28[%get3A_589, %get3A_590] {strides = array<i32>} : memref<32x192xf32, #tpu.memory_space<vmem>>, vector<16xf32>,
        %add3A_592 = arith.addf %add3A_588, %get3A_591 : vector<16xf32>
        %get3A_593 = arith.index_cast %scan3A_266 : i32 to index
        %get3A_594 = arith.constant 160 : index
        %get3A_595 = tpu.vector_load %arg29[%get3A_593, %get3A_594] {strides = array<i32>} : memref<32x192xf32, #tpu.memory_space<vmem>>, vector<16xf32>,
        %add3A_596 = arith.addf %add3A_592, %get3A_595 : vector<16xf32>
        %add3A_597 = arith.addf %add3A_567, %add3A_596 : vector<16xf32>
        %mul3A_598 = arith.mulf %add3A_596, %add3A_596 : vector<16xf32>
        %add3A_599 = arith.addf %add3A_569, %mul3A_598 : vector<16xf32>
        %get3A_600 = arith.index_cast %scan3A_266 : i32 to index
        %get3A_601 = arith.constant 176 : index
        %get3A_602 = tpu.vector_load %arg23[%get3A_600, %get3A_601] {strides = array<i32>} : memref<32x192xf32, #tpu.memory_space<vmem>>, vector<16xf32>,
        %get3A_603 = arith.index_cast %scan3A_266 : i32 to index
        %get3A_604 = arith.constant 176 : index
        %get3A_605 = tpu.vector_load %arg24[%get3A_603, %get3A_604] {strides = array<i32>} : memref<32x192xf32, #tpu.memory_space<vmem>>, vector<16xf32>,
        %add3A_606 = arith.addf %get3A_602, %get3A_605 : vector<16xf32>
        %get3A_607 = arith.index_cast %scan3A_266 : i32 to index
        %get3A_608 = arith.constant 176 : index
        %get3A_609 = tpu.vector_load %arg25[%get3A_607, %get3A_608] {strides = array<i32>} : memref<32x192xf32, #tpu.memory_space<vmem>>, vector<16xf32>,
        %add3A_610 = arith.addf %add3A_606, %get3A_609 : vector<16xf32>
        %get3A_611 = arith.index_cast %scan3A_266 : i32 to index
        %get3A_612 = arith.constant 176 : index
        %get3A_613 = tpu.vector_load %arg26[%get3A_611, %get3A_612] {strides = array<i32>} : memref<32x192xf32, #tpu.memory_space<vmem>>, vector<16xf32>,
        %add3A_614 = arith.addf %add3A_610, %get3A_613 : vector<16xf32>
        %get3A_615 = arith.index_cast %scan3A_266 : i32 to index
        %get3A_616 = arith.constant 176 : index
        %get3A_617 = tpu.vector_load %arg27[%get3A_615, %get3A_616] {strides = array<i32>} : memref<32x192xf32, #tpu.memory_space<vmem>>, vector<16xf32>,
        %add3A_618 = arith.addf %add3A_614, %get3A_617 : vector<16xf32>
        %get3A_619 = arith.index_cast %scan3A_266 : i32 to index
        %get3A_620 = arith.constant 176 : index
        %get3A_621 = tpu.vector_load %arg28[%get3A_619, %get3A_620] {strides = array<i32>} : memref<32x192xf32, #tpu.memory_space<vmem>>, vector<16xf32>,
        %add3A_622 = arith.addf %add3A_618, %get3A_621 : vector<16xf32>
        %get3A_623 = arith.index_cast %scan3A_266 : i32 to index
        %get3A_624 = arith.constant 176 : index
        %get3A_625 = tpu.vector_load %arg29[%get3A_623, %get3A_624] {strides = array<i32>} : memref<32x192xf32, #tpu.memory_space<vmem>>, vector<16xf32>,
        %add3A_626 = arith.addf %add3A_622, %get3A_625 : vector<16xf32>
        %add3A_627 = arith.addf %add3A_597, %add3A_626 : vector<16xf32>
        %mul3A_628 = arith.mulf %add3A_626, %add3A_626 : vector<16xf32>
        %add3A_629 = arith.addf %add3A_599, %mul3A_628 : vector<16xf32>
        %broadcast_in_dim3A_630 = arith.constant true
        %broadcast_in_dim3A_631 = vector.broadcast %broadcast_in_dim3A_630 : i1 to vector<16xi1>
        %masked_cumsum3A = tpu.scan <sum>, %add3A_627 masked %broadcast_in_dim3A_631 : vector<16xf32>, vector<16xi1> -> vector<16xf32>
        %slice3A = vector.extract_strided_slice %masked_cumsum3A {offsets = [15], sizes = [1], strides = [1]} : vector<16xf32> to vector<1xf32>
        %squeeze3A = vector.extract %slice3A[0] : f32 from vector<1xf32>
        %broadcast_in_dim3A_632 = arith.constant true
        %broadcast_in_dim3A_633 = vector.broadcast %broadcast_in_dim3A_632 : i1 to vector<16xi1>
        %masked_cumsum3A_634 = tpu.scan <sum>, %add3A_629 masked %broadcast_in_dim3A_633 : vector<16xf32>, vector<16xi1> -> vector<16xf32>
        %slice3A_635 = vector.extract_strided_slice %masked_cumsum3A_634 {offsets = [15], sizes = [1], strides = [1]} : vector<16xf32> to vector<1xf32>
        %squeeze3A_636 = vector.extract %slice3A_635[0] : f32 from vector<1xf32>
        %mul3A_637 = arith.constant 0.00520833349 : f32
        %mul3A_638 = arith.mulf %squeeze3A, %mul3A_637 : f32
        %mul3A_639 = arith.constant 0.00520833349 : f32
        %mul3A_640 = arith.mulf %squeeze3A_636, %mul3A_639 : f32
        %mul3A_641 = arith.mulf %mul3A_638, %mul3A_638 : f32
        %sub3A = arith.subf %mul3A_640, %mul3A_641 : f32
        %add3A_642 = arith.constant 9.99999996E-13 : f32
        %add3A_643 = arith.addf %sub3A, %add3A_642 : f32
        %broadcast_in_dim3A_644 = vector.broadcast %add3A_643 : f32 to vector<16xf32>
        %bitcast_convert_type3A = tpu.bitcast %broadcast_in_dim3A_644 : vector<16xf32> -> vector<16xi32>
        %shift_right_arithmetic3A = arith.constant 1 : i32
        %shift_right_arithmetic3A_645 = vector.broadcast %shift_right_arithmetic3A : i32 to vector<16xi32>
        %shift_right_arithmetic3A_646 = arith.shrsi %bitcast_convert_type3A, %shift_right_arithmetic3A_645 : vector<16xi32>
        %sub3A_647 = arith.constant 1597463007 : i32
        %sub3A_648 = vector.broadcast %sub3A_647 : i32 to vector<16xi32>
        %sub3A_649 = arith.subi %sub3A_648, %shift_right_arithmetic3A_646 : vector<16xi32>
        %bitcast_convert_type3A_650 = tpu.bitcast %sub3A_649 : vector<16xi32> -> vector<16xf32>
        %mul3A_651 = arith.constant 5.000000e-01 : f32
        %mul3A_652 = vector.broadcast %mul3A_651 : f32 to vector<16xf32>
        %mul3A_653 = arith.mulf %mul3A_652, %broadcast_in_dim3A_644 : vector<16xf32>
        %mul3A_654 = arith.mulf %mul3A_653, %bitcast_convert_type3A_650 : vector<16xf32>
        %mul3A_655 = arith.mulf %mul3A_654, %bitcast_convert_type3A_650 : vector<16xf32>
        %sub3A_656 = arith.constant 1.500000e+00 : f32
        %sub3A_657 = vector.broadcast %sub3A_656 : f32 to vector<16xf32>
        %sub3A_658 = arith.subf %sub3A_657, %mul3A_655 : vector<16xf32>
        %mul3A_659 = arith.mulf %bitcast_convert_type3A_650, %sub3A_658 : vector<16xf32>
        %mul3A_660 = arith.constant 5.000000e-01 : f32
        %mul3A_661 = vector.broadcast %mul3A_660 : f32 to vector<16xf32>
        %mul3A_662 = arith.mulf %mul3A_661, %broadcast_in_dim3A_644 : vector<16xf32>
        %mul3A_663 = arith.mulf %mul3A_662, %mul3A_659 : vector<16xf32>
        %mul3A_664 = arith.mulf %mul3A_663, %mul3A_659 : vector<16xf32>
        %sub3A_665 = arith.constant 1.500000e+00 : f32
        %sub3A_666 = vector.broadcast %sub3A_665 : f32 to vector<16xf32>
        %sub3A_667 = arith.subf %sub3A_666, %mul3A_664 : vector<16xf32>
        %mul3A_668 = arith.mulf %mul3A_659, %sub3A_667 : vector<16xf32>
        %mul3A_669 = arith.constant 5.000000e-01 : f32
        %mul3A_670 = vector.broadcast %mul3A_669 : f32 to vector<16xf32>
        %mul3A_671 = arith.mulf %mul3A_670, %broadcast_in_dim3A_644 : vector<16xf32>
        %mul3A_672 = arith.mulf %mul3A_671, %mul3A_668 : vector<16xf32>
        %mul3A_673 = arith.mulf %mul3A_672, %mul3A_668 : vector<16xf32>
        %sub3A_674 = arith.constant 1.500000e+00 : f32
        %sub3A_675 = vector.broadcast %sub3A_674 : f32 to vector<16xf32>
        %sub3A_676 = arith.subf %sub3A_675, %mul3A_673 : vector<16xf32>
        %mul3A_677 = arith.mulf %mul3A_668, %sub3A_676 : vector<16xf32>
        %broadcast_in_dim3A_678 = vector.broadcast %mul3A_638 : f32 to vector<16xf32>
        %sub3A_679 = arith.subf %add3A_296, %broadcast_in_dim3A_678 : vector<16xf32>
        %mul3A_680 = arith.mulf %sub3A_679, %mul3A_677 : vector<16xf32>
        %mul3A_681 = arith.mulf %mul3A_680, %get3A_8 : vector<16xf32>
        %add3A_682 = arith.addf %mul3A_681, %get3A_32 : vector<16xf32>
        %swap3A = arith.index_cast %scan3A_266 : i32 to index
        %swap3A_683 = arith.constant 0 : index
        %swap3A_684 = tpu.vector_load %arg37[%swap3A, %swap3A_683] {strides = array<i32>} : memref<32x192xf32, #tpu.memory_space<vmem>>, vector<16xf32>,
        tpu.vector_store %arg37[%swap3A, %swap3A_683], %add3A_682 {strides = array<i32>} : memref<32x192xf32, #tpu.memory_space<vmem>>, vector<16xf32>,
        %sub3A_685 = arith.subf %add3A_326, %broadcast_in_dim3A_678 : vector<16xf32>
        %mul3A_686 = arith.mulf %sub3A_685, %mul3A_677 : vector<16xf32>
        %mul3A_687 = arith.mulf %mul3A_686, %get3A_10 : vector<16xf32>
        %add3A_688 = arith.addf %mul3A_687, %get3A_34 : vector<16xf32>
        %swap3A_689 = arith.index_cast %scan3A_266 : i32 to index
        %swap3A_690 = arith.constant 16 : index
        %swap3A_691 = tpu.vector_load %arg37[%swap3A_689, %swap3A_690] {strides = array<i32>} : memref<32x192xf32, #tpu.memory_space<vmem>>, vector<16xf32>,
        tpu.vector_store %arg37[%swap3A_689, %swap3A_690], %add3A_688 {strides = array<i32>} : memref<32x192xf32, #tpu.memory_space<vmem>>, vector<16xf32>,
        %sub3A_692 = arith.subf %add3A_356, %broadcast_in_dim3A_678 : vector<16xf32>
        %mul3A_693 = arith.mulf %sub3A_692, %mul3A_677 : vector<16xf32>
        %mul3A_694 = arith.mulf %mul3A_693, %get3A_12 : vector<16xf32>
        %add3A_695 = arith.addf %mul3A_694, %get3A_36 : vector<16xf32>
        %swap3A_696 = arith.index_cast %scan3A_266 : i32 to index
        %swap3A_697 = arith.constant 32 : index
        %swap3A_698 = tpu.vector_load %arg37[%swap3A_696, %swap3A_697] {strides = array<i32>} : memref<32x192xf32, #tpu.memory_space<vmem>>, vector<16xf32>,
        tpu.vector_store %arg37[%swap3A_696, %swap3A_697], %add3A_695 {strides = array<i32>} : memref<32x192xf32, #tpu.memory_space<vmem>>, vector<16xf32>,
        %sub3A_699 = arith.subf %add3A_386, %broadcast_in_dim3A_678 : vector<16xf32>
        %mul3A_700 = arith.mulf %sub3A_699, %mul3A_677 : vector<16xf32>
        %mul3A_701 = arith.mulf %mul3A_700, %get3A_14 : vector<16xf32>
        %add3A_702 = arith.addf %mul3A_701, %get3A_38 : vector<16xf32>
        %swap3A_703 = arith.index_cast %scan3A_266 : i32 to index
        %swap3A_704 = arith.constant 48 : index
        %swap3A_705 = tpu.vector_load %arg37[%swap3A_703, %swap3A_704] {strides = array<i32>} : memref<32x192xf32, #tpu.memory_space<vmem>>, vector<16xf32>,
        tpu.vector_store %arg37[%swap3A_703, %swap3A_704], %add3A_702 {strides = array<i32>} : memref<32x192xf32, #tpu.memory_space<vmem>>, vector<16xf32>,
        %sub3A_706 = arith.subf %add3A_416, %broadcast_in_dim3A_678 : vector<16xf32>
        %mul3A_707 = arith.mulf %sub3A_706, %mul3A_677 : vector<16xf32>
        %mul3A_708 = arith.mulf %mul3A_707, %get3A_16 : vector<16xf32>
        %add3A_709 = arith.addf %mul3A_708, %get3A_40 : vector<16xf32>
        %swap3A_710 = arith.index_cast %scan3A_266 : i32 to index
        %swap3A_711 = arith.constant 64 : index
        %swap3A_712 = tpu.vector_load %arg37[%swap3A_710, %swap3A_711] {strides = array<i32>} : memref<32x192xf32, #tpu.memory_space<vmem>>, vector<16xf32>,
        tpu.vector_store %arg37[%swap3A_710, %swap3A_711], %add3A_709 {strides = array<i32>} : memref<32x192xf32, #tpu.memory_space<vmem>>, vector<16xf32>,
        %sub3A_713 = arith.subf %add3A_446, %broadcast_in_dim3A_678 : vector<16xf32>
        %mul3A_714 = arith.mulf %sub3A_713, %mul3A_677 : vector<16xf32>
        %mul3A_715 = arith.mulf %mul3A_714, %get3A_18 : vector<16xf32>
        %add3A_716 = arith.addf %mul3A_715, %get3A_42 : vector<16xf32>
        %swap3A_717 = arith.index_cast %scan3A_266 : i32 to index
        %swap3A_718 = arith.constant 80 : index
        %swap3A_719 = tpu.vector_load %arg37[%swap3A_717, %swap3A_718] {strides = array<i32>} : memref<32x192xf32, #tpu.memory_space<vmem>>, vector<16xf32>,
        tpu.vector_store %arg37[%swap3A_717, %swap3A_718], %add3A_716 {strides = array<i32>} : memref<32x192xf32, #tpu.memory_space<vmem>>, vector<16xf32>,
        %sub3A_720 = arith.subf %add3A_476, %broadcast_in_dim3A_678 : vector<16xf32>
        %mul3A_721 = arith.mulf %sub3A_720, %mul3A_677 : vector<16xf32>
        %mul3A_722 = arith.mulf %mul3A_721, %get3A_20 : vector<16xf32>
        %add3A_723 = arith.addf %mul3A_722, %get3A_44 : vector<16xf32>
        %swap3A_724 = arith.index_cast %scan3A_266 : i32 to index
        %swap3A_725 = arith.constant 96 : index
        %swap3A_726 = tpu.vector_load %arg37[%swap3A_724, %swap3A_725] {strides = array<i32>} : memref<32x192xf32, #tpu.memory_space<vmem>>, vector<16xf32>,
        tpu.vector_store %arg37[%swap3A_724, %swap3A_725], %add3A_723 {strides = array<i32>} : memref<32x192xf32, #tpu.memory_space<vmem>>, vector<16xf32>,
        %sub3A_727 = arith.subf %add3A_506, %broadcast_in_dim3A_678 : vector<16xf32>
        %mul3A_728 = arith.mulf %sub3A_727, %mul3A_677 : vector<16xf32>
        %mul3A_729 = arith.mulf %mul3A_728, %get3A_22 : vector<16xf32>
        %add3A_730 = arith.addf %mul3A_729, %get3A_46 : vector<16xf32>
        %swap3A_731 = arith.index_cast %scan3A_266 : i32 to index
        %swap3A_732 = arith.constant 112 : index
        %swap3A_733 = tpu.vector_load %arg37[%swap3A_731, %swap3A_732] {strides = array<i32>} : memref<32x192xf32, #tpu.memory_space<vmem>>, vector<16xf32>,
        tpu.vector_store %arg37[%swap3A_731, %swap3A_732], %add3A_730 {strides = array<i32>} : memref<32x192xf32, #tpu.memory_space<vmem>>, vector<16xf32>,
        %sub3A_734 = arith.subf %add3A_536, %broadcast_in_dim3A_678 : vector<16xf32>
        %mul3A_735 = arith.mulf %sub3A_734, %mul3A_677 : vector<16xf32>
        %mul3A_736 = arith.mulf %mul3A_735, %get3A_24 : vector<16xf32>
        %add3A_737 = arith.addf %mul3A_736, %get3A_48 : vector<16xf32>
        %swap3A_738 = arith.index_cast %scan3A_266 : i32 to index
        %swap3A_739 = arith.constant 128 : index
        %swap3A_740 = tpu.vector_load %arg37[%swap3A_738, %swap3A_739] {strides = array<i32>} : memref<32x192xf32, #tpu.memory_space<vmem>>, vector<16xf32>,
        tpu.vector_store %arg37[%swap3A_738, %swap3A_739], %add3A_737 {strides = array<i32>} : memref<32x192xf32, #tpu.memory_space<vmem>>, vector<16xf32>,
        %sub3A_741 = arith.subf %add3A_566, %broadcast_in_dim3A_678 : vector<16xf32>
        %mul3A_742 = arith.mulf %sub3A_741, %mul3A_677 : vector<16xf32>
        %mul3A_743 = arith.mulf %mul3A_742, %get3A_26 : vector<16xf32>
        %add3A_744 = arith.addf %mul3A_743, %get3A_50 : vector<16xf32>
        %swap3A_745 = arith.index_cast %scan3A_266 : i32 to index
        %swap3A_746 = arith.constant 144 : index
        %swap3A_747 = tpu.vector_load %arg37[%swap3A_745, %swap3A_746] {strides = array<i32>} : memref<32x192xf32, #tpu.memory_space<vmem>>, vector<16xf32>,
        tpu.vector_store %arg37[%swap3A_745, %swap3A_746], %add3A_744 {strides = array<i32>} : memref<32x192xf32, #tpu.memory_space<vmem>>, vector<16xf32>,
        %sub3A_748 = arith.subf %add3A_596, %broadcast_in_dim3A_678 : vector<16xf32>
        %mul3A_749 = arith.mulf %sub3A_748, %mul3A_677 : vector<16xf32>
        %mul3A_750 = arith.mulf %mul3A_749, %get3A_28 : vector<16xf32>
        %add3A_751 = arith.addf %mul3A_750, %get3A_52 : vector<16xf32>
        %swap3A_752 = arith.index_cast %scan3A_266 : i32 to index
        %swap3A_753 = arith.constant 160 : index
        %swap3A_754 = tpu.vector_load %arg37[%swap3A_752, %swap3A_753] {strides = array<i32>} : memref<32x192xf32, #tpu.memory_space<vmem>>, vector<16xf32>,
        tpu.vector_store %arg37[%swap3A_752, %swap3A_753], %add3A_751 {strides = array<i32>} : memref<32x192xf32, #tpu.memory_space<vmem>>, vector<16xf32>,
        %sub3A_755 = arith.subf %add3A_626, %broadcast_in_dim3A_678 : vector<16xf32>
        %mul3A_756 = arith.mulf %sub3A_755, %mul3A_677 : vector<16xf32>
        %mul3A_757 = arith.mulf %mul3A_756, %get3A_30 : vector<16xf32>
        %add3A_758 = arith.addf %mul3A_757, %get3A_54 : vector<16xf32>
        %swap3A_759 = arith.index_cast %scan3A_266 : i32 to index
        %swap3A_760 = arith.constant 176 : index
        %swap3A_761 = tpu.vector_load %arg37[%swap3A_759, %swap3A_760] {strides = array<i32>} : memref<32x192xf32, #tpu.memory_space<vmem>>, vector<16xf32>,
        tpu.vector_store %arg37[%swap3A_759, %swap3A_760], %add3A_758 {strides = array<i32>} : memref<32x192xf32, #tpu.memory_space<vmem>>, vector<16xf32>,
      }
      %scan3A_190 = arith.constant 32 : i32
      %mul3A_191 = arith.constant 32 : i32
      %mul3A_192 = arith.muli %mul3A_108, %mul3A_191 : i32
      %add3A_193 = arith.addi %mul3A_2, %mul3A_192 : i32
      %dma_start3A_194 = arith.constant 0 : i32
      %dma_start3A_195 = tpu.memref_slice %arg11[%add3A_193, %dma_start3A_194] : memref<32768x192xf32, #tpu.memory_space<hbm>> -> memref<32x192xf32, #tpu.memory_space<hbm>>
      %dma_start3A_196 = arith.constant 0 : i32
      %dma_start3A_197 = tpu.memref_slice %arg11[%add3A_193, %dma_start3A_196] : memref<32768x192xf32, #tpu.memory_space<hbm>> -> memref<32x192xf32, #tpu.memory_space<hbm>>
      tpu.enqueue_dma source(%arg37 : memref<32x192xf32, #tpu.memory_space<vmem>>) target(%dma_start3A_197 : memref<32x192xf32, #tpu.memory_space<hbm>>) target_semaphore(%arg43 : memref<!tpu.dma_semaphore, #tpu.memory_space<semaphore_mem>>)
      %add3A_198 = arith.constant 2 : i32
      %add3A_199 = arith.addi %mul3A_108, %add3A_198 : i32
      %lt3A = arith.constant 32 : i32
      %lt3A_200 = arith.cmpi slt, %add3A_199, %lt3A : i32
      %convert_element_type3A_201 = arith.extui %lt3A_200 : i1 to i32
      %cond3A_202 = arith.constant 0 : i32
      %cond3A_203 = arith.cmpi ne, %convert_element_type3A_201, %cond3A_202 : i32
      scf.if %cond3A_203 {
        %add3A_266 = arith.constant 2 : i32
        %add3A_267 = arith.addi %mul3A_108, %add3A_266 : i32
        %mul3A_268 = arith.constant 32 : i32
        %mul3A_269 = arith.muli %add3A_267, %mul3A_268 : i32
        %dma_start3A_270 = tpu.memref_slice %arg17[%mul3A_269] : memref<1024xi32, #tpu.memory_space<vmem>> -> memref<32xi32, #tpu.memory_space<vmem>>
        %dma_start3A_271 = arith.constant 0 : i32
        %dma_start3A_272 = arith.constant 0 : i32
        %dma_start3A_273 = tpu.memref_slice %arg2[%dma_start3A_271, %dma_start3A_272] : memref<6144x192xf32, #tpu.memory_space<hbm>> -> memref<6144x192xf32, #tpu.memory_space<hbm>>
        tpu.enqueue_indirect_dma source(%dma_start3A_273 : memref<6144x192xf32, #tpu.memory_space<hbm>>) target(%arg23 : memref<32x192xf32, #tpu.memory_space<vmem>>) offsets(%dma_start3A_270 : memref<32xi32, #tpu.memory_space<vmem>>) semaphore(%arg41 : memref<!tpu.dma_semaphore, #tpu.memory_space<semaphore_mem>>)
        %dma_start3A_274 = tpu.memref_slice %arg18[%mul3A_269] : memref<1024xi32, #tpu.memory_space<vmem>> -> memref<32xi32, #tpu.memory_space<vmem>>
        %dma_start3A_275 = arith.constant 0 : i32
        %dma_start3A_276 = arith.constant 0 : i32
        %dma_start3A_277 = tpu.memref_slice %arg2[%dma_start3A_275, %dma_start3A_276] : memref<6144x192xf32, #tpu.memory_space<hbm>> -> memref<6144x192xf32, #tpu.memory_space<hbm>>
        tpu.enqueue_indirect_dma source(%dma_start3A_277 : memref<6144x192xf32, #tpu.memory_space<hbm>>) target(%arg24 : memref<32x192xf32, #tpu.memory_space<vmem>>) offsets(%dma_start3A_274 : memref<32xi32, #tpu.memory_space<vmem>>) semaphore(%arg41 : memref<!tpu.dma_semaphore, #tpu.memory_space<semaphore_mem>>)
        %dma_start3A_278 = tpu.memref_slice %arg19[%mul3A_269] : memref<1024xi32, #tpu.memory_space<vmem>> -> memref<32xi32, #tpu.memory_space<vmem>>
        %dma_start3A_279 = arith.constant 0 : i32
        %dma_start3A_280 = arith.constant 0 : i32
        %dma_start3A_281 = tpu.memref_slice %arg2[%dma_start3A_279, %dma_start3A_280] : memref<6144x192xf32, #tpu.memory_space<hbm>> -> memref<6144x192xf32, #tpu.memory_space<hbm>>
        tpu.enqueue_indirect_dma source(%dma_start3A_281 : memref<6144x192xf32, #tpu.memory_space<hbm>>) target(%arg25 : memref<32x192xf32, #tpu.memory_space<vmem>>) offsets(%dma_start3A_278 : memref<32xi32, #tpu.memory_space<vmem>>) semaphore(%arg41 : memref<!tpu.dma_semaphore, #tpu.memory_space<semaphore_mem>>)
        %dma_start3A_282 = tpu.memref_slice %arg20[%mul3A_269] : memref<1024xi32, #tpu.memory_space<vmem>> -> memref<32xi32, #tpu.memory_space<vmem>>
        %dma_start3A_283 = arith.constant 0 : i32
        %dma_start3A_284 = arith.constant 0 : i32
        %dma_start3A_285 = tpu.memref_slice %arg2[%dma_start3A_283, %dma_start3A_284] : memref<6144x192xf32, #tpu.memory_space<hbm>> -> memref<6144x192xf32, #tpu.memory_space<hbm>>
        tpu.enqueue_indirect_dma source(%dma_start3A_285 : memref<6144x192xf32, #tpu.memory_space<hbm>>) target(%arg26 : memref<32x192xf32, #tpu.memory_space<vmem>>) offsets(%dma_start3A_282 : memref<32xi32, #tpu.memory_space<vmem>>) semaphore(%arg41 : memref<!tpu.dma_semaphore, #tpu.memory_space<semaphore_mem>>)
        %dma_start3A_286 = tpu.memref_slice %arg21[%mul3A_269] : memref<1024xi32, #tpu.memory_space<vmem>> -> memref<32xi32, #tpu.memory_space<vmem>>
        %dma_start3A_287 = arith.constant 0 : i32
        %dma_start3A_288 = arith.constant 0 : i32
        %dma_start3A_289 = tpu.memref_slice %arg2[%dma_start3A_287, %dma_start3A_288] : memref<6144x192xf32, #tpu.memory_space<hbm>> -> memref<6144x192xf32, #tpu.memory_space<hbm>>
        tpu.enqueue_indirect_dma source(%dma_start3A_289 : memref<6144x192xf32, #tpu.memory_space<hbm>>) target(%arg27 : memref<32x192xf32, #tpu.memory_space<vmem>>) offsets(%dma_start3A_286 : memref<32xi32, #tpu.memory_space<vmem>>) semaphore(%arg41 : memref<!tpu.dma_semaphore, #tpu.memory_space<semaphore_mem>>)
        %dma_start3A_290 = tpu.memref_slice %arg22[%mul3A_269] : memref<1024xi32, #tpu.memory_space<vmem>> -> memref<32xi32, #tpu.memory_space<vmem>>
        %dma_start3A_291 = arith.constant 0 : i32
        %dma_start3A_292 = arith.constant 0 : i32
        %dma_start3A_293 = tpu.memref_slice %arg2[%dma_start3A_291, %dma_start3A_292] : memref<6144x192xf32, #tpu.memory_space<hbm>> -> memref<6144x192xf32, #tpu.memory_space<hbm>>
        tpu.enqueue_indirect_dma source(%dma_start3A_293 : memref<6144x192xf32, #tpu.memory_space<hbm>>) target(%arg28 : memref<32x192xf32, #tpu.memory_space<vmem>>) offsets(%dma_start3A_290 : memref<32xi32, #tpu.memory_space<vmem>>) semaphore(%arg41 : memref<!tpu.dma_semaphore, #tpu.memory_space<semaphore_mem>>)
        %dma_start3A_294 = tpu.memref_slice %arg16[%mul3A_269] : memref<1024xi32, #tpu.memory_space<vmem>> -> memref<32xi32, #tpu.memory_space<vmem>>
        %dma_start3A_295 = arith.constant 0 : i32
        %dma_start3A_296 = arith.constant 0 : i32
        %dma_start3A_297 = tpu.memref_slice %arg3[%dma_start3A_295, %dma_start3A_296] : memref<8192x192xf32, #tpu.memory_space<hbm>> -> memref<8192x192xf32, #tpu.memory_space<hbm>>
        tpu.enqueue_indirect_dma source(%dma_start3A_297 : memref<8192x192xf32, #tpu.memory_space<hbm>>) target(%arg29 : memref<32x192xf32, #tpu.memory_space<vmem>>) offsets(%dma_start3A_294 : memref<32xi32, #tpu.memory_space<vmem>>) semaphore(%arg41 : memref<!tpu.dma_semaphore, #tpu.memory_space<semaphore_mem>>)
      } else {
      }
      %dma_wait3A_204 = arith.constant 0 : i32
      %dma_wait3A_205 = arith.constant 0 : i32
      %dma_wait3A_206 = tpu.memref_slice %arg2[%dma_wait3A_204, %dma_wait3A_205] : memref<6144x192xf32, #tpu.memory_space<hbm>> -> memref<32x192xf32, #tpu.memory_space<hbm>>
      %dma_wait3A_207 = arith.constant 0 : i32
      %dma_wait3A_208 = arith.constant 0 : i32
      %dma_wait3A_209 = tpu.memref_slice %arg2[%dma_wait3A_207, %dma_wait3A_208] : memref<6144x192xf32, #tpu.memory_space<hbm>> -> memref<32x192xf32, #tpu.memory_space<hbm>>
      tpu.wait_dma2 semaphore(%arg42 : memref<!tpu.dma_semaphore, #tpu.memory_space<semaphore_mem>>) src(%dma_wait3A_209 : memref<32x192xf32, #tpu.memory_space<hbm>>) dst(%arg30 : memref<32x192xf32, #tpu.memory_space<vmem>>)
      %dma_wait3A_210 = arith.constant 0 : i32
      %dma_wait3A_211 = arith.constant 0 : i32
      %dma_wait3A_212 = tpu.memref_slice %arg2[%dma_wait3A_210, %dma_wait3A_211] : memref<6144x192xf32, #tpu.memory_space<hbm>> -> memref<32x192xf32, #tpu.memory_space<hbm>>
      %dma_wait3A_213 = arith.constant 0 : i32
      %dma_wait3A_214 = arith.constant 0 : i32
      %dma_wait3A_215 = tpu.memref_slice %arg2[%dma_wait3A_213, %dma_wait3A_214] : memref<6144x192xf32, #tpu.memory_space<hbm>> -> memref<32x192xf32, #tpu.memory_space<hbm>>
      tpu.wait_dma2 semaphore(%arg42 : memref<!tpu.dma_semaphore, #tpu.memory_space<semaphore_mem>>) src(%dma_wait3A_215 : memref<32x192xf32, #tpu.memory_space<hbm>>) dst(%arg31 : memref<32x192xf32, #tpu.memory_space<vmem>>)
      %dma_wait3A_216 = arith.constant 0 : i32
      %dma_wait3A_217 = arith.constant 0 : i32
      %dma_wait3A_218 = tpu.memref_slice %arg2[%dma_wait3A_216, %dma_wait3A_217] : memref<6144x192xf32, #tpu.memory_space<hbm>> -> memref<32x192xf32, #tpu.memory_space<hbm>>
      %dma_wait3A_219 = arith.constant 0 : i32
      %dma_wait3A_220 = arith.constant 0 : i32
      %dma_wait3A_221 = tpu.memref_slice %arg2[%dma_wait3A_219, %dma_wait3A_220] : memref<6144x192xf32, #tpu.memory_space<hbm>> -> memref<32x192xf32, #tpu.memory_space<hbm>>
      tpu.wait_dma2 semaphore(%arg42 : memref<!tpu.dma_semaphore, #tpu.memory_space<semaphore_mem>>) src(%dma_wait3A_221 : memref<32x192xf32, #tpu.memory_space<hbm>>) dst(%arg32 : memref<32x192xf32, #tpu.memory_space<vmem>>)
      %dma_wait3A_222 = arith.constant 0 : i32
      %dma_wait3A_223 = arith.constant 0 : i32
      %dma_wait3A_224 = tpu.memref_slice %arg2[%dma_wait3A_222, %dma_wait3A_223] : memref<6144x192xf32, #tpu.memory_space<hbm>> -> memref<32x192xf32, #tpu.memory_space<hbm>>
      %dma_wait3A_225 = arith.constant 0 : i32
      %dma_wait3A_226 = arith.constant 0 : i32
      %dma_wait3A_227 = tpu.memref_slice %arg2[%dma_wait3A_225, %dma_wait3A_226] : memref<6144x192xf32, #tpu.memory_space<hbm>> -> memref<32x192xf32, #tpu.memory_space<hbm>>
      tpu.wait_dma2 semaphore(%arg42 : memref<!tpu.dma_semaphore, #tpu.memory_space<semaphore_mem>>) src(%dma_wait3A_227 : memref<32x192xf32, #tpu.memory_space<hbm>>) dst(%arg33 : memref<32x192xf32, #tpu.memory_space<vmem>>)
      %dma_wait3A_228 = arith.constant 0 : i32
      %dma_wait3A_229 = arith.constant 0 : i32
      %dma_wait3A_230 = tpu.memref_slice %arg2[%dma_wait3A_228, %dma_wait3A_229] : memref<6144x192xf32, #tpu.memory_space<hbm>> -> memref<32x192xf32, #tpu.memory_space<hbm>>
      %dma_wait3A_231 = arith.constant 0 : i32
      %dma_wait3A_232 = arith.constant 0 : i32
      %dma_wait3A_233 = tpu.memref_slice %arg2[%dma_wait3A_231, %dma_wait3A_232] : memref<6144x192xf32, #tpu.memory_space<hbm>> -> memref<32x192xf32, #tpu.memory_space<hbm>>
      tpu.wait_dma2 semaphore(%arg42 : memref<!tpu.dma_semaphore, #tpu.memory_space<semaphore_mem>>) src(%dma_wait3A_233 : memref<32x192xf32, #tpu.memory_space<hbm>>) dst(%arg34 : memref<32x192xf32, #tpu.memory_space<vmem>>)
      %dma_wait3A_234 = arith.constant 0 : i32
      %dma_wait3A_235 = arith.constant 0 : i32
      %dma_wait3A_236 = tpu.memref_slice %arg2[%dma_wait3A_234, %dma_wait3A_235] : memref<6144x192xf32, #tpu.memory_space<hbm>> -> memref<32x192xf32, #tpu.memory_space<hbm>>
      %dma_wait3A_237 = arith.constant 0 : i32
      %dma_wait3A_238 = arith.constant 0 : i32
      %dma_wait3A_239 = tpu.memref_slice %arg2[%dma_wait3A_237, %dma_wait3A_238] : memref<6144x192xf32, #tpu.memory_space<hbm>> -> memref<32x192xf32, #tpu.memory_space<hbm>>
      tpu.wait_dma2 semaphore(%arg42 : memref<!tpu.dma_semaphore, #tpu.memory_space<semaphore_mem>>) src(%dma_wait3A_239 : memref<32x192xf32, #tpu.memory_space<hbm>>) dst(%arg35 : memref<32x192xf32, #tpu.memory_space<vmem>>)
      %dma_wait3A_240 = arith.constant 0 : i32
      %dma_wait3A_241 = arith.constant 0 : i32
      %dma_wait3A_242 = tpu.memref_slice %arg2[%dma_wait3A_240, %dma_wait3A_241] : memref<6144x192xf32, #tpu.memory_space<hbm>> -> memref<32x192xf32, #tpu.memory_space<hbm>>
      %dma_wait3A_243 = arith.constant 0 : i32
      %dma_wait3A_244 = arith.constant 0 : i32
      %dma_wait3A_245 = tpu.memref_slice %arg2[%dma_wait3A_243, %dma_wait3A_244] : memref<6144x192xf32, #tpu.memory_space<hbm>> -> memref<32x192xf32, #tpu.memory_space<hbm>>
      tpu.wait_dma2 semaphore(%arg42 : memref<!tpu.dma_semaphore, #tpu.memory_space<semaphore_mem>>) src(%dma_wait3A_245 : memref<32x192xf32, #tpu.memory_space<hbm>>) dst(%arg36 : memref<32x192xf32, #tpu.memory_space<vmem>>)
      %add3A_246 = arith.constant 1 : i32
      %add3A_247 = arith.addi %mul3A_108, %add3A_246 : i32
      %ge3A_248 = arith.constant 2 : i32
      %ge3A_249 = arith.cmpi sge, %add3A_247, %ge3A_248 : i32
      %convert_element_type3A_250 = arith.extui %ge3A_249 : i1 to i32
      %cond3A_251 = arith.constant 0 : i32
      %cond3A_252 = arith.cmpi ne, %convert_element_type3A_250, %cond3A_251 : i32
      scf.if %cond3A_252 {
        %sub3A = arith.constant 2 : i32
        %sub3A_266 = arith.subi %add3A_247, %sub3A : i32
        %mul3A_267 = arith.constant 32 : i32
        %mul3A_268 = arith.muli %sub3A_266, %mul3A_267 : i32
        %add3A_269 = arith.addi %mul3A_2, %mul3A_268 : i32
        %dma_wait3A_270 = arith.constant 0 : i32
        %dma_wait3A_271 = tpu.memref_slice %arg11[%add3A_269, %dma_wait3A_270] : memref<32768x192xf32, #tpu.memory_space<hbm>> -> memref<32x192xf32, #tpu.memory_space<hbm>>
        %dma_wait3A_272 = arith.constant 0 : i32
        %dma_wait3A_273 = tpu.memref_slice %arg11[%add3A_269, %dma_wait3A_272] : memref<32768x192xf32, #tpu.memory_space<hbm>> -> memref<32x192xf32, #tpu.memory_space<hbm>>
        tpu.wait_dma2 semaphore(%arg44 : memref<!tpu.dma_semaphore, #tpu.memory_space<semaphore_mem>>) src(%arg38 : memref<32x192xf32, #tpu.memory_space<vmem>>) dst(%dma_wait3A_273 : memref<32x192xf32, #tpu.memory_space<hbm>>)
      } else {
      }
      %scan3A_253 = arith.constant 0 : i32
      %scan3A_254 = arith.constant 0 : i32
      %scan3A_255 = arith.constant 32 : i32
      %scan3A_256 = arith.addi %scan3A_254, %scan3A_255 : i32
      %scan3A_257 = arith.constant 1 : i32
      scf.for %scan3A_266 = %scan3A_254 to %scan3A_256 step %scan3A_257  : i32 {
        %broadcast_in_dim3A = arith.constant 0.000000e+00 : f32
        %broadcast_in_dim3A_267 = vector.broadcast %broadcast_in_dim3A : f32 to vector<16xf32>
        %broadcast_in_dim3A_268 = arith.constant 0.000000e+00 : f32
        %broadcast_in_dim3A_269 = vector.broadcast %broadcast_in_dim3A_268 : f32 to vector<16xf32>
        %get3A_270 = arith.index_cast %scan3A_266 : i32 to index
        %get3A_271 = arith.constant 0 : index
        %get3A_272 = tpu.vector_load %arg30[%get3A_270, %get3A_271] {strides = array<i32>} : memref<32x192xf32, #tpu.memory_space<vmem>>, vector<16xf32>,
        %get3A_273 = arith.index_cast %scan3A_266 : i32 to index
        %get3A_274 = arith.constant 0 : index
        %get3A_275 = tpu.vector_load %arg31[%get3A_273, %get3A_274] {strides = array<i32>} : memref<32x192xf32, #tpu.memory_space<vmem>>, vector<16xf32>,
        %add3A_276 = arith.addf %get3A_272, %get3A_275 : vector<16xf32>
        %get3A_277 = arith.index_cast %scan3A_266 : i32 to index
        %get3A_278 = arith.constant 0 : index
        %get3A_279 = tpu.vector_load %arg32[%get3A_277, %get3A_278] {strides = array<i32>} : memref<32x192xf32, #tpu.memory_space<vmem>>, vector<16xf32>,
        %add3A_280 = arith.addf %add3A_276, %get3A_279 : vector<16xf32>
        %get3A_281 = arith.index_cast %scan3A_266 : i32 to index
        %get3A_282 = arith.constant 0 : index
        %get3A_283 = tpu.vector_load %arg33[%get3A_281, %get3A_282] {strides = array<i32>} : memref<32x192xf32, #tpu.memory_space<vmem>>, vector<16xf32>,
        %add3A_284 = arith.addf %add3A_280, %get3A_283 : vector<16xf32>
        %get3A_285 = arith.index_cast %scan3A_266 : i32 to index
        %get3A_286 = arith.constant 0 : index
        %get3A_287 = tpu.vector_load %arg34[%get3A_285, %get3A_286] {strides = array<i32>} : memref<32x192xf32, #tpu.memory_space<vmem>>, vector<16xf32>,
        %add3A_288 = arith.addf %add3A_284, %get3A_287 : vector<16xf32>
        %get3A_289 = arith.index_cast %scan3A_266 : i32 to index
        %get3A_290 = arith.constant 0 : index
        %get3A_291 = tpu.vector_load %arg35[%get3A_289, %get3A_290] {strides = array<i32>} : memref<32x192xf32, #tpu.memory_space<vmem>>, vector<16xf32>,
        %add3A_292 = arith.addf %add3A_288, %get3A_291 : vector<16xf32>
        %get3A_293 = arith.index_cast %scan3A_266 : i32 to index
        %get3A_294 = arith.constant 0 : index
        %get3A_295 = tpu.vector_load %arg36[%get3A_293, %get3A_294] {strides = array<i32>} : memref<32x192xf32, #tpu.memory_space<vmem>>, vector<16xf32>,
        %add3A_296 = arith.addf %add3A_292, %get3A_295 : vector<16xf32>
        %add3A_297 = arith.addf %broadcast_in_dim3A_267, %add3A_296 : vector<16xf32>
        %mul3A_298 = arith.mulf %add3A_296, %add3A_296 : vector<16xf32>
        %add3A_299 = arith.addf %broadcast_in_dim3A_269, %mul3A_298 : vector<16xf32>
        %get3A_300 = arith.index_cast %scan3A_266 : i32 to index
        %get3A_301 = arith.constant 16 : index
        %get3A_302 = tpu.vector_load %arg30[%get3A_300, %get3A_301] {strides = array<i32>} : memref<32x192xf32, #tpu.memory_space<vmem>>, vector<16xf32>,
        %get3A_303 = arith.index_cast %scan3A_266 : i32 to index
        %get3A_304 = arith.constant 16 : index
        %get3A_305 = tpu.vector_load %arg31[%get3A_303, %get3A_304] {strides = array<i32>} : memref<32x192xf32, #tpu.memory_space<vmem>>, vector<16xf32>,
        %add3A_306 = arith.addf %get3A_302, %get3A_305 : vector<16xf32>
        %get3A_307 = arith.index_cast %scan3A_266 : i32 to index
        %get3A_308 = arith.constant 16 : index
        %get3A_309 = tpu.vector_load %arg32[%get3A_307, %get3A_308] {strides = array<i32>} : memref<32x192xf32, #tpu.memory_space<vmem>>, vector<16xf32>,
        %add3A_310 = arith.addf %add3A_306, %get3A_309 : vector<16xf32>
        %get3A_311 = arith.index_cast %scan3A_266 : i32 to index
        %get3A_312 = arith.constant 16 : index
        %get3A_313 = tpu.vector_load %arg33[%get3A_311, %get3A_312] {strides = array<i32>} : memref<32x192xf32, #tpu.memory_space<vmem>>, vector<16xf32>,
        %add3A_314 = arith.addf %add3A_310, %get3A_313 : vector<16xf32>
        %get3A_315 = arith.index_cast %scan3A_266 : i32 to index
        %get3A_316 = arith.constant 16 : index
        %get3A_317 = tpu.vector_load %arg34[%get3A_315, %get3A_316] {strides = array<i32>} : memref<32x192xf32, #tpu.memory_space<vmem>>, vector<16xf32>,
        %add3A_318 = arith.addf %add3A_314, %get3A_317 : vector<16xf32>
        %get3A_319 = arith.index_cast %scan3A_266 : i32 to index
        %get3A_320 = arith.constant 16 : index
        %get3A_321 = tpu.vector_load %arg35[%get3A_319, %get3A_320] {strides = array<i32>} : memref<32x192xf32, #tpu.memory_space<vmem>>, vector<16xf32>,
        %add3A_322 = arith.addf %add3A_318, %get3A_321 : vector<16xf32>
        %get3A_323 = arith.index_cast %scan3A_266 : i32 to index
        %get3A_324 = arith.constant 16 : index
        %get3A_325 = tpu.vector_load %arg36[%get3A_323, %get3A_324] {strides = array<i32>} : memref<32x192xf32, #tpu.memory_space<vmem>>, vector<16xf32>,
        %add3A_326 = arith.addf %add3A_322, %get3A_325 : vector<16xf32>
        %add3A_327 = arith.addf %add3A_297, %add3A_326 : vector<16xf32>
        %mul3A_328 = arith.mulf %add3A_326, %add3A_326 : vector<16xf32>
        %add3A_329 = arith.addf %add3A_299, %mul3A_328 : vector<16xf32>
        %get3A_330 = arith.index_cast %scan3A_266 : i32 to index
        %get3A_331 = arith.constant 32 : index
        %get3A_332 = tpu.vector_load %arg30[%get3A_330, %get3A_331] {strides = array<i32>} : memref<32x192xf32, #tpu.memory_space<vmem>>, vector<16xf32>,
        %get3A_333 = arith.index_cast %scan3A_266 : i32 to index
        %get3A_334 = arith.constant 32 : index
        %get3A_335 = tpu.vector_load %arg31[%get3A_333, %get3A_334] {strides = array<i32>} : memref<32x192xf32, #tpu.memory_space<vmem>>, vector<16xf32>,
        %add3A_336 = arith.addf %get3A_332, %get3A_335 : vector<16xf32>
        %get3A_337 = arith.index_cast %scan3A_266 : i32 to index
        %get3A_338 = arith.constant 32 : index
        %get3A_339 = tpu.vector_load %arg32[%get3A_337, %get3A_338] {strides = array<i32>} : memref<32x192xf32, #tpu.memory_space<vmem>>, vector<16xf32>,
        %add3A_340 = arith.addf %add3A_336, %get3A_339 : vector<16xf32>
        %get3A_341 = arith.index_cast %scan3A_266 : i32 to index
        %get3A_342 = arith.constant 32 : index
        %get3A_343 = tpu.vector_load %arg33[%get3A_341, %get3A_342] {strides = array<i32>} : memref<32x192xf32, #tpu.memory_space<vmem>>, vector<16xf32>,
        %add3A_344 = arith.addf %add3A_340, %get3A_343 : vector<16xf32>
        %get3A_345 = arith.index_cast %scan3A_266 : i32 to index
        %get3A_346 = arith.constant 32 : index
        %get3A_347 = tpu.vector_load %arg34[%get3A_345, %get3A_346] {strides = array<i32>} : memref<32x192xf32, #tpu.memory_space<vmem>>, vector<16xf32>,
        %add3A_348 = arith.addf %add3A_344, %get3A_347 : vector<16xf32>
        %get3A_349 = arith.index_cast %scan3A_266 : i32 to index
        %get3A_350 = arith.constant 32 : index
        %get3A_351 = tpu.vector_load %arg35[%get3A_349, %get3A_350] {strides = array<i32>} : memref<32x192xf32, #tpu.memory_space<vmem>>, vector<16xf32>,
        %add3A_352 = arith.addf %add3A_348, %get3A_351 : vector<16xf32>
        %get3A_353 = arith.index_cast %scan3A_266 : i32 to index
        %get3A_354 = arith.constant 32 : index
        %get3A_355 = tpu.vector_load %arg36[%get3A_353, %get3A_354] {strides = array<i32>} : memref<32x192xf32, #tpu.memory_space<vmem>>, vector<16xf32>,
        %add3A_356 = arith.addf %add3A_352, %get3A_355 : vector<16xf32>
        %add3A_357 = arith.addf %add3A_327, %add3A_356 : vector<16xf32>
        %mul3A_358 = arith.mulf %add3A_356, %add3A_356 : vector<16xf32>
        %add3A_359 = arith.addf %add3A_329, %mul3A_358 : vector<16xf32>
        %get3A_360 = arith.index_cast %scan3A_266 : i32 to index
        %get3A_361 = arith.constant 48 : index
        %get3A_362 = tpu.vector_load %arg30[%get3A_360, %get3A_361] {strides = array<i32>} : memref<32x192xf32, #tpu.memory_space<vmem>>, vector<16xf32>,
        %get3A_363 = arith.index_cast %scan3A_266 : i32 to index
        %get3A_364 = arith.constant 48 : index
        %get3A_365 = tpu.vector_load %arg31[%get3A_363, %get3A_364] {strides = array<i32>} : memref<32x192xf32, #tpu.memory_space<vmem>>, vector<16xf32>,
        %add3A_366 = arith.addf %get3A_362, %get3A_365 : vector<16xf32>
        %get3A_367 = arith.index_cast %scan3A_266 : i32 to index
        %get3A_368 = arith.constant 48 : index
        %get3A_369 = tpu.vector_load %arg32[%get3A_367, %get3A_368] {strides = array<i32>} : memref<32x192xf32, #tpu.memory_space<vmem>>, vector<16xf32>,
        %add3A_370 = arith.addf %add3A_366, %get3A_369 : vector<16xf32>
        %get3A_371 = arith.index_cast %scan3A_266 : i32 to index
        %get3A_372 = arith.constant 48 : index
        %get3A_373 = tpu.vector_load %arg33[%get3A_371, %get3A_372] {strides = array<i32>} : memref<32x192xf32, #tpu.memory_space<vmem>>, vector<16xf32>,
        %add3A_374 = arith.addf %add3A_370, %get3A_373 : vector<16xf32>
        %get3A_375 = arith.index_cast %scan3A_266 : i32 to index
        %get3A_376 = arith.constant 48 : index
        %get3A_377 = tpu.vector_load %arg34[%get3A_375, %get3A_376] {strides = array<i32>} : memref<32x192xf32, #tpu.memory_space<vmem>>, vector<16xf32>,
        %add3A_378 = arith.addf %add3A_374, %get3A_377 : vector<16xf32>
        %get3A_379 = arith.index_cast %scan3A_266 : i32 to index
        %get3A_380 = arith.constant 48 : index
        %get3A_381 = tpu.vector_load %arg35[%get3A_379, %get3A_380] {strides = array<i32>} : memref<32x192xf32, #tpu.memory_space<vmem>>, vector<16xf32>,
        %add3A_382 = arith.addf %add3A_378, %get3A_381 : vector<16xf32>
        %get3A_383 = arith.index_cast %scan3A_266 : i32 to index
        %get3A_384 = arith.constant 48 : index
        %get3A_385 = tpu.vector_load %arg36[%get3A_383, %get3A_384] {strides = array<i32>} : memref<32x192xf32, #tpu.memory_space<vmem>>, vector<16xf32>,
        %add3A_386 = arith.addf %add3A_382, %get3A_385 : vector<16xf32>
        %add3A_387 = arith.addf %add3A_357, %add3A_386 : vector<16xf32>
        %mul3A_388 = arith.mulf %add3A_386, %add3A_386 : vector<16xf32>
        %add3A_389 = arith.addf %add3A_359, %mul3A_388 : vector<16xf32>
        %get3A_390 = arith.index_cast %scan3A_266 : i32 to index
        %get3A_391 = arith.constant 64 : index
        %get3A_392 = tpu.vector_load %arg30[%get3A_390, %get3A_391] {strides = array<i32>} : memref<32x192xf32, #tpu.memory_space<vmem>>, vector<16xf32>,
        %get3A_393 = arith.index_cast %scan3A_266 : i32 to index
        %get3A_394 = arith.constant 64 : index
        %get3A_395 = tpu.vector_load %arg31[%get3A_393, %get3A_394] {strides = array<i32>} : memref<32x192xf32, #tpu.memory_space<vmem>>, vector<16xf32>,
        %add3A_396 = arith.addf %get3A_392, %get3A_395 : vector<16xf32>
        %get3A_397 = arith.index_cast %scan3A_266 : i32 to index
        %get3A_398 = arith.constant 64 : index
        %get3A_399 = tpu.vector_load %arg32[%get3A_397, %get3A_398] {strides = array<i32>} : memref<32x192xf32, #tpu.memory_space<vmem>>, vector<16xf32>,
        %add3A_400 = arith.addf %add3A_396, %get3A_399 : vector<16xf32>
        %get3A_401 = arith.index_cast %scan3A_266 : i32 to index
        %get3A_402 = arith.constant 64 : index
        %get3A_403 = tpu.vector_load %arg33[%get3A_401, %get3A_402] {strides = array<i32>} : memref<32x192xf32, #tpu.memory_space<vmem>>, vector<16xf32>,
        %add3A_404 = arith.addf %add3A_400, %get3A_403 : vector<16xf32>
        %get3A_405 = arith.index_cast %scan3A_266 : i32 to index
        %get3A_406 = arith.constant 64 : index
        %get3A_407 = tpu.vector_load %arg34[%get3A_405, %get3A_406] {strides = array<i32>} : memref<32x192xf32, #tpu.memory_space<vmem>>, vector<16xf32>,
        %add3A_408 = arith.addf %add3A_404, %get3A_407 : vector<16xf32>
        %get3A_409 = arith.index_cast %scan3A_266 : i32 to index
        %get3A_410 = arith.constant 64 : index
        %get3A_411 = tpu.vector_load %arg35[%get3A_409, %get3A_410] {strides = array<i32>} : memref<32x192xf32, #tpu.memory_space<vmem>>, vector<16xf32>,
        %add3A_412 = arith.addf %add3A_408, %get3A_411 : vector<16xf32>
        %get3A_413 = arith.index_cast %scan3A_266 : i32 to index
        %get3A_414 = arith.constant 64 : index
        %get3A_415 = tpu.vector_load %arg36[%get3A_413, %get3A_414] {strides = array<i32>} : memref<32x192xf32, #tpu.memory_space<vmem>>, vector<16xf32>,
        %add3A_416 = arith.addf %add3A_412, %get3A_415 : vector<16xf32>
        %add3A_417 = arith.addf %add3A_387, %add3A_416 : vector<16xf32>
        %mul3A_418 = arith.mulf %add3A_416, %add3A_416 : vector<16xf32>
        %add3A_419 = arith.addf %add3A_389, %mul3A_418 : vector<16xf32>
        %get3A_420 = arith.index_cast %scan3A_266 : i32 to index
        %get3A_421 = arith.constant 80 : index
        %get3A_422 = tpu.vector_load %arg30[%get3A_420, %get3A_421] {strides = array<i32>} : memref<32x192xf32, #tpu.memory_space<vmem>>, vector<16xf32>,
        %get3A_423 = arith.index_cast %scan3A_266 : i32 to index
        %get3A_424 = arith.constant 80 : index
        %get3A_425 = tpu.vector_load %arg31[%get3A_423, %get3A_424] {strides = array<i32>} : memref<32x192xf32, #tpu.memory_space<vmem>>, vector<16xf32>,
        %add3A_426 = arith.addf %get3A_422, %get3A_425 : vector<16xf32>
        %get3A_427 = arith.index_cast %scan3A_266 : i32 to index
        %get3A_428 = arith.constant 80 : index
        %get3A_429 = tpu.vector_load %arg32[%get3A_427, %get3A_428] {strides = array<i32>} : memref<32x192xf32, #tpu.memory_space<vmem>>, vector<16xf32>,
        %add3A_430 = arith.addf %add3A_426, %get3A_429 : vector<16xf32>
        %get3A_431 = arith.index_cast %scan3A_266 : i32 to index
        %get3A_432 = arith.constant 80 : index
        %get3A_433 = tpu.vector_load %arg33[%get3A_431, %get3A_432] {strides = array<i32>} : memref<32x192xf32, #tpu.memory_space<vmem>>, vector<16xf32>,
        %add3A_434 = arith.addf %add3A_430, %get3A_433 : vector<16xf32>
        %get3A_435 = arith.index_cast %scan3A_266 : i32 to index
        %get3A_436 = arith.constant 80 : index
        %get3A_437 = tpu.vector_load %arg34[%get3A_435, %get3A_436] {strides = array<i32>} : memref<32x192xf32, #tpu.memory_space<vmem>>, vector<16xf32>,
        %add3A_438 = arith.addf %add3A_434, %get3A_437 : vector<16xf32>
        %get3A_439 = arith.index_cast %scan3A_266 : i32 to index
        %get3A_440 = arith.constant 80 : index
        %get3A_441 = tpu.vector_load %arg35[%get3A_439, %get3A_440] {strides = array<i32>} : memref<32x192xf32, #tpu.memory_space<vmem>>, vector<16xf32>,
        %add3A_442 = arith.addf %add3A_438, %get3A_441 : vector<16xf32>
        %get3A_443 = arith.index_cast %scan3A_266 : i32 to index
        %get3A_444 = arith.constant 80 : index
        %get3A_445 = tpu.vector_load %arg36[%get3A_443, %get3A_444] {strides = array<i32>} : memref<32x192xf32, #tpu.memory_space<vmem>>, vector<16xf32>,
        %add3A_446 = arith.addf %add3A_442, %get3A_445 : vector<16xf32>
        %add3A_447 = arith.addf %add3A_417, %add3A_446 : vector<16xf32>
        %mul3A_448 = arith.mulf %add3A_446, %add3A_446 : vector<16xf32>
        %add3A_449 = arith.addf %add3A_419, %mul3A_448 : vector<16xf32>
        %get3A_450 = arith.index_cast %scan3A_266 : i32 to index
        %get3A_451 = arith.constant 96 : index
        %get3A_452 = tpu.vector_load %arg30[%get3A_450, %get3A_451] {strides = array<i32>} : memref<32x192xf32, #tpu.memory_space<vmem>>, vector<16xf32>,
        %get3A_453 = arith.index_cast %scan3A_266 : i32 to index
        %get3A_454 = arith.constant 96 : index
        %get3A_455 = tpu.vector_load %arg31[%get3A_453, %get3A_454] {strides = array<i32>} : memref<32x192xf32, #tpu.memory_space<vmem>>, vector<16xf32>,
        %add3A_456 = arith.addf %get3A_452, %get3A_455 : vector<16xf32>
        %get3A_457 = arith.index_cast %scan3A_266 : i32 to index
        %get3A_458 = arith.constant 96 : index
        %get3A_459 = tpu.vector_load %arg32[%get3A_457, %get3A_458] {strides = array<i32>} : memref<32x192xf32, #tpu.memory_space<vmem>>, vector<16xf32>,
        %add3A_460 = arith.addf %add3A_456, %get3A_459 : vector<16xf32>
        %get3A_461 = arith.index_cast %scan3A_266 : i32 to index
        %get3A_462 = arith.constant 96 : index
        %get3A_463 = tpu.vector_load %arg33[%get3A_461, %get3A_462] {strides = array<i32>} : memref<32x192xf32, #tpu.memory_space<vmem>>, vector<16xf32>,
        %add3A_464 = arith.addf %add3A_460, %get3A_463 : vector<16xf32>
        %get3A_465 = arith.index_cast %scan3A_266 : i32 to index
        %get3A_466 = arith.constant 96 : index
        %get3A_467 = tpu.vector_load %arg34[%get3A_465, %get3A_466] {strides = array<i32>} : memref<32x192xf32, #tpu.memory_space<vmem>>, vector<16xf32>,
        %add3A_468 = arith.addf %add3A_464, %get3A_467 : vector<16xf32>
        %get3A_469 = arith.index_cast %scan3A_266 : i32 to index
        %get3A_470 = arith.constant 96 : index
        %get3A_471 = tpu.vector_load %arg35[%get3A_469, %get3A_470] {strides = array<i32>} : memref<32x192xf32, #tpu.memory_space<vmem>>, vector<16xf32>,
        %add3A_472 = arith.addf %add3A_468, %get3A_471 : vector<16xf32>
        %get3A_473 = arith.index_cast %scan3A_266 : i32 to index
        %get3A_474 = arith.constant 96 : index
        %get3A_475 = tpu.vector_load %arg36[%get3A_473, %get3A_474] {strides = array<i32>} : memref<32x192xf32, #tpu.memory_space<vmem>>, vector<16xf32>,
        %add3A_476 = arith.addf %add3A_472, %get3A_475 : vector<16xf32>
        %add3A_477 = arith.addf %add3A_447, %add3A_476 : vector<16xf32>
        %mul3A_478 = arith.mulf %add3A_476, %add3A_476 : vector<16xf32>
        %add3A_479 = arith.addf %add3A_449, %mul3A_478 : vector<16xf32>
        %get3A_480 = arith.index_cast %scan3A_266 : i32 to index
        %get3A_481 = arith.constant 112 : index
        %get3A_482 = tpu.vector_load %arg30[%get3A_480, %get3A_481] {strides = array<i32>} : memref<32x192xf32, #tpu.memory_space<vmem>>, vector<16xf32>,
        %get3A_483 = arith.index_cast %scan3A_266 : i32 to index
        %get3A_484 = arith.constant 112 : index
        %get3A_485 = tpu.vector_load %arg31[%get3A_483, %get3A_484] {strides = array<i32>} : memref<32x192xf32, #tpu.memory_space<vmem>>, vector<16xf32>,
        %add3A_486 = arith.addf %get3A_482, %get3A_485 : vector<16xf32>
        %get3A_487 = arith.index_cast %scan3A_266 : i32 to index
        %get3A_488 = arith.constant 112 : index
        %get3A_489 = tpu.vector_load %arg32[%get3A_487, %get3A_488] {strides = array<i32>} : memref<32x192xf32, #tpu.memory_space<vmem>>, vector<16xf32>,
        %add3A_490 = arith.addf %add3A_486, %get3A_489 : vector<16xf32>
        %get3A_491 = arith.index_cast %scan3A_266 : i32 to index
        %get3A_492 = arith.constant 112 : index
        %get3A_493 = tpu.vector_load %arg33[%get3A_491, %get3A_492] {strides = array<i32>} : memref<32x192xf32, #tpu.memory_space<vmem>>, vector<16xf32>,
        %add3A_494 = arith.addf %add3A_490, %get3A_493 : vector<16xf32>
        %get3A_495 = arith.index_cast %scan3A_266 : i32 to index
        %get3A_496 = arith.constant 112 : index
        %get3A_497 = tpu.vector_load %arg34[%get3A_495, %get3A_496] {strides = array<i32>} : memref<32x192xf32, #tpu.memory_space<vmem>>, vector<16xf32>,
        %add3A_498 = arith.addf %add3A_494, %get3A_497 : vector<16xf32>
        %get3A_499 = arith.index_cast %scan3A_266 : i32 to index
        %get3A_500 = arith.constant 112 : index
        %get3A_501 = tpu.vector_load %arg35[%get3A_499, %get3A_500] {strides = array<i32>} : memref<32x192xf32, #tpu.memory_space<vmem>>, vector<16xf32>,
        %add3A_502 = arith.addf %add3A_498, %get3A_501 : vector<16xf32>
        %get3A_503 = arith.index_cast %scan3A_266 : i32 to index
        %get3A_504 = arith.constant 112 : index
        %get3A_505 = tpu.vector_load %arg36[%get3A_503, %get3A_504] {strides = array<i32>} : memref<32x192xf32, #tpu.memory_space<vmem>>, vector<16xf32>,
        %add3A_506 = arith.addf %add3A_502, %get3A_505 : vector<16xf32>
        %add3A_507 = arith.addf %add3A_477, %add3A_506 : vector<16xf32>
        %mul3A_508 = arith.mulf %add3A_506, %add3A_506 : vector<16xf32>
        %add3A_509 = arith.addf %add3A_479, %mul3A_508 : vector<16xf32>
        %get3A_510 = arith.index_cast %scan3A_266 : i32 to index
        %get3A_511 = arith.constant 128 : index
        %get3A_512 = tpu.vector_load %arg30[%get3A_510, %get3A_511] {strides = array<i32>} : memref<32x192xf32, #tpu.memory_space<vmem>>, vector<16xf32>,
        %get3A_513 = arith.index_cast %scan3A_266 : i32 to index
        %get3A_514 = arith.constant 128 : index
        %get3A_515 = tpu.vector_load %arg31[%get3A_513, %get3A_514] {strides = array<i32>} : memref<32x192xf32, #tpu.memory_space<vmem>>, vector<16xf32>,
        %add3A_516 = arith.addf %get3A_512, %get3A_515 : vector<16xf32>
        %get3A_517 = arith.index_cast %scan3A_266 : i32 to index
        %get3A_518 = arith.constant 128 : index
        %get3A_519 = tpu.vector_load %arg32[%get3A_517, %get3A_518] {strides = array<i32>} : memref<32x192xf32, #tpu.memory_space<vmem>>, vector<16xf32>,
        %add3A_520 = arith.addf %add3A_516, %get3A_519 : vector<16xf32>
        %get3A_521 = arith.index_cast %scan3A_266 : i32 to index
        %get3A_522 = arith.constant 128 : index
        %get3A_523 = tpu.vector_load %arg33[%get3A_521, %get3A_522] {strides = array<i32>} : memref<32x192xf32, #tpu.memory_space<vmem>>, vector<16xf32>,
        %add3A_524 = arith.addf %add3A_520, %get3A_523 : vector<16xf32>
        %get3A_525 = arith.index_cast %scan3A_266 : i32 to index
        %get3A_526 = arith.constant 128 : index
        %get3A_527 = tpu.vector_load %arg34[%get3A_525, %get3A_526] {strides = array<i32>} : memref<32x192xf32, #tpu.memory_space<vmem>>, vector<16xf32>,
        %add3A_528 = arith.addf %add3A_524, %get3A_527 : vector<16xf32>
        %get3A_529 = arith.index_cast %scan3A_266 : i32 to index
        %get3A_530 = arith.constant 128 : index
        %get3A_531 = tpu.vector_load %arg35[%get3A_529, %get3A_530] {strides = array<i32>} : memref<32x192xf32, #tpu.memory_space<vmem>>, vector<16xf32>,
        %add3A_532 = arith.addf %add3A_528, %get3A_531 : vector<16xf32>
        %get3A_533 = arith.index_cast %scan3A_266 : i32 to index
        %get3A_534 = arith.constant 128 : index
        %get3A_535 = tpu.vector_load %arg36[%get3A_533, %get3A_534] {strides = array<i32>} : memref<32x192xf32, #tpu.memory_space<vmem>>, vector<16xf32>,
        %add3A_536 = arith.addf %add3A_532, %get3A_535 : vector<16xf32>
        %add3A_537 = arith.addf %add3A_507, %add3A_536 : vector<16xf32>
        %mul3A_538 = arith.mulf %add3A_536, %add3A_536 : vector<16xf32>
        %add3A_539 = arith.addf %add3A_509, %mul3A_538 : vector<16xf32>
        %get3A_540 = arith.index_cast %scan3A_266 : i32 to index
        %get3A_541 = arith.constant 144 : index
        %get3A_542 = tpu.vector_load %arg30[%get3A_540, %get3A_541] {strides = array<i32>} : memref<32x192xf32, #tpu.memory_space<vmem>>, vector<16xf32>,
        %get3A_543 = arith.index_cast %scan3A_266 : i32 to index
        %get3A_544 = arith.constant 144 : index
        %get3A_545 = tpu.vector_load %arg31[%get3A_543, %get3A_544] {strides = array<i32>} : memref<32x192xf32, #tpu.memory_space<vmem>>, vector<16xf32>,
        %add3A_546 = arith.addf %get3A_542, %get3A_545 : vector<16xf32>
        %get3A_547 = arith.index_cast %scan3A_266 : i32 to index
        %get3A_548 = arith.constant 144 : index
        %get3A_549 = tpu.vector_load %arg32[%get3A_547, %get3A_548] {strides = array<i32>} : memref<32x192xf32, #tpu.memory_space<vmem>>, vector<16xf32>,
        %add3A_550 = arith.addf %add3A_546, %get3A_549 : vector<16xf32>
        %get3A_551 = arith.index_cast %scan3A_266 : i32 to index
        %get3A_552 = arith.constant 144 : index
        %get3A_553 = tpu.vector_load %arg33[%get3A_551, %get3A_552] {strides = array<i32>} : memref<32x192xf32, #tpu.memory_space<vmem>>, vector<16xf32>,
        %add3A_554 = arith.addf %add3A_550, %get3A_553 : vector<16xf32>
        %get3A_555 = arith.index_cast %scan3A_266 : i32 to index
        %get3A_556 = arith.constant 144 : index
        %get3A_557 = tpu.vector_load %arg34[%get3A_555, %get3A_556] {strides = array<i32>} : memref<32x192xf32, #tpu.memory_space<vmem>>, vector<16xf32>,
        %add3A_558 = arith.addf %add3A_554, %get3A_557 : vector<16xf32>
        %get3A_559 = arith.index_cast %scan3A_266 : i32 to index
        %get3A_560 = arith.constant 144 : index
        %get3A_561 = tpu.vector_load %arg35[%get3A_559, %get3A_560] {strides = array<i32>} : memref<32x192xf32, #tpu.memory_space<vmem>>, vector<16xf32>,
        %add3A_562 = arith.addf %add3A_558, %get3A_561 : vector<16xf32>
        %get3A_563 = arith.index_cast %scan3A_266 : i32 to index
        %get3A_564 = arith.constant 144 : index
        %get3A_565 = tpu.vector_load %arg36[%get3A_563, %get3A_564] {strides = array<i32>} : memref<32x192xf32, #tpu.memory_space<vmem>>, vector<16xf32>,
        %add3A_566 = arith.addf %add3A_562, %get3A_565 : vector<16xf32>
        %add3A_567 = arith.addf %add3A_537, %add3A_566 : vector<16xf32>
        %mul3A_568 = arith.mulf %add3A_566, %add3A_566 : vector<16xf32>
        %add3A_569 = arith.addf %add3A_539, %mul3A_568 : vector<16xf32>
        %get3A_570 = arith.index_cast %scan3A_266 : i32 to index
        %get3A_571 = arith.constant 160 : index
        %get3A_572 = tpu.vector_load %arg30[%get3A_570, %get3A_571] {strides = array<i32>} : memref<32x192xf32, #tpu.memory_space<vmem>>, vector<16xf32>,
        %get3A_573 = arith.index_cast %scan3A_266 : i32 to index
        %get3A_574 = arith.constant 160 : index
        %get3A_575 = tpu.vector_load %arg31[%get3A_573, %get3A_574] {strides = array<i32>} : memref<32x192xf32, #tpu.memory_space<vmem>>, vector<16xf32>,
        %add3A_576 = arith.addf %get3A_572, %get3A_575 : vector<16xf32>
        %get3A_577 = arith.index_cast %scan3A_266 : i32 to index
        %get3A_578 = arith.constant 160 : index
        %get3A_579 = tpu.vector_load %arg32[%get3A_577, %get3A_578] {strides = array<i32>} : memref<32x192xf32, #tpu.memory_space<vmem>>, vector<16xf32>,
        %add3A_580 = arith.addf %add3A_576, %get3A_579 : vector<16xf32>
        %get3A_581 = arith.index_cast %scan3A_266 : i32 to index
        %get3A_582 = arith.constant 160 : index
        %get3A_583 = tpu.vector_load %arg33[%get3A_581, %get3A_582] {strides = array<i32>} : memref<32x192xf32, #tpu.memory_space<vmem>>, vector<16xf32>,
        %add3A_584 = arith.addf %add3A_580, %get3A_583 : vector<16xf32>
        %get3A_585 = arith.index_cast %scan3A_266 : i32 to index
        %get3A_586 = arith.constant 160 : index
        %get3A_587 = tpu.vector_load %arg34[%get3A_585, %get3A_586] {strides = array<i32>} : memref<32x192xf32, #tpu.memory_space<vmem>>, vector<16xf32>,
        %add3A_588 = arith.addf %add3A_584, %get3A_587 : vector<16xf32>
        %get3A_589 = arith.index_cast %scan3A_266 : i32 to index
        %get3A_590 = arith.constant 160 : index
        %get3A_591 = tpu.vector_load %arg35[%get3A_589, %get3A_590] {strides = array<i32>} : memref<32x192xf32, #tpu.memory_space<vmem>>, vector<16xf32>,
        %add3A_592 = arith.addf %add3A_588, %get3A_591 : vector<16xf32>
        %get3A_593 = arith.index_cast %scan3A_266 : i32 to index
        %get3A_594 = arith.constant 160 : index
        %get3A_595 = tpu.vector_load %arg36[%get3A_593, %get3A_594] {strides = array<i32>} : memref<32x192xf32, #tpu.memory_space<vmem>>, vector<16xf32>,
        %add3A_596 = arith.addf %add3A_592, %get3A_595 : vector<16xf32>
        %add3A_597 = arith.addf %add3A_567, %add3A_596 : vector<16xf32>
        %mul3A_598 = arith.mulf %add3A_596, %add3A_596 : vector<16xf32>
        %add3A_599 = arith.addf %add3A_569, %mul3A_598 : vector<16xf32>
        %get3A_600 = arith.index_cast %scan3A_266 : i32 to index
        %get3A_601 = arith.constant 176 : index
        %get3A_602 = tpu.vector_load %arg30[%get3A_600, %get3A_601] {strides = array<i32>} : memref<32x192xf32, #tpu.memory_space<vmem>>, vector<16xf32>,
        %get3A_603 = arith.index_cast %scan3A_266 : i32 to index
        %get3A_604 = arith.constant 176 : index
        %get3A_605 = tpu.vector_load %arg31[%get3A_603, %get3A_604] {strides = array<i32>} : memref<32x192xf32, #tpu.memory_space<vmem>>, vector<16xf32>,
        %add3A_606 = arith.addf %get3A_602, %get3A_605 : vector<16xf32>
        %get3A_607 = arith.index_cast %scan3A_266 : i32 to index
        %get3A_608 = arith.constant 176 : index
        %get3A_609 = tpu.vector_load %arg32[%get3A_607, %get3A_608] {strides = array<i32>} : memref<32x192xf32, #tpu.memory_space<vmem>>, vector<16xf32>,
        %add3A_610 = arith.addf %add3A_606, %get3A_609 : vector<16xf32>
        %get3A_611 = arith.index_cast %scan3A_266 : i32 to index
        %get3A_612 = arith.constant 176 : index
        %get3A_613 = tpu.vector_load %arg33[%get3A_611, %get3A_612] {strides = array<i32>} : memref<32x192xf32, #tpu.memory_space<vmem>>, vector<16xf32>,
        %add3A_614 = arith.addf %add3A_610, %get3A_613 : vector<16xf32>
        %get3A_615 = arith.index_cast %scan3A_266 : i32 to index
        %get3A_616 = arith.constant 176 : index
        %get3A_617 = tpu.vector_load %arg34[%get3A_615, %get3A_616] {strides = array<i32>} : memref<32x192xf32, #tpu.memory_space<vmem>>, vector<16xf32>,
        %add3A_618 = arith.addf %add3A_614, %get3A_617 : vector<16xf32>
        %get3A_619 = arith.index_cast %scan3A_266 : i32 to index
        %get3A_620 = arith.constant 176 : index
        %get3A_621 = tpu.vector_load %arg35[%get3A_619, %get3A_620] {strides = array<i32>} : memref<32x192xf32, #tpu.memory_space<vmem>>, vector<16xf32>,
        %add3A_622 = arith.addf %add3A_618, %get3A_621 : vector<16xf32>
        %get3A_623 = arith.index_cast %scan3A_266 : i32 to index
        %get3A_624 = arith.constant 176 : index
        %get3A_625 = tpu.vector_load %arg36[%get3A_623, %get3A_624] {strides = array<i32>} : memref<32x192xf32, #tpu.memory_space<vmem>>, vector<16xf32>,
        %add3A_626 = arith.addf %add3A_622, %get3A_625 : vector<16xf32>
        %add3A_627 = arith.addf %add3A_597, %add3A_626 : vector<16xf32>
        %mul3A_628 = arith.mulf %add3A_626, %add3A_626 : vector<16xf32>
        %add3A_629 = arith.addf %add3A_599, %mul3A_628 : vector<16xf32>
        %broadcast_in_dim3A_630 = arith.constant true
        %broadcast_in_dim3A_631 = vector.broadcast %broadcast_in_dim3A_630 : i1 to vector<16xi1>
        %masked_cumsum3A = tpu.scan <sum>, %add3A_627 masked %broadcast_in_dim3A_631 : vector<16xf32>, vector<16xi1> -> vector<16xf32>
        %slice3A = vector.extract_strided_slice %masked_cumsum3A {offsets = [15], sizes = [1], strides = [1]} : vector<16xf32> to vector<1xf32>
        %squeeze3A = vector.extract %slice3A[0] : f32 from vector<1xf32>
        %broadcast_in_dim3A_632 = arith.constant true
        %broadcast_in_dim3A_633 = vector.broadcast %broadcast_in_dim3A_632 : i1 to vector<16xi1>
        %masked_cumsum3A_634 = tpu.scan <sum>, %add3A_629 masked %broadcast_in_dim3A_633 : vector<16xf32>, vector<16xi1> -> vector<16xf32>
        %slice3A_635 = vector.extract_strided_slice %masked_cumsum3A_634 {offsets = [15], sizes = [1], strides = [1]} : vector<16xf32> to vector<1xf32>
        %squeeze3A_636 = vector.extract %slice3A_635[0] : f32 from vector<1xf32>
        %mul3A_637 = arith.constant 0.00520833349 : f32
        %mul3A_638 = arith.mulf %squeeze3A, %mul3A_637 : f32
        %mul3A_639 = arith.constant 0.00520833349 : f32
        %mul3A_640 = arith.mulf %squeeze3A_636, %mul3A_639 : f32
        %mul3A_641 = arith.mulf %mul3A_638, %mul3A_638 : f32
        %sub3A = arith.subf %mul3A_640, %mul3A_641 : f32
        %add3A_642 = arith.constant 9.99999996E-13 : f32
        %add3A_643 = arith.addf %sub3A, %add3A_642 : f32
        %broadcast_in_dim3A_644 = vector.broadcast %add3A_643 : f32 to vector<16xf32>
        %bitcast_convert_type3A = tpu.bitcast %broadcast_in_dim3A_644 : vector<16xf32> -> vector<16xi32>
        %shift_right_arithmetic3A = arith.constant 1 : i32
        %shift_right_arithmetic3A_645 = vector.broadcast %shift_right_arithmetic3A : i32 to vector<16xi32>
        %shift_right_arithmetic3A_646 = arith.shrsi %bitcast_convert_type3A, %shift_right_arithmetic3A_645 : vector<16xi32>
        %sub3A_647 = arith.constant 1597463007 : i32
        %sub3A_648 = vector.broadcast %sub3A_647 : i32 to vector<16xi32>
        %sub3A_649 = arith.subi %sub3A_648, %shift_right_arithmetic3A_646 : vector<16xi32>
        %bitcast_convert_type3A_650 = tpu.bitcast %sub3A_649 : vector<16xi32> -> vector<16xf32>
        %mul3A_651 = arith.constant 5.000000e-01 : f32
        %mul3A_652 = vector.broadcast %mul3A_651 : f32 to vector<16xf32>
        %mul3A_653 = arith.mulf %mul3A_652, %broadcast_in_dim3A_644 : vector<16xf32>
        %mul3A_654 = arith.mulf %mul3A_653, %bitcast_convert_type3A_650 : vector<16xf32>
        %mul3A_655 = arith.mulf %mul3A_654, %bitcast_convert_type3A_650 : vector<16xf32>
        %sub3A_656 = arith.constant 1.500000e+00 : f32
        %sub3A_657 = vector.broadcast %sub3A_656 : f32 to vector<16xf32>
        %sub3A_658 = arith.subf %sub3A_657, %mul3A_655 : vector<16xf32>
        %mul3A_659 = arith.mulf %bitcast_convert_type3A_650, %sub3A_658 : vector<16xf32>
        %mul3A_660 = arith.constant 5.000000e-01 : f32
        %mul3A_661 = vector.broadcast %mul3A_660 : f32 to vector<16xf32>
        %mul3A_662 = arith.mulf %mul3A_661, %broadcast_in_dim3A_644 : vector<16xf32>
        %mul3A_663 = arith.mulf %mul3A_662, %mul3A_659 : vector<16xf32>
        %mul3A_664 = arith.mulf %mul3A_663, %mul3A_659 : vector<16xf32>
        %sub3A_665 = arith.constant 1.500000e+00 : f32
        %sub3A_666 = vector.broadcast %sub3A_665 : f32 to vector<16xf32>
        %sub3A_667 = arith.subf %sub3A_666, %mul3A_664 : vector<16xf32>
        %mul3A_668 = arith.mulf %mul3A_659, %sub3A_667 : vector<16xf32>
        %mul3A_669 = arith.constant 5.000000e-01 : f32
        %mul3A_670 = vector.broadcast %mul3A_669 : f32 to vector<16xf32>
        %mul3A_671 = arith.mulf %mul3A_670, %broadcast_in_dim3A_644 : vector<16xf32>
        %mul3A_672 = arith.mulf %mul3A_671, %mul3A_668 : vector<16xf32>
        %mul3A_673 = arith.mulf %mul3A_672, %mul3A_668 : vector<16xf32>
        %sub3A_674 = arith.constant 1.500000e+00 : f32
        %sub3A_675 = vector.broadcast %sub3A_674 : f32 to vector<16xf32>
        %sub3A_676 = arith.subf %sub3A_675, %mul3A_673 : vector<16xf32>
        %mul3A_677 = arith.mulf %mul3A_668, %sub3A_676 : vector<16xf32>
        %broadcast_in_dim3A_678 = vector.broadcast %mul3A_638 : f32 to vector<16xf32>
        %sub3A_679 = arith.subf %add3A_296, %broadcast_in_dim3A_678 : vector<16xf32>
        %mul3A_680 = arith.mulf %sub3A_679, %mul3A_677 : vector<16xf32>
        %mul3A_681 = arith.mulf %mul3A_680, %get3A_8 : vector<16xf32>
        %add3A_682 = arith.addf %mul3A_681, %get3A_32 : vector<16xf32>
        %swap3A = arith.index_cast %scan3A_266 : i32 to index
        %swap3A_683 = arith.constant 0 : index
        %swap3A_684 = tpu.vector_load %arg38[%swap3A, %swap3A_683] {strides = array<i32>} : memref<32x192xf32, #tpu.memory_space<vmem>>, vector<16xf32>,
        tpu.vector_store %arg38[%swap3A, %swap3A_683], %add3A_682 {strides = array<i32>} : memref<32x192xf32, #tpu.memory_space<vmem>>, vector<16xf32>,
        %sub3A_685 = arith.subf %add3A_326, %broadcast_in_dim3A_678 : vector<16xf32>
        %mul3A_686 = arith.mulf %sub3A_685, %mul3A_677 : vector<16xf32>
        %mul3A_687 = arith.mulf %mul3A_686, %get3A_10 : vector<16xf32>
        %add3A_688 = arith.addf %mul3A_687, %get3A_34 : vector<16xf32>
        %swap3A_689 = arith.index_cast %scan3A_266 : i32 to index
        %swap3A_690 = arith.constant 16 : index
        %swap3A_691 = tpu.vector_load %arg38[%swap3A_689, %swap3A_690] {strides = array<i32>} : memref<32x192xf32, #tpu.memory_space<vmem>>, vector<16xf32>,
        tpu.vector_store %arg38[%swap3A_689, %swap3A_690], %add3A_688 {strides = array<i32>} : memref<32x192xf32, #tpu.memory_space<vmem>>, vector<16xf32>,
        %sub3A_692 = arith.subf %add3A_356, %broadcast_in_dim3A_678 : vector<16xf32>
        %mul3A_693 = arith.mulf %sub3A_692, %mul3A_677 : vector<16xf32>
        %mul3A_694 = arith.mulf %mul3A_693, %get3A_12 : vector<16xf32>
        %add3A_695 = arith.addf %mul3A_694, %get3A_36 : vector<16xf32>
        %swap3A_696 = arith.index_cast %scan3A_266 : i32 to index
        %swap3A_697 = arith.constant 32 : index
        %swap3A_698 = tpu.vector_load %arg38[%swap3A_696, %swap3A_697] {strides = array<i32>} : memref<32x192xf32, #tpu.memory_space<vmem>>, vector<16xf32>,
        tpu.vector_store %arg38[%swap3A_696, %swap3A_697], %add3A_695 {strides = array<i32>} : memref<32x192xf32, #tpu.memory_space<vmem>>, vector<16xf32>,
        %sub3A_699 = arith.subf %add3A_386, %broadcast_in_dim3A_678 : vector<16xf32>
        %mul3A_700 = arith.mulf %sub3A_699, %mul3A_677 : vector<16xf32>
        %mul3A_701 = arith.mulf %mul3A_700, %get3A_14 : vector<16xf32>
        %add3A_702 = arith.addf %mul3A_701, %get3A_38 : vector<16xf32>
        %swap3A_703 = arith.index_cast %scan3A_266 : i32 to index
        %swap3A_704 = arith.constant 48 : index
        %swap3A_705 = tpu.vector_load %arg38[%swap3A_703, %swap3A_704] {strides = array<i32>} : memref<32x192xf32, #tpu.memory_space<vmem>>, vector<16xf32>,
        tpu.vector_store %arg38[%swap3A_703, %swap3A_704], %add3A_702 {strides = array<i32>} : memref<32x192xf32, #tpu.memory_space<vmem>>, vector<16xf32>,
        %sub3A_706 = arith.subf %add3A_416, %broadcast_in_dim3A_678 : vector<16xf32>
        %mul3A_707 = arith.mulf %sub3A_706, %mul3A_677 : vector<16xf32>
        %mul3A_708 = arith.mulf %mul3A_707, %get3A_16 : vector<16xf32>
        %add3A_709 = arith.addf %mul3A_708, %get3A_40 : vector<16xf32>
        %swap3A_710 = arith.index_cast %scan3A_266 : i32 to index
        %swap3A_711 = arith.constant 64 : index
        %swap3A_712 = tpu.vector_load %arg38[%swap3A_710, %swap3A_711] {strides = array<i32>} : memref<32x192xf32, #tpu.memory_space<vmem>>, vector<16xf32>,
        tpu.vector_store %arg38[%swap3A_710, %swap3A_711], %add3A_709 {strides = array<i32>} : memref<32x192xf32, #tpu.memory_space<vmem>>, vector<16xf32>,
        %sub3A_713 = arith.subf %add3A_446, %broadcast_in_dim3A_678 : vector<16xf32>
        %mul3A_714 = arith.mulf %sub3A_713, %mul3A_677 : vector<16xf32>
        %mul3A_715 = arith.mulf %mul3A_714, %get3A_18 : vector<16xf32>
        %add3A_716 = arith.addf %mul3A_715, %get3A_42 : vector<16xf32>
        %swap3A_717 = arith.index_cast %scan3A_266 : i32 to index
        %swap3A_718 = arith.constant 80 : index
        %swap3A_719 = tpu.vector_load %arg38[%swap3A_717, %swap3A_718] {strides = array<i32>} : memref<32x192xf32, #tpu.memory_space<vmem>>, vector<16xf32>,
        tpu.vector_store %arg38[%swap3A_717, %swap3A_718], %add3A_716 {strides = array<i32>} : memref<32x192xf32, #tpu.memory_space<vmem>>, vector<16xf32>,
        %sub3A_720 = arith.subf %add3A_476, %broadcast_in_dim3A_678 : vector<16xf32>
        %mul3A_721 = arith.mulf %sub3A_720, %mul3A_677 : vector<16xf32>
        %mul3A_722 = arith.mulf %mul3A_721, %get3A_20 : vector<16xf32>
        %add3A_723 = arith.addf %mul3A_722, %get3A_44 : vector<16xf32>
        %swap3A_724 = arith.index_cast %scan3A_266 : i32 to index
        %swap3A_725 = arith.constant 96 : index
        %swap3A_726 = tpu.vector_load %arg38[%swap3A_724, %swap3A_725] {strides = array<i32>} : memref<32x192xf32, #tpu.memory_space<vmem>>, vector<16xf32>,
        tpu.vector_store %arg38[%swap3A_724, %swap3A_725], %add3A_723 {strides = array<i32>} : memref<32x192xf32, #tpu.memory_space<vmem>>, vector<16xf32>,
        %sub3A_727 = arith.subf %add3A_506, %broadcast_in_dim3A_678 : vector<16xf32>
        %mul3A_728 = arith.mulf %sub3A_727, %mul3A_677 : vector<16xf32>
        %mul3A_729 = arith.mulf %mul3A_728, %get3A_22 : vector<16xf32>
        %add3A_730 = arith.addf %mul3A_729, %get3A_46 : vector<16xf32>
        %swap3A_731 = arith.index_cast %scan3A_266 : i32 to index
        %swap3A_732 = arith.constant 112 : index
        %swap3A_733 = tpu.vector_load %arg38[%swap3A_731, %swap3A_732] {strides = array<i32>} : memref<32x192xf32, #tpu.memory_space<vmem>>, vector<16xf32>,
        tpu.vector_store %arg38[%swap3A_731, %swap3A_732], %add3A_730 {strides = array<i32>} : memref<32x192xf32, #tpu.memory_space<vmem>>, vector<16xf32>,
        %sub3A_734 = arith.subf %add3A_536, %broadcast_in_dim3A_678 : vector<16xf32>
        %mul3A_735 = arith.mulf %sub3A_734, %mul3A_677 : vector<16xf32>
        %mul3A_736 = arith.mulf %mul3A_735, %get3A_24 : vector<16xf32>
        %add3A_737 = arith.addf %mul3A_736, %get3A_48 : vector<16xf32>
        %swap3A_738 = arith.index_cast %scan3A_266 : i32 to index
        %swap3A_739 = arith.constant 128 : index
        %swap3A_740 = tpu.vector_load %arg38[%swap3A_738, %swap3A_739] {strides = array<i32>} : memref<32x192xf32, #tpu.memory_space<vmem>>, vector<16xf32>,
        tpu.vector_store %arg38[%swap3A_738, %swap3A_739], %add3A_737 {strides = array<i32>} : memref<32x192xf32, #tpu.memory_space<vmem>>, vector<16xf32>,
        %sub3A_741 = arith.subf %add3A_566, %broadcast_in_dim3A_678 : vector<16xf32>
        %mul3A_742 = arith.mulf %sub3A_741, %mul3A_677 : vector<16xf32>
        %mul3A_743 = arith.mulf %mul3A_742, %get3A_26 : vector<16xf32>
        %add3A_744 = arith.addf %mul3A_743, %get3A_50 : vector<16xf32>
        %swap3A_745 = arith.index_cast %scan3A_266 : i32 to index
        %swap3A_746 = arith.constant 144 : index
        %swap3A_747 = tpu.vector_load %arg38[%swap3A_745, %swap3A_746] {strides = array<i32>} : memref<32x192xf32, #tpu.memory_space<vmem>>, vector<16xf32>,
        tpu.vector_store %arg38[%swap3A_745, %swap3A_746], %add3A_744 {strides = array<i32>} : memref<32x192xf32, #tpu.memory_space<vmem>>, vector<16xf32>,
        %sub3A_748 = arith.subf %add3A_596, %broadcast_in_dim3A_678 : vector<16xf32>
        %mul3A_749 = arith.mulf %sub3A_748, %mul3A_677 : vector<16xf32>
        %mul3A_750 = arith.mulf %mul3A_749, %get3A_28 : vector<16xf32>
        %add3A_751 = arith.addf %mul3A_750, %get3A_52 : vector<16xf32>
        %swap3A_752 = arith.index_cast %scan3A_266 : i32 to index
        %swap3A_753 = arith.constant 160 : index
        %swap3A_754 = tpu.vector_load %arg38[%swap3A_752, %swap3A_753] {strides = array<i32>} : memref<32x192xf32, #tpu.memory_space<vmem>>, vector<16xf32>,
        tpu.vector_store %arg38[%swap3A_752, %swap3A_753], %add3A_751 {strides = array<i32>} : memref<32x192xf32, #tpu.memory_space<vmem>>, vector<16xf32>,
        %sub3A_755 = arith.subf %add3A_626, %broadcast_in_dim3A_678 : vector<16xf32>
        %mul3A_756 = arith.mulf %sub3A_755, %mul3A_677 : vector<16xf32>
        %mul3A_757 = arith.mulf %mul3A_756, %get3A_30 : vector<16xf32>
        %add3A_758 = arith.addf %mul3A_757, %get3A_54 : vector<16xf32>
        %swap3A_759 = arith.index_cast %scan3A_266 : i32 to index
        %swap3A_760 = arith.constant 176 : index
        %swap3A_761 = tpu.vector_load %arg38[%swap3A_759, %swap3A_760] {strides = array<i32>} : memref<32x192xf32, #tpu.memory_space<vmem>>, vector<16xf32>,
        tpu.vector_store %arg38[%swap3A_759, %swap3A_760], %add3A_758 {strides = array<i32>} : memref<32x192xf32, #tpu.memory_space<vmem>>, vector<16xf32>,
      }
      %scan3A_258 = arith.constant 32 : i32
      %mul3A_259 = arith.constant 32 : i32
      %mul3A_260 = arith.muli %add3A_247, %mul3A_259 : i32
      %add3A_261 = arith.addi %mul3A_2, %mul3A_260 : i32
      %dma_start3A_262 = arith.constant 0 : i32
      %dma_start3A_263 = tpu.memref_slice %arg11[%add3A_261, %dma_start3A_262] : memref<32768x192xf32, #tpu.memory_space<hbm>> -> memref<32x192xf32, #tpu.memory_space<hbm>>
      %dma_start3A_264 = arith.constant 0 : i32
      %dma_start3A_265 = tpu.memref_slice %arg11[%add3A_261, %dma_start3A_264] : memref<32768x192xf32, #tpu.memory_space<hbm>> -> memref<32x192xf32, #tpu.memory_space<hbm>>
      tpu.enqueue_dma source(%arg38 : memref<32x192xf32, #tpu.memory_space<vmem>>) target(%dma_start3A_265 : memref<32x192xf32, #tpu.memory_space<hbm>>) target_semaphore(%arg44 : memref<!tpu.dma_semaphore, #tpu.memory_space<semaphore_mem>>)
    }
    %scan3A_94 = arith.constant 16 : i32
    %add3A_95 = arith.constant 960 : i32
    %add3A_96 = arith.addi %mul3A_2, %add3A_95 : i32
    %dma_wait3A = arith.constant 0 : i32
    %dma_wait3A_97 = tpu.memref_slice %arg11[%add3A_96, %dma_wait3A] : memref<32768x192xf32, #tpu.memory_space<hbm>> -> memref<32x192xf32, #tpu.memory_space<hbm>>
    %dma_wait3A_98 = arith.constant 0 : i32
    %dma_wait3A_99 = tpu.memref_slice %arg11[%add3A_96, %dma_wait3A_98] : memref<32768x192xf32, #tpu.memory_space<hbm>> -> memref<32x192xf32, #tpu.memory_space<hbm>>
    tpu.wait_dma2 semaphore(%arg43 : memref<!tpu.dma_semaphore, #tpu.memory_space<semaphore_mem>>) src(%arg37 : memref<32x192xf32, #tpu.memory_space<vmem>>) dst(%dma_wait3A_99 : memref<32x192xf32, #tpu.memory_space<hbm>>)
    %add3A_100 = arith.constant 992 : i32
    %add3A_101 = arith.addi %mul3A_2, %add3A_100 : i32
    %dma_wait3A_102 = arith.constant 0 : i32
    %dma_wait3A_103 = tpu.memref_slice %arg11[%add3A_101, %dma_wait3A_102] : memref<32768x192xf32, #tpu.memory_space<hbm>> -> memref<32x192xf32, #tpu.memory_space<hbm>>
    %dma_wait3A_104 = arith.constant 0 : i32
    %dma_wait3A_105 = tpu.memref_slice %arg11[%add3A_101, %dma_wait3A_104] : memref<32768x192xf32, #tpu.memory_space<hbm>> -> memref<32x192xf32, #tpu.memory_space<hbm>>
    tpu.wait_dma2 semaphore(%arg44 : memref<!tpu.dma_semaphore, #tpu.memory_space<semaphore_mem>>) src(%arg38 : memref<32x192xf32, #tpu.memory_space<vmem>>) dst(%dma_wait3A_105 : memref<32x192xf32, #tpu.memory_space<hbm>>)
    return
  }
}

module attributes {stable_mosaic.version = 14 : i64} {
  func.func @_project_body(%arg0: memref<1024x128xf32, #tpu.memory_space<vmem>>, %arg1: memref<1024x128xf32, #tpu.memory_space<vmem>>, %arg2: memref<1024x128xf32, #tpu.memory_space<vmem>>, %arg3: memref<1024x128xf32, #tpu.memory_space<vmem>>, %arg4: memref<768x192xf32, #tpu.memory_space<vmem>>, %arg5: memref<1x192xf32, #tpu.memory_space<vmem>>, %arg6: memref<6144x192xf32, #tpu.memory_space<vmem>>) attributes {dimension_semantics = [], scalar_prefetch = 0 : i64, scratch_operands = 0 : i64, tpu.core_type = #tpu.core_type<tc>} {
    %get3A = arith.constant 0 : index
    %get3A_0 = arith.constant 0 : index
    %get3A_1 = vector.load %arg0[%get3A, %get3A_0] : memref<1024x128xf32, #tpu.memory_space<vmem>>, vector<1024x128xf32>
    %get3A_2 = arith.constant 0 : index
    %get3A_3 = arith.constant 0 : index
    %get3A_4 = vector.load %arg4[%get3A_2, %get3A_3] : memref<768x192xf32, #tpu.memory_space<vmem>>, vector<128x192xf32>
    %dot_general3A = arith.constant dense<0.000000e+00> : vector<1024x192xf32>
    %dot_general3A_5 = tpu.matmul %get3A_1, %get3A_4, %dot_general3A {dimension_numbers = #tpu.dot_dimension_numbers<[1], [0], [0], [1], [0, 0, 1, 1], [], []>, transpose_lhs_hint = false} : vector<1024x128xf32>, vector<128x192xf32>, vector<1024x192xf32> -> vector<1024x192xf32>
    %swap3A = arith.constant 0 : index
    %swap3A_6 = arith.constant 0 : index
    %swap3A_7 = vector.load %arg6[%swap3A, %swap3A_6] : memref<6144x192xf32, #tpu.memory_space<vmem>>, vector<1024x192xf32>
    tpu.vector_store %arg6[%swap3A, %swap3A_6], %dot_general3A_5 {strides = array<i32>} : memref<6144x192xf32, #tpu.memory_space<vmem>>, vector<1024x192xf32>,
    %get3A_8 = arith.constant 0 : index
    %get3A_9 = arith.constant 0 : index
    %get3A_10 = vector.load %arg1[%get3A_8, %get3A_9] : memref<1024x128xf32, #tpu.memory_space<vmem>>, vector<1024x128xf32>
    %get3A_11 = arith.constant 128 : index
    %get3A_12 = arith.constant 0 : index
    %get3A_13 = vector.load %arg4[%get3A_11, %get3A_12] : memref<768x192xf32, #tpu.memory_space<vmem>>, vector<128x192xf32>
    %dot_general3A_14 = arith.constant dense<0.000000e+00> : vector<1024x192xf32>
    %dot_general3A_15 = tpu.matmul %get3A_10, %get3A_13, %dot_general3A_14 {dimension_numbers = #tpu.dot_dimension_numbers<[1], [0], [0], [1], [0, 0, 1, 1], [], []>, transpose_lhs_hint = false} : vector<1024x128xf32>, vector<128x192xf32>, vector<1024x192xf32> -> vector<1024x192xf32>
    %swap3A_16 = arith.constant 1024 : index
    %swap3A_17 = arith.constant 0 : index
    %swap3A_18 = vector.load %arg6[%swap3A_16, %swap3A_17] : memref<6144x192xf32, #tpu.memory_space<vmem>>, vector<1024x192xf32>
    tpu.vector_store %arg6[%swap3A_16, %swap3A_17], %dot_general3A_15 {strides = array<i32>} : memref<6144x192xf32, #tpu.memory_space<vmem>>, vector<1024x192xf32>,
    %get3A_19 = arith.constant 0 : index
    %get3A_20 = arith.constant 0 : index
    %get3A_21 = vector.load %arg0[%get3A_19, %get3A_20] : memref<1024x128xf32, #tpu.memory_space<vmem>>, vector<1024x128xf32>
    %get3A_22 = arith.constant 256 : index
    %get3A_23 = arith.constant 0 : index
    %get3A_24 = vector.load %arg4[%get3A_22, %get3A_23] : memref<768x192xf32, #tpu.memory_space<vmem>>, vector<128x192xf32>
    %dot_general3A_25 = arith.constant dense<0.000000e+00> : vector<1024x192xf32>
    %dot_general3A_26 = tpu.matmul %get3A_21, %get3A_24, %dot_general3A_25 {dimension_numbers = #tpu.dot_dimension_numbers<[1], [0], [0], [1], [0, 0, 1, 1], [], []>, transpose_lhs_hint = false} : vector<1024x128xf32>, vector<128x192xf32>, vector<1024x192xf32> -> vector<1024x192xf32>
    %swap3A_27 = arith.constant 2048 : index
    %swap3A_28 = arith.constant 0 : index
    %swap3A_29 = vector.load %arg6[%swap3A_27, %swap3A_28] : memref<6144x192xf32, #tpu.memory_space<vmem>>, vector<1024x192xf32>
    tpu.vector_store %arg6[%swap3A_27, %swap3A_28], %dot_general3A_26 {strides = array<i32>} : memref<6144x192xf32, #tpu.memory_space<vmem>>, vector<1024x192xf32>,
    %get3A_30 = arith.constant 0 : index
    %get3A_31 = arith.constant 0 : index
    %get3A_32 = vector.load %arg1[%get3A_30, %get3A_31] : memref<1024x128xf32, #tpu.memory_space<vmem>>, vector<1024x128xf32>
    %get3A_33 = arith.constant 384 : index
    %get3A_34 = arith.constant 0 : index
    %get3A_35 = vector.load %arg4[%get3A_33, %get3A_34] : memref<768x192xf32, #tpu.memory_space<vmem>>, vector<128x192xf32>
    %dot_general3A_36 = arith.constant dense<0.000000e+00> : vector<1024x192xf32>
    %dot_general3A_37 = tpu.matmul %get3A_32, %get3A_35, %dot_general3A_36 {dimension_numbers = #tpu.dot_dimension_numbers<[1], [0], [0], [1], [0, 0, 1, 1], [], []>, transpose_lhs_hint = false} : vector<1024x128xf32>, vector<128x192xf32>, vector<1024x192xf32> -> vector<1024x192xf32>
    %swap3A_38 = arith.constant 3072 : index
    %swap3A_39 = arith.constant 0 : index
    %swap3A_40 = vector.load %arg6[%swap3A_38, %swap3A_39] : memref<6144x192xf32, #tpu.memory_space<vmem>>, vector<1024x192xf32>
    tpu.vector_store %arg6[%swap3A_38, %swap3A_39], %dot_general3A_37 {strides = array<i32>} : memref<6144x192xf32, #tpu.memory_space<vmem>>, vector<1024x192xf32>,
    %get3A_41 = arith.constant 0 : index
    %get3A_42 = arith.constant 0 : index
    %get3A_43 = vector.load %arg2[%get3A_41, %get3A_42] : memref<1024x128xf32, #tpu.memory_space<vmem>>, vector<1024x128xf32>
    %get3A_44 = arith.constant 512 : index
    %get3A_45 = arith.constant 0 : index
    %get3A_46 = vector.load %arg4[%get3A_44, %get3A_45] : memref<768x192xf32, #tpu.memory_space<vmem>>, vector<128x192xf32>
    %dot_general3A_47 = arith.constant dense<0.000000e+00> : vector<1024x192xf32>
    %dot_general3A_48 = tpu.matmul %get3A_43, %get3A_46, %dot_general3A_47 {dimension_numbers = #tpu.dot_dimension_numbers<[1], [0], [0], [1], [0, 0, 1, 1], [], []>, transpose_lhs_hint = false} : vector<1024x128xf32>, vector<128x192xf32>, vector<1024x192xf32> -> vector<1024x192xf32>
    %get3A_49 = arith.constant 0 : index
    %get3A_50 = arith.constant 0 : index
    %get3A_51 = vector.load %arg5[%get3A_49, %get3A_50] : memref<1x192xf32, #tpu.memory_space<vmem>>, vector<1x192xf32>
    %add3A = vector.broadcast %get3A_51 : vector<1x192xf32> to vector<1024x192xf32>
    %add3A_52 = arith.addf %dot_general3A_48, %add3A : vector<1024x192xf32>
    %swap3A_53 = arith.constant 4096 : index
    %swap3A_54 = arith.constant 0 : index
    %swap3A_55 = vector.load %arg6[%swap3A_53, %swap3A_54] : memref<6144x192xf32, #tpu.memory_space<vmem>>, vector<1024x192xf32>
    tpu.vector_store %arg6[%swap3A_53, %swap3A_54], %add3A_52 {strides = array<i32>} : memref<6144x192xf32, #tpu.memory_space<vmem>>, vector<1024x192xf32>,
    %get3A_56 = arith.constant 0 : index
    %get3A_57 = arith.constant 0 : index
    %get3A_58 = vector.load %arg3[%get3A_56, %get3A_57] : memref<1024x128xf32, #tpu.memory_space<vmem>>, vector<1024x128xf32>
    %get3A_59 = arith.constant 640 : index
    %get3A_60 = arith.constant 0 : index
    %get3A_61 = vector.load %arg4[%get3A_59, %get3A_60] : memref<768x192xf32, #tpu.memory_space<vmem>>, vector<128x192xf32>
    %dot_general3A_62 = arith.constant dense<0.000000e+00> : vector<1024x192xf32>
    %dot_general3A_63 = tpu.matmul %get3A_58, %get3A_61, %dot_general3A_62 {dimension_numbers = #tpu.dot_dimension_numbers<[1], [0], [0], [1], [0, 0, 1, 1], [], []>, transpose_lhs_hint = false} : vector<1024x128xf32>, vector<128x192xf32>, vector<1024x192xf32> -> vector<1024x192xf32>
    %swap3A_64 = arith.constant 5120 : index
    %swap3A_65 = arith.constant 0 : index
    %swap3A_66 = vector.load %arg6[%swap3A_64, %swap3A_65] : memref<6144x192xf32, #tpu.memory_space<vmem>>, vector<1024x192xf32>
    tpu.vector_store %arg6[%swap3A_64, %swap3A_65], %dot_general3A_63 {strides = array<i32>} : memref<6144x192xf32, #tpu.memory_space<vmem>>, vector<1024x192xf32>,
    return
  }
}

</mosaic_0001>

<sc_bundles>
// kernel: kernel.4.cloned.1.call-start
scs
__scs_entry_jumppad:
0x0: {  	(pc) =	sbr.rel $0x88, $3  }
0x1: {  	(tag) =	ssettag $0x0;
	lr =	simm.s32 $0x1  }
0x2: {  	[smem:$0x3F96] =	sst lr;
	_ =	strace $0xD0000000  }
0x3: {  	_ = 	snop  }
0x4: {  	_ = 	snop  }
0x5: {  	_ = 	snop  }
0x6: {  	_ = 	snop  }
0x7: {  	_ = 	snop  }
__scs_overlays_trampoline_lowered:
0x8: {  	[smem:$0x3FA5] =	sst s0  }
0x9: {  	[smem:$0x3FA6] =	sst s1  }
0xa: {  	[smem:$0x3FA7] =	sst s2  }
0xb: {  	[smem:$0x3FA8] =	sst s3  }
0xc: {  	[smem:$0x3FA9] =	sst s4  }
0xd: {  	[smem:$0x3FAA] =	sst s5  }
0xe: {  	[smem:$0x3FAB] =	sst s6  }
0xf: {  	[smem:$0x3FAC] =	sst s7  }
0x10: {  	[smem:$0x3FAD] =	sst s8  }
0x11: {  	[smem:$0x3FAE] =	sst s9;
	s0 =	simm.s32 @!p0 $0x0  }
0x12: {  	s1 =	sld [smem:$0x3F94];
	s0 =	simm.s32 @p0 $0x1  }
0x13: {  	[smem:$0x3FAF] =	sst s0;
	s0 =	simm.s32 @!p1 $0x0  }
0x14: {  	s2 =	sld [smem:$0x3F93];
	s0 =	simm.s32 @p1 $0x1  }
0x15: {  	[smem:$0x3FB0] =	sst s0;
	s0 =	simm.s32 @!p2 $0x0  }
0x16: {  	s3 =	sld [smem:$0x3FDB];
	s0 =	simm.s32 @p2 $0x1  }
0x17: {  	s4 =	simm.s32 $0x1BF5;
	[smem:$0x3FB2] =	sst s0  }
0x18: {  	s0 =	sld [smem:$0x3F95];
	_ =	swait.ge [sflag:s4], $0x0  }
0x19: {  	s7 =	sld [smem:$0x3F96]  }
0x1a: {  	s8 =	sadd.s32 $0xFFFFE003, lr  }
0x1b: {  	s9 =	sadd.s32 $0xFFFFFEF7, lr;
	s5 =	simm.s32 $0xFFFFFFFF;
	p2 =	slt.u32 s8, $0xFFFFF086  }
0x1c: {  	p1 =	slt.u32 s9, $0xF7A;
	s5 =	simm.s32 @!p2 $0x0  }
0x1d: {  	s5 =	simm.s32 @p1 $0x1;
	p0 =	seq.s32 s7, s2  }
0x1e: {  	s7 =	smul.u32 @!p0 $0xF7A, s2;
	p2 =	seq.s32 @!p0 s5, $0x0  }
0x1f: {  	s9 =	smul.u32 $0xF7A, s1;
	s8 =	simm.s32 @!p0 $0x1BF5;
	p2 =	por !p2, p0  }
0x20: {  	[sflag:s8] =	ssyncset.s32 @!p0 $0xFFFFF086;
	s6 =	sadd.s32 @!p0 s3, s7;
	s7 =	simm.s32 @!p0 $0x108  }
0x21: {  	s3 =	sadd.s32 s3, s9;
	s6 =	sadd.s32 @!p0 $0x88, s6;
	s7 =	simm.s32 @p2 $0x1082  }
0x22: {  	[simem:s7], [sflag:s8] =	dma.local @!p0 [hbm:s6], $0xF7A  }
0x23: {  	s9 =	sor.u32 $0xD0000000, s2;
	s6 =	simm.s32 $0x108;
	_ =	swait.ge @!p0 [sflag:s8], $0x0  }
0x24: {  	s3 =	sadd.s32 $0x88, s3;
	s6 =	simm.s32 @!p1 $0x1082;
	[sflag:s4] =	ssyncset.s32 $0xFFFFF086  }
0x25: {  	[simem:s6], [sflag:s4] =	dma.local [hbm:s3], $0xF7A  }
0x26: {  	[smem:$0x3F96] =	sst s1;
	(tag) =	ssettag s2;
	_ =	strace s9  }
0x27: {  	s1 =	sld [smem:$0x3FA6]  }
0x28: {  	s2 =	sld [smem:$0x3FA7]  }
0x29: {  	s4 =	sld [smem:$0x3FA9]  }
0x2a: {  	p0 =	seq.s32 s5, $0x0;
	s5 =	sld [smem:$0x3FAA]  }
0x2b: {  	s6 =	sld [smem:$0x3FAB]  }
0x2c: {  	s7 =	sld [smem:$0x3FAC]  }
0x2d: {  	s3 =	simm.s32 $0x108;
	s8 =	sld [smem:$0x3FAD]  }
0x2e: {  	s3 =	simm.s32 @!p0 $0x1082;
	s9 =	sld [smem:$0x3FAE]  }
0x2f: {  	lr =	sadd.s32 s0, s3;
	s0 =	sld [smem:$0x3FA5]  }
0x30: {  	s3 =	sld [smem:$0x3FA8]  }
0x31: {  	[smem:$0x3FB1] =	sst s10  }
0x32: {  	s10 =	sld [smem:$0x3FAF];
	_ =	sdelay $0x3  }
0x33: {  	p0 =	seq.s32 s10, $0x1;
	s10 =	sld [smem:$0x3FB1];
	_ =	sdelay $0x3  }
0x34: {  	[smem:$0x3FB1] =	sst s10  }
0x35: {  	s10 =	sld [smem:$0x3FB0];
	_ =	sdelay $0x3  }
0x36: {  	p1 =	seq.s32 s10, $0x1;
	s10 =	sld [smem:$0x3FB1];
	_ =	sdelay $0x3  }
0x37: {  	[smem:$0x3FB1] =	sst s10  }
0x38: {  	s10 =	sld [smem:$0x3FB2]  }
0x39: {  	_ = 	snop;
	(pc) =	sbr.ind lr, $3  }
0x3a: {  	_ = 	snop  }
0x3b: {  	_ = 	snop  }
0x3c: {  	p2 =	seq.s32 s10, $0x1;
	s10 =	sld [smem:$0x3FB1]  }
0x3d: {  	_ =	shalt  }
0x3e: {  	_ =	shalt  }
0x3f: {  	_ =	shalt  }
0x40: {  	_ =	shalt  }
0x41: {  	_ =	shalt  }
0x42: {  	_ =	shalt  }
0x43: {  	_ =	shalt  }
0x44: {  	_ =	shalt  }
0x45: {  	_ =	shalt  }
0x46: {  	_ =	shalt  }
0x47: {  	_ =	shalt  }
0x48: {  	_ =	shalt  }
0x49: {  	_ =	shalt  }
0x4a: {  	_ =	shalt  }
0x4b: {  	_ =	shalt  }
0x4c: {  	_ =	shalt  }
0x4d: {  	_ =	shalt  }
0x4e: {  	_ =	shalt  }
0x4f: {  	_ =	shalt  }
0x50: {  	_ =	shalt  }
0x51: {  	_ =	shalt  }
0x52: {  	_ =	shalt  }
0x53: {  	_ =	shalt  }
0x54: {  	_ =	shalt  }
0x55: {  	_ =	shalt  }
0x56: {  	_ =	shalt  }
0x57: {  	_ =	shalt  }
0x58: {  	_ =	shalt  }
0x59: {  	_ =	shalt  }
0x5a: {  	_ =	shalt  }
0x5b: {  	_ =	shalt  }
0x5c: {  	_ =	shalt  }
0x5d: {  	_ =	shalt  }
0x5e: {  	_ =	shalt  }
0x5f: {  	_ =	shalt  }
0x60: {  	_ =	shalt  }
0x61: {  	_ =	shalt  }
0x62: {  	_ =	shalt  }
0x63: {  	_ =	shalt  }
0x64: {  	_ =	shalt  }
0x65: {  	_ =	shalt  }
0x66: {  	_ =	shalt  }
0x67: {  	_ =	shalt  }
0x68: {  	_ =	shalt  }
0x69: {  	_ =	shalt  }
0x6a: {  	_ =	shalt  }
0x6b: {  	_ =	shalt  }
0x6c: {  	_ =	shalt  }
0x6d: {  	_ =	shalt  }
0x6e: {  	_ =	shalt  }
0x6f: {  	_ =	shalt  }
0x70: {  	_ =	shalt  }
0x71: {  	_ =	shalt  }
0x72: {  	_ =	shalt  }
0x73: {  	_ =	shalt  }
0x74: {  	_ =	shalt  }
0x75: {  	_ =	shalt  }
0x76: {  	_ =	shalt  }
0x77: {  	_ =	shalt  }
0x78: {  	_ =	shalt  }
0x79: {  	_ =	shalt  }
0x7a: {  	_ =	shalt  }
0x7b: {  	_ =	shalt  }
0x7c: {  	_ =	shalt  }
0x7d: {  	_ =	shalt  }
0x7e: {  	_ =	shalt  }
0x7f: {  	_ =	shalt  }
0x80: {  	_ =	shalt  }
0x81: {  	_ =	shalt  }
0x82: {  	_ =	shalt  }
0x83: {  	_ =	shalt  }
0x84: {  	_ =	shalt  }
0x85: {  	_ =	shalt  }
0x86: {  	_ =	shalt  }
0x87: {  	_ =	shalt  }
.Lfunc_end0:
.L_simem_size_0:
called_computation_lowered:
.L_overlay_start_0:
0x88: {  	s2 =	sld [smem:$0x3FD9]  }
0x89: {  	s3 =	sld [smem:$0x3FFE];
	_ =	sdelay $0x1  }
0x8a: {  	s1 =	srdreg.scid  }
0x8b: {  	s0 =	sand.u32 $0x1, s1  }
0x8c: {  	s17 =	sshll.u32 s0, $0xA;
	s2 =	sadd.s32 s3, s2  }
0x8d: {  	s2 =	sadd.s32 s2, s17  }
0x8e: {  	[smem:$0x3FBD] =	sst s2  }
0x8f: {  	_ = 	snop  }
0x90: {  	s2 =	sld [smem:$0x3FC0]  }
0x91: {  	s18 =	sld [smem:$0x3FBF]  }
0x92: {  	s4 =	sld [smem:$0x3FD0];
	(tm) =	ssettm $0x1  }
0x93: {  	s5 =	sld [smem:$0x3FFB];
	_ =	sdelay $0x3  }
0x94: {  	_ =	strace s5  }
0x95: {  	s5 =	sld [smem:$0x3FFC];
	_ =	sdelay $0x3  }
0x96: {  	_ =	strace s5  }
0x97: {  	s5 =	sld [smem:$0x3FFD];
	_ =	sdelay $0x3  }
0x98: {  	_ =	strace s5  }
0x99: {  	_ =	strace $0x8FFFFFFF  }
0x9a: {  	s19 =	sld [smem:$0x3FDB];
	_ =	sdelay $0x1  }
0x9b: {  	s6 =	simm.s32 $_scs_section_size  }
0x9c: {  	s7 =	simm.s32 $_size__tile_overlayer_lowered;
	s8 =	simm.s32 $_tile_overlayer_lowered  }
0x9d: {  	s22 =	simm.s32 $0x1BFF;
	s21 =	sshll.u32 s8, $0x1;
	s5 =	sadd.s32 s6, s19  }
0x9e: {  	s9 =	simm.s32 $0x0;
	s20 =	sshll.u32 s7, $0x1;
	s7 =	sadd.s32 s21, s5  }
0x9f: {  	[timem:s9], [sflag:s22] =	dma.local [hbm:s7], s20  }
0xa0: {  	_ =	swait.ge [sflag:s22], s20  }
0xa1: {  	s6 =	ssub.s32 $0x0, s20;
	[sflag:s22] =	ssyncset.done $0x0  }
0xa2: {  	[sflag:s22] =	ssyncadd.s32 s6;
	_ =	sdelay $0x1  }
0xa3: {  	s23 =	simm.s32 $0x1B8B  }
0xa4: {  	_ =	swait.ge [sflag:s23], $0x1  }
0xa5: {  	[sflag:s23] =	ssyncset.done $0x0  }
0xa6: {  	s25 =	simm.s32 $0x1B8E;
	s24 =	sld [smem:$0x3FFE];
	[sflag:s23] =	ssyncadd.s32 $0xFFFFFFFF  }
0xa7: {  	s26 =	simm.s32 $execute0_lowered;
	[smem:$0x3FD2] =	sst s25  }
0xa8: {  	s7 =	sshll.u32 s26, $0x1;
	_ =	strace $0x80000046;
	[dreg:$0x1] =	wrdreg $0xFFFFFFFF  }
0xa9: {  	s28 =	simm.s32 $_size_execute0_lowered;
	s5 =	sadd.s32 s5, s7;
	[dreg:$0x0] =	wrdreg $0x0  }
0xaa: {  	s7 =	sshll.u32 s28, $0x1;
	[dreg:$0x2] =	wrdreg s5  }
0xab: {  	[dreg:$0x3] =	wrdreg s7  }
0xac: {  	[dreg:$0x4] =	wrdreg $0xC0  }
0xad: {  	_ =	task [dreg:s9], $0x5FFFF  }
0xae: {  	[dreg:$0x1] =	wrdreg $0xFFFFFFFF  }
0xaf: {  	[dreg:$0x0] =	wrdreg $0x60  }
0xb0: {  	[dreg:$0x2] =	wrdreg s24  }
0xb1: {  	[dreg:$0x3] =	wrdreg s2  }
0xb2: {  	[dreg:$0x4] =	wrdreg s18  }
0xb3: {  	[dreg:$0x5] =	wrdreg s4  }
0xb4: {  	[dreg:$0x6] =	wrdreg $0x9  }
0xb5: {  	_ =	task.clear_ibuf [dreg:s9], $0x7FFFF;
	_ =	strace $0x90000046  }
0xb6: {  	s29 =	simm.s32 $0x9;
	_ =	strace $0x80000048  }
0xb7: {  	_ =	swait.ge [sflag:s29], $0x1  }
0xb8: {  	[sflag:s29] =	ssyncadd.s32 $0xFFFFFFFF  }
0xb9: {  	_ =	strace $0x90000048  }
0xba: {  	_ =	sfence  }
0xbb: {  	s30 =	sld [smem:$0x0];
	_ =	sdelay $0x2  }
0xbc: {  	s31 =	sshll.u32 s1, $0xD;
	s1 =	sshrl.u32 s1, $0x2  }
0xbd: {  	s3 =	sand.u32 $0x4000, s31;
	s1 =	sadd.s32 s1, s30  }
0xbe: {  	s0 =	sor.u32 s3, s0;
	s1 =	sshll.u32 s1, $0x11  }
0xbf: {  	s0 =	sor.u32 s1, s0  }
0xc0: {  	s0 =	sadd.s32 $0x8F2B, s0  }
0xc1: {  	[sflag:s0] =	ssyncadd.remote.s32 $0x1  }
0xc2: {  	_ =	sfence.sel $0xFFFF  }
0xc3: {  	[dreg:$0x0] =	wrdreg $0xFFFFFFFF;
	(pc) =	sbr.abs _section_cstart, $3  }
0xc4: {  	[dreg:$0x1] =	wrdreg $0xFFFFFFFF  }
0xc5: {  	_ =	task.clear_ibuf [dreg:s9], $0x2FFFF;
	_ =	strace $0x9FFFFFFF  }
0xc6: {  	(tm) =	ssettm $0x7FFFFFFF  }
0xc7: {  	_ =	shalt  }
tec
execute0_lowered:
.L_overlay_start_1:
0x0: {  	(tag) =	ssettag $0x1  }
0x1: {  	s0 =	rddreg [dreg:$0x0]  }
0x2: {  	s4 =	rddreg [dreg:$0x3];
	s1 =	srdreg.scid;
	s5 =	simm.s32 $0x0  }
0x3: {  	s2 =	stileid.u32;
	s15 =	simm.s32 $0x5;
	s10 =	simm.s32 $0x1000  }
0x4: {  	s17 =	simm.s32 $0xD400;
	s18 =	simm.s32 $0xEC00;
	s20 =	simm.s32 $0x10400  }
0x5: {  	s21 =	simm.s32 $0x11C00;
	s28 =	simm.s32 $0x17C00;
	s1 =	sand.u32 $0x1, s1  }
0x6: {  	s29 =	simm.s32 $0x2;
	s2 =	sshll.u32 s2, $0xB;
	s3 =	sshll.u32 s1, $0xA  }
0x7: {  	s30 =	simm.s32 $0x19400;
	s31 =	simm.s32 $0x3;
	s6 =	sor.u32 s3, s2  }
0x8: {  	[smem:$0x7FF] =	sst s5;
	s7 =	sadd.s32 $0x6800, s0;
	s2 =	sshrl.u32 s6, $0x3  }
0x9: {  	s8 =	sadd.s32 $0x2A800, s0;
	s1 =	ssub.s32 $0x2, s1;
	s0 =	sadd.s32 s2, s0  }
0xa: {  	_ =	strace $0x80000047;
	s22 =	sshrl.u32 s1, $0x1;
	s23 =	sadd.s32 $0x5800, s0  }
0xb: {  	s3 =	simm.s32 $0x0;
	s24 =	sadd.s32 $0x4800, s0;
	[dreg:$0x5] =	wrdreg s23  }
0xc: {  	s1 =	ssub.s32 s1, s22;
	s25 =	sadd.s32 $0x3800, s0;
	[dreg:$0x6] =	wrdreg s24  }
0xd: {  	s22 =	simm.s32 $0x20;
	s26 =	sadd.s32 $0x2800, s0;
	[dreg:$0x7] =	wrdreg s25  }
0xe: {  	s14 =	smax.u32 s1, $0x1;
	s0 =	sadd.s32 $0x1800, s0;
	[dreg:$0x8] =	wrdreg s26  }
0xf: {  	[dreg:$0x9] =	wrdreg s0;
	s23 =	simm.s32 $0x13400;
	s24 =	simm.s32 $0x14C00  }
0x10: {  	s25 =	simm.s32 $0x16400;
	s26 =	simm.s32 $0x1;
	s0 =	simm.s32 $0x4  }
.LBB2_1:
0x11: {  	s1 =	rddreg [dreg:$0x5]  }
0x12: {  	[tilespmem:s5], [sflag:$0x5] =	stream.linear.gather [hbm4b:s1+s5], $0x400, $0x38;
	[tilespmem:$0x1AD80] =	vst v63  }
0x13: {  	_ =	swait.ge [sflag:s15], $0x400  }
0x14: {  	[sflag:s15] =	ssyncset.done $0x0  }
0x15: {  	s2 =	simm.s32 $0x400;
	s13 =	rddreg [dreg:$0x6];
	[sflag:s15] =	ssyncadd.s32 $0xFFFFFC00  }
0x16: {  	[tilespmem:s2], [sflag:$0x5] =	stream.linear.gather [hbm4b:s13+s5], $0x400, $0x38;
	[tilespmem:$0x1AD80] =	vst v63  }
0x17: {  	_ =	swait.ge [sflag:s15], $0x400  }
0x18: {  	[sflag:s15] =	ssyncset.done $0x0  }
0x19: {  	s19 =	simm.s32 $0x800;
	s16 =	rddreg [dreg:$0x7];
	[sflag:s15] =	ssyncadd.s32 $0xFFFFFC00  }
0x1a: {  	[tilespmem:s19], [sflag:$0x5] =	stream.linear.gather [hbm4b:s16+s5], $0x400, $0x38;
	[tilespmem:$0x1AD80] =	vst v63  }
0x1b: {  	_ =	swait.ge [sflag:s15], $0x400  }
0x1c: {  	[sflag:s15] =	ssyncset.done $0x0  }
0x1d: {  	s9 =	simm.s32 $0xC00;
	s2 =	rddreg [dreg:$0x8];
	[sflag:s15] =	ssyncadd.s32 $0xFFFFFC00  }
0x1e: {  	[tilespmem:s9], [sflag:$0x5] =	stream.linear.gather [hbm4b:s2+s5], $0x400, $0x38;
	[tilespmem:$0x1AD80] =	vst v63  }
0x1f: {  	_ =	swait.ge [sflag:s15], $0x400  }
0x20: {  	[sflag:s15] =	ssyncset.done $0x0  }
0x21: {  	s11 =	rddreg [dreg:$0x9];
	[sflag:s15] =	ssyncadd.s32 $0xFFFFFC00  }
0x22: {  	[tilespmem:s10], [sflag:$0x5] =	stream.linear.gather [hbm4b:s11+s5], $0x400, $0x38;
	[tilespmem:$0x1AD80] =	vst v63  }
0x23: {  	_ =	swait.ge [sflag:s15], $0x400  }
0x24: {  	[sflag:s15] =	ssyncset.done $0x0  }
0x25: {  	[sflag:s15] =	ssyncadd.s32 $0xFFFFFC00  }
0x26: {  	s13 =	simm.s32 $0x1AC00;
	s12 =	rddreg [dreg:$0x1]  }
0x27: {  	[tilespmem:s13], [sflag:$0x5] =	stream.linear.gather [hbm4b:s12+s5], $0xC0, $0x38;
	[tilespmem:$0x1AD80] =	vst v63  }
0x28: {  	_ =	swait.ge [sflag:s15], $0xC0  }
0x29: {  	[sflag:s15] =	ssyncset.done $0x0  }
0x2a: {  	[sflag:s15] =	ssyncadd.s32 $0xFFFFFF40  }
0x2b: {  	s19 =	simm.s32 $0x1ACC0;
	s16 =	rddreg [dreg:$0x2]  }
0x2c: {  	[tilespmem:s19], [sflag:$0x5] =	stream.linear.gather [hbm4b:s16+s5], $0xC0, $0x38;
	[tilespmem:$0x1AD80] =	vst v63  }
0x2d: {  	_ =	swait.ge [sflag:s15], $0xC0  }
0x2e: {  	[sflag:s15] =	ssyncset.done $0x0  }
0x2f: {  	s2 =	simm.s32 $0x0;
	[sflag:s15] =	ssyncadd.s32 $0xFFFFFF40  }
0x30: {  	v1 =	vld [tilespmem:s2+$0x0]  }
0x31: {  	v3 =	vld [tilespmem:s2+$0x800]  }
0x32: {  	v4 =	vld [tilespmem:s2+$0x400]  }
0x33: {  	v5 =	vld [tilespmem:s2+$0xC00];
	_ =	sdelay $0x1  }
0x34: {  	s1 =	simm.s32 $0x10  }
0x35: {  	v0 =	vld [tilespmem:s1+$0x0];
	[tilespmem:s2+$0x1400] =	vst v1;
	v6 =	vadd.s32 $0x800, v3;
	v1 =	vsub.s32 v3, v1  }
0x36: {  	v2 =	vld [tilespmem:s1+$0x800];
	[tilespmem:s2+$0x1C00] =	vst v6;
	v3 =	vadd.s32 $0x1400, v1  }
0x37: {  	v6 =	vadd.s32 $0x400, v4;
	v4 =	vsub.s32 v5, v4;
	v1 =	vld [tilespmem:s1+$0x400];
	[tilespmem:s2+$0x2800] =	vst v3  }
0x38: {  	v3 =	vld [tilespmem:s1+$0xC00];
	[tilespmem:s2+$0x1800] =	vst v6;
	v6 =	vadd.s32 $0x1000, v4  }
0x39: {  	s9 =	simm.s32 $0x80;
	v4 =	vadd.s32 $0xC00, v5;
	[tilespmem:s2+$0x2400] =	vst v6  }
.LBB2_2:
0x3a: {  	[tilespmem:s2+$0x2000] =	vst v4;
	s2 =	smov.u32 s1;
	s1 =	sshra.s32 s9, $0x2;
	p0 =	sne.s32 s9, $0xFC0  }
.Ltmp0:
0x3b: {  	s9 =	sadd.s32 $0x40, s9;
	[tilespmem:s2+$0x1400] =	vst v0;
	v4 =	vadd.s32 $0x800, v2;
	v5 =	vsub.s32 v2, v0;
	v0 =	vld [tilespmem:s1+$0x0];
	(pc) =	sbr.rel @p0 .LBB2_2-.Ltmp0, $4  }
0x3c: {  	v2 =	vld [tilespmem:s1+$0x800];
	v6 =	vadd.s32 $0x400, v1;
	[tilespmem:s2+$0x1C00] =	vst v4;
	v5 =	vadd.s32 $0x1400, v5  }
0x3d: {  	v4 =	vadd.s32 $0xC00, v3;
	v7 =	vsub.s32 v3, v1;
	v1 =	vld [tilespmem:s1+$0x400];
	[tilespmem:s2+$0x2800] =	vst v5  }
0x3e: {  	v3 =	vld [tilespmem:s1+$0xC00];
	[tilespmem:s2+$0x1800] =	vst v6;
	v5 =	vadd.s32 $0x1000, v7  }
0x3f: {  	[tilespmem:s2+$0x2400] =	vst v5  }
0x40: {  	[tilespmem:s2+$0x2000] =	vst v4  }
0x41: {  	[tilespmem:s1+$0x1400] =	vst v0;
	v57 =	vadd.s32 $0x800, v2;
	v58 =	vsub.s32 v2, v0  }
0x42: {  	[tilespmem:s1+$0x1C00] =	vst v57;
	v0 =	vadd.s32 $0x1400, v58  }
0x43: {  	v59 =	vadd.s32 $0x400, v1;
	[tilespmem:s1+$0x2800] =	vst v0  }
0x44: {  	v60 =	vsub.s32 v3, v1;
	[tilespmem:s1+$0x1800] =	vst v59;
	v62 =	vadd.s32 $0xC00, v3  }
0x45: {  	v61 =	vadd.s32 $0x1000, v60;
	[tilespmem:s1+$0x2000] =	vst v62  }
0x46: {  	[tilespmem:s1+$0x2400] =	vst v61  }
0x47: {  	v1 =	vld [tilespmem:$0x1AC00]  }
0x48: {  	v2 =	vld [tilespmem:$0x1AC10]  }
0x49: {  	v6 =	vld [tilespmem:$0x1AC20]  }
0x4a: {  	v7 =	vld [tilespmem:$0x1AC30]  }
0x4b: {  	v8 =	vld [tilespmem:$0x1AC40]  }
0x4c: {  	v0 =	vld [tilespmem:$0x1AC50]  }
0x4d: {  	v19 =	vld [tilespmem:$0x1AC60]  }
0x4e: {  	v20 =	vld [tilespmem:$0x1AC70]  }
0x4f: {  	v21 =	vld [tilespmem:$0x1AC80]  }
0x50: {  	v22 =	vld [tilespmem:$0x1AC90]  }
0x51: {  	v23 =	vld [tilespmem:$0x1ACA0]  }
0x52: {  	v4 =	vld [tilespmem:$0x1ACB0]  }
0x53: {  	v9 =	vld [tilespmem:$0x1ACC0]  }
0x54: {  	v10 =	vld [tilespmem:$0x1ACD0]  }
0x55: {  	v11 =	vld [tilespmem:$0x1ACE0]  }
0x56: {  	v12 =	vld [tilespmem:$0x1ACF0]  }
0x57: {  	v13 =	vld [tilespmem:$0x1AD00]  }
0x58: {  	v14 =	vld [tilespmem:$0x1AD10]  }
0x59: {  	v15 =	vld [tilespmem:$0x1AD20]  }
0x5a: {  	v16 =	vld [tilespmem:$0x1AD30]  }
0x5b: {  	v17 =	vld [tilespmem:$0x1AD40]  }
0x5c: {  	v18 =	vld [tilespmem:$0x1AD50]  }
0x5d: {  	s9 =	simm.s32 $0x1400;
	s11 =	simm.s32 $0x2C00;
	v5 =	vld [tilespmem:$0x1AD60]  }
0x5e: {  	v63 =	vld [tilespmem:$0x1AD70];
	[tilespmem:s11], [sflag:$0x1] =	stream.indirect.gather [hbm4b:s7+s22], $0xC0, s9, s22, $0xb8  }
0x5f: {  	s12 =	simm.s32 $0x1800;
	s13 =	simm.s32 $0x4400  }
0x60: {  	[tilespmem:s13], [sflag:$0x1] =	stream.indirect.gather [hbm4b:s7+s22], $0xC0, s12, s22, $0xb8;
	[tilespmem:$0x1AD80] =	vst v63  }
0x61: {  	s16 =	simm.s32 $0x1C00;
	s19 =	simm.s32 $0x5C00  }
0x62: {  	[tilespmem:s19], [sflag:$0x1] =	stream.indirect.gather [hbm4b:s7+s22], $0xC0, s16, s22, $0xb8;
	[tilespmem:$0x1AD80] =	vst v63  }
0x63: {  	[tilespmem:$0x1FED0] =	vst v63  }
0x64: {  	[tilespmem:$0x1FEE0] =	vst v5  }
0x65: {  	[tilespmem:$0x1FEF0] =	vst v4  }
0x66: {  	[tilespmem:$0x1FF00] =	vst v9  }
0x67: {  	[tilespmem:$0x1FF10] =	vst v10  }
0x68: {  	[tilespmem:$0x1FF20] =	vst v11  }
0x69: {  	[tilespmem:$0x1FF30] =	vst v12  }
0x6a: {  	[tilespmem:$0x1FF40] =	vst v13  }
0x6b: {  	[tilespmem:$0x1FF50] =	vst v14  }
0x6c: {  	[tilespmem:$0x1FF60] =	vst v1  }
0x6d: {  	[tilespmem:$0x1FF70] =	vst v2  }
0x6e: {  	[tilespmem:$0x1FF80] =	vst v6  }
0x6f: {  	[tilespmem:$0x1FF90] =	vst v7  }
0x70: {  	[tilespmem:$0x1FFA0] =	vst v8  }
0x71: {  	[tilespmem:$0x1FFB0] =	vst v0  }
0x72: {  	s2 =	simm.s32 $0x2000;
	s9 =	simm.s32 $0x7400;
	[tilespmem:$0x1FFC0] =	vst v18  }
0x73: {  	[tilespmem:s9], [sflag:$0x1] =	stream.indirect.gather [hbm4b:s7+s22], $0xC0, s2, s22, $0xb8;
	[tilespmem:$0x1AD80] =	vst v63  }
0x74: {  	s11 =	simm.s32 $0x2400;
	s12 =	simm.s32 $0x8C00;
	[tilespmem:$0x1FFD0] =	vst v17  }
0x75: {  	[tilespmem:s12], [sflag:$0x1] =	stream.indirect.gather [hbm4b:s7+s22], $0xC0, s11, s22, $0xb8;
	[tilespmem:$0x1AD80] =	vst v63  }
0x76: {  	s13 =	simm.s32 $0x2800;
	s16 =	simm.s32 $0xA400;
	[tilespmem:$0x1FFE0] =	vst v22  }
0x77: {  	[tilespmem:s16], [sflag:$0x1] =	stream.indirect.gather [hbm4b:s7+s22], $0xC0, s13, s22, $0xb8;
	[tilespmem:$0x1AD80] =	vst v63  }
0x78: {  	s1 =	simm.s32 $0x0;
	s19 =	simm.s32 $0xBC00;
	[tilespmem:$0x1FFF0] =	vst v23  }
0x79: {  	[tilespmem:s19], [sflag:$0x1] =	stream.indirect.gather [hbm4b:s8+s22], $0xC0, s10, s22, $0xb8;
	[tilespmem:$0x1AD80] =	vst v63  }
.LBB2_4:
0x7a: {  	s16 =	sshll.u32 s1, $0x6  }
0x7b: {  	s2 =	sadd.s32 $0x1420, s16  }
0x7c: {  	[tilespmem:s17], [sflag:$0x2] =	stream.indirect.gather [hbm4b:s7+s22], $0xC0, s2, s22, $0xb8;
	[tilespmem:$0x1AD80] =	vst v63  }
0x7d: {  	s12 =	sadd.s32 $0x1820, s16  }
0x7e: {  	[tilespmem:s18], [sflag:$0x2] =	stream.indirect.gather [hbm4b:s7+s22], $0xC0, s12, s22, $0xb8;
	[tilespmem:$0x1AD80] =	vst v63  }
0x7f: {  	s13 =	sadd.s32 $0x1C20, s16  }
0x80: {  	[tilespmem:s20], [sflag:$0x2] =	stream.indirect.gather [hbm4b:s7+s22], $0xC0, s13, s22, $0xb8;
	[tilespmem:$0x1AD80] =	vst v63  }
0x81: {  	s19 =	sadd.s32 $0x2020, s16  }
0x82: {  	[tilespmem:s21], [sflag:$0x2] =	stream.indirect.gather [hbm4b:s7+s22], $0xC0, s19, s22, $0xb8;
	[tilespmem:$0x1AD80] =	vst v63  }
0x83: {  	s9 =	sadd.s32 $0x2420, s16  }
0x84: {  	[tilespmem:s23], [sflag:$0x2] =	stream.indirect.gather [hbm4b:s7+s22], $0xC0, s9, s22, $0xb8;
	[tilespmem:$0x1AD80] =	vst v63  }
0x85: {  	s10 =	sadd.s32 $0x2820, s16  }
0x86: {  	[tilespmem:s24], [sflag:$0x2] =	stream.indirect.gather [hbm4b:s7+s22], $0xC0, s10, s22, $0xb8;
	[tilespmem:$0x1AD80] =	vst v63  }
0x87: {  	s11 =	sadd.s32 $0x1020, s16  }
0x88: {  	[tilespmem:s25], [sflag:$0x2] =	stream.indirect.gather [hbm4b:s8+s22], $0xC0, s11, s22, $0xb8;
	[tilespmem:$0x1AD80] =	vst v63  }
0x89: {  	_ =	swait.ge [sflag:s26], $0x1800  }
0x8a: {  	[sflag:s26] =	ssyncset.done $0x0  }
0x8b: {  	[sflag:s26] =	ssyncadd.s32 $0xFFFFE800  }
0x8c: {  	_ =	swait.ge [sflag:s26], $0x1800  }
0x8d: {  	[sflag:s26] =	ssyncset.done $0x0  }
0x8e: {  	[sflag:s26] =	ssyncadd.s32 $0xFFFFE800  }
0x8f: {  	_ =	swait.ge [sflag:s26], $0x1800  }
0x90: {  	[sflag:s26] =	ssyncset.done $0x0  }
0x91: {  	[sflag:s26] =	ssyncadd.s32 $0xFFFFE800  }
0x92: {  	_ =	swait.ge [sflag:s26], $0x1800  }
0x93: {  	[sflag:s26] =	ssyncset.done $0x0  }
0x94: {  	[sflag:s26] =	ssyncadd.s32 $0xFFFFE800  }
0x95: {  	_ =	swait.ge [sflag:s26], $0x1800  }
0x96: {  	[sflag:s26] =	ssyncset.done $0x0  }
0x97: {  	[sflag:s26] =	ssyncadd.s32 $0xFFFFE800  }
0x98: {  	_ =	swait.ge [sflag:s26], $0x1800  }
0x99: {  	[sflag:s26] =	ssyncset.done $0x0  }
0x9a: {  	[sflag:s26] =	ssyncadd.s32 $0xFFFFE800  }
0x9b: {  	_ =	swait.ge [sflag:s26], $0x1800  }
0x9c: {  	p0 =	seq.s32 s1, $0x0;
	[sflag:s26] =	ssyncset.done $0x0  }
0x9d: {  	s2 =	simm.s32 @!p0 $0x3;
	[sflag:s26] =	ssyncadd.s32 $0xFFFFE800  }
0x9e: {  	_ =	swait.ge @!p0 [sflag:s2], $0x1800  }
0x9f: {  	[sflag:s2] =	ssyncset.done @!p0 $0x0  }
0xa0: {  	s19 =	simm.s32 $0x0;
	[sflag:s2] =	ssyncadd.s32 @!p0 $0xFFFFE800  }
0xa1: {  	v41 =	vld [tilespmem:s19+$0x8CB0]  }
0xa2: {  	v31 =	vld [tilespmem:s19+$0x8CA0]  }
0xa3: {  	v3 =	vld [tilespmem:s19+$0x74B0]  }
0xa4: {  	v6 =	vld [tilespmem:s19+$0xA480]  }
0xa5: {  	v35 =	vld [tilespmem:s19+$0x8C90]  }
0xa6: {  	v4 =	vld [tilespmem:s19+$0x74A0]  }
0xa7: {  	v5 =	vld [tilespmem:s19+$0x5CB0]  }
0xa8: {  	v24 =	vld [tilespmem:s19+$0x8C80]  }
0xa9: {  	v25 =	vld [tilespmem:s19+$0x7490]  }
0xaa: {  	v26 =	vld [tilespmem:s19+$0x5CA0]  }
0xab: {  	v27 =	vld [tilespmem:s19+$0x2CB0]  }
0xac: {  	v28 =	vld [tilespmem:s19+$0x44B0]  }
0xad: {  	v29 =	vld [tilespmem:s19+$0x8C70]  }
0xae: {  	v30 =	vld [tilespmem:s19+$0x7480]  }
0xaf: {  	v32 =	vld [tilespmem:s19+$0x5C90]  }
0xb0: {  	v33 =	vld [tilespmem:s19+$0x2CA0]  }
0xb1: {  	v34 =	vld [tilespmem:s19+$0x44A0]  }
0xb2: {  	v7 =	vld [tilespmem:s19+$0xA450]  }
0xb3: {  	v36 =	vld [tilespmem:s19+$0x8C60]  }
0xb4: {  	v37 =	vld [tilespmem:s19+$0x7470]  }
0xb5: {  	v38 =	vld [tilespmem:s19+$0x5C80]  }
0xb6: {  	v39 =	vld [tilespmem:s19+$0x2C90]  }
0xb7: {  	v40 =	vld [tilespmem:s19+$0x4490]  }
0xb8: {  	v8 =	vld [tilespmem:s19+$0xA440]  }
0xb9: {  	v42 =	vld [tilespmem:s19+$0x8C50]  }
0xba: {  	v43 =	vld [tilespmem:s19+$0x7460]  }
0xbb: {  	v44 =	vld [tilespmem:s19+$0x5C70]  }
0xbc: {  	v45 =	vld [tilespmem:s19+$0x2C80]  }
0xbd: {  	v46 =	vld [tilespmem:s19+$0x4480]  }
0xbe: {  	v47 =	vld [tilespmem:s19+$0x2C70]  }
0xbf: {  	v48 =	vld [tilespmem:s19+$0x4470]  }
0xc0: {  	v49 =	vld [tilespmem:s19+$0x2C60]  }
0xc1: {  	v50 =	vld [tilespmem:s19+$0x4460]  }
0xc2: {  	v51 =	vld [tilespmem:s19+$0x2C50]  }
0xc3: {  	v52 =	vld [tilespmem:s19+$0x4450]  }
0xc4: {  	v53 =	vld [tilespmem:s19+$0x2C40]  }
0xc5: {  	v54 =	vld [tilespmem:s19+$0x4440]  }
0xc6: {  	v55 =	vld [tilespmem:s19+$0x2C30]  }
0xc7: {  	v56 =	vld [tilespmem:s19+$0x4430]  }
0xc8: {  	v57 =	vld [tilespmem:s19+$0x2C20]  }
0xc9: {  	v58 =	vld [tilespmem:s19+$0x4420]  }
0xca: {  	v59 =	vld [tilespmem:s19+$0x2C10]  }
0xcb: {  	v60 =	vld [tilespmem:s19+$0x4410]  }
0xcc: {  	v61 =	vld [tilespmem:s19+$0x2C00]  }
0xcd: {  	v62 =	vld [tilespmem:s19+$0x4400]  }
0xce: {  	v63 =	vld [tilespmem:s19+$0x5C60]  }
0xcf: {  	v1 =	vld [tilespmem:s19+$0x5C50]  }
0xd0: {  	v2 =	vld [tilespmem:s19+$0x5C40]  }
0xd1: {  	s9 =	simm.s32 $0xC0;
	v0 =	vld [tilespmem:s19+$0x5C30]  }
0xd2: {  	v17 =	vld [tilespmem:s9+$0x5C80];
	v33 =	vadd.f32 v34, v33;
	v27 =	vadd.f32 v28, v27  }
0xd3: {  	v18 =	vld [tilespmem:s9+$0x5C70];
	v34 =	vadd.f32 v46, v45;
	v39 =	vadd.f32 v40, v39  }
0xd4: {  	v28 =	vld [tilespmem:s19+$0x5C20];
	v9 =	vadd.f32 v50, v49;
	v10 =	vadd.f32 v48, v47  }
0xd5: {  	v40 =	vld [tilespmem:s19+$0x5C10];
	v48 =	vadd.f32 v54, v53;
	v11 =	vadd.f32 v52, v51  }
0xd6: {  	v47 =	vld [tilespmem:s19+$0x5C00];
	v51 =	vadd.f32 v58, v57;
	v12 =	vadd.f32 v56, v55  }
0xd7: {  	v50 =	vld [tilespmem:s19+$0x7450];
	v13 =	vadd.f32 v62, v61;
	v14 =	vadd.f32 v60, v59  }
0xd8: {  	v53 =	vld [tilespmem:s19+$0x7440];
	v26 =	vadd.f32 v26, v33;
	v5 =	vadd.f32 v5, v27  }
0xd9: {  	v56 =	vld [tilespmem:s19+$0x7430];
	v60 =	vadd.f32 v38, v34;
	v32 =	vadd.f32 v32, v39  }
0xda: {  	v61 =	vld [tilespmem:s19+$0x7410];
	v62 =	vadd.f32 v63, v9;
	v63 =	vadd.f32 v44, v10  }
0xdb: {  	v49 =	vld [tilespmem:s19+$0x8C00];
	v1 =	vadd.f32 v1, v11;
	v0 =	vadd.f32 v0, v12  }
0xdc: {  	v52 =	vld [tilespmem:s19+$0xA420];
	v2 =	vadd.f32 v2, v48;
	v3 =	vadd.f32 v3, v5  }
0xdd: {  	v27 =	vld [tilespmem:s19+$0x7420];
	v5 =	vadd.f32 v25, v32;
	v4 =	vadd.f32 v4, v26  }
0xde: {  	v9 =	vld [tilespmem:s19+$0x7400];
	v26 =	vadd.f32 v37, v63;
	v30 =	vadd.f32 v30, v60  }
0xdf: {  	v10 =	vld [tilespmem:s19+$0x8C40];
	v40 =	vadd.f32 v40, v14;
	v28 =	vadd.f32 v28, v51  }
0xe0: {  	v11 =	vld [tilespmem:s19+$0xBC10];
	v47 =	vadd.f32 v47, v13;
	v14 =	vadd.f32 v43, v62  }
0xe1: {  	v25 =	vld [tilespmem:s19+$0xA410];
	v2 =	vadd.f32 v53, v2;
	v1 =	vadd.f32 v50, v1  }
0xe2: {  	v13 =	vld [tilespmem:s19+$0x8C10];
	v0 =	vadd.f32 v56, v0;
	v4 =	vadd.f32 v31, v4  }
0xe3: {  	v50 =	vld [tilespmem:s19+$0x8C20];
	v3 =	vadd.f32 v41, v3;
	v53 =	vadd.f32 v24, v30  }
0xe4: {  	v5 =	vadd.f32 v35, v5;
	v27 =	vadd.f32 v27, v28;
	v28 =	vld [tilespmem:s19+$0xA400]  }
0xe5: {  	v12 =	vld [tilespmem:s19+$0x8C30];
	v51 =	vadd.f32 v9, v47;
	v34 =	vadd.f32 v61, v40  }
0xe6: {  	v31 =	vld [tilespmem:s19+$0xBC00];
	v54 =	vadd.f32 v29, v26;
	v33 =	vadd.f32 v36, v14  }
0xe7: {  	v30 =	vld [tilespmem:s19+$0xA430];
	v24 =	vadd.f32 v49, v51;
	v29 =	vadd.f32 v13, v34  }
0xe8: {  	v26 =	vld [tilespmem:s19+$0xBC20];
	v2 =	vadd.f32 v10, v2;
	v27 =	vadd.f32 v50, v27  }
0xe9: {  	v55 =	vld [tilespmem:s19+$0xBC30];
	v24 =	vadd.f32 v28, v24;
	v28 =	vadd.f32 v25, v29  }
0xea: {  	v57 =	vld [tilespmem:s19+$0xBCA0];
	v0 =	vadd.f32 v12, v0;
	v27 =	vadd.f32 v52, v27  }
0xeb: {  	v59 =	vld [tilespmem:s19+$0xA470];
	v25 =	vadd.f32 v31, v24;
	v24 =	vadd.f32 v11, v28  }
0xec: {  	v1 =	vadd.f32 v42, v1;
	v0 =	vadd.f32 v30, v0;
	v29 =	vld [tilespmem:s19+$0xBC40]  }
0xed: {  	v31 =	vld [tilespmem:s19+$0xA460];
	v26 =	vadd.f32 v26, v27;
	v28 =	vmul.f32 v25, v25;
	v58 =	vmul.f32 v24, v24  }
0xee: {  	v2 =	vadd.f32 v8, v2;
	v30 =	vld [tilespmem:s19+$0xBC50];
	v60 =	vadd.f32 $0.0e+00, v25  }
0xef: {  	v38 =	vld [tilespmem:s9+$0x8CA0];
	v27 =	vadd.f32 v55, v0;
	v0 =	vadd.f32 v58, v28;
	v28 =	vmul.f32 v26, v26  }
0xf0: {  	v61 =	vld [tilespmem:s19+$0xBC60];
	v1 =	vadd.f32 v7, v1;
	v63 =	vadd.f32 v24, v60  }
0xf1: {  	v39 =	vld [tilespmem:s9+$0x8C90];
	v9 =	vmul.f32 v27, v27;
	v0 =	vadd.f32 v28, v0;
	v28 =	vadd.f32 v29, v2  }
0xf2: {  	v8 =	vld [tilespmem:s19+$0xBC70];
	v31 =	vadd.f32 v31, v33;
	v32 =	vadd.f32 v26, v63  }
0xf3: {  	v2 =	vld [tilespmem:s19+$0xA490];
	v29 =	vadd.f32 v30, v1;
	v0 =	vadd.f32 v9, v0;
	v11 =	vmul.f32 v28, v28  }
0xf4: {  	v10 =	vld [tilespmem:s19+$0xBC80];
	v35 =	vadd.f32 v59, v54;
	v32 =	vadd.f32 v27, v32  }
0xf5: {  	v1 =	vld [tilespmem:s19+$0xA4A0];
	v30 =	vadd.f32 v61, v31;
	v13 =	vmul.f32 v29, v29;
	v0 =	vadd.f32 v11, v0  }
0xf6: {  	v12 =	vld [tilespmem:s19+$0xBC90];
	v14 =	vadd.f32 v6, v53;
	v32 =	vadd.f32 v28, v32  }
0xf7: {  	v62 =	vld [tilespmem:s19+$0xA4B0];
	v31 =	vadd.f32 v8, v35;
	v44 =	vmul.f32 v30, v30;
	v0 =	vadd.f32 v13, v0  }
0xf8: {  	v37 =	vld [tilespmem:s9+$0x8CB0];
	v2 =	vadd.f32 v2, v5;
	v5 =	vadd.f32 v29, v32  }
0xf9: {  	v56 =	vld [tilespmem:s19+$0xBCB0];
	v35 =	vmul.f32 v31, v31;
	v32 =	vadd.f32 v10, v14;
	v0 =	vadd.f32 v44, v0  }
0xfa: {  	v43 =	vld [tilespmem:s9+$0xA440];
	v1 =	vadd.f32 v1, v4;
	v5 =	vadd.f32 v30, v5  }
0xfb: {  	v41 =	vld [tilespmem:s9+$0xA450];
	v33 =	vadd.f32 v12, v2;
	v45 =	vmul.f32 v32, v32;
	v0 =	vadd.f32 v35, v0  }
0xfc: {  	v36 =	vld [tilespmem:s9+$0xA480];
	v3 =	vadd.f32 v62, v3;
	v5 =	vadd.f32 v31, v5  }
0xfd: {  	v40 =	vld [tilespmem:s9+$0x8C80];
	v34 =	vadd.f32 v57, v1;
	v46 =	vmul.f32 v33, v33;
	v0 =	vadd.f32 v45, v0  }
0xfe: {  	v42 =	vld [tilespmem:s9+$0x8C70];
	v5 =	vadd.f32 v32, v5  }
0xff: {  	v6 =	vld [tilespmem:s9+$0x74B0];
	v47 =	vmul.f32 v34, v34;
	v35 =	vadd.f32 v56, v3;
	v0 =	vadd.f32 v46, v0  }
0x100: {  	v53 =	vld [tilespmem:s9+$0x2C90];
	v5 =	vadd.f32 v33, v5  }
0x101: {  	v54 =	vld [tilespmem:s9+$0x4490];
	v48 =	vmul.f32 v35, v35;
	v0 =	vadd.f32 v47, v0  }
0x102: {  	v59 =	vld [tilespmem:s9+$0x2C70];
	v5 =	vadd.f32 v34, v5  }
0x103: {  	v7 =	vld [tilespmem:s9+$0x74A0];
	v0 =	vadd.f32 v48, v0  }
0x104: {  	v51 =	vld [tilespmem:s9+$0x44A0];
	v5 =	vadd.f32 v35, v5  }
0x105: {  	v62 =	vld [tilespmem:s9+$0x4460];
	(xrf2) =	vadd.scan.msk.f32 $0xffff, v0  }
0x106: {  	v52 =	vld [tilespmem:s9+$0x2CA0];
	(xrf2) =	vadd.scan.msk.f32 $0xffff, v5  }
0x107: {  	v55 =	vld [tilespmem:s9+$0x4470]  }
0x108: {  	v58 =	vld [tilespmem:s9+$0x2C80]  }
0x109: {  	v60 =	vld [tilespmem:s9+$0x4480]  }
0x10a: {  	v63 =	vld [tilespmem:s9+$0x2C50]  }
0x10b: {  	v8 =	vld [tilespmem:s9+$0x7490]  }
0x10c: {  	v61 =	vld [tilespmem:s9+$0x2C60]  }
0x10d: {  	v9 =	vld [tilespmem:s9+$0x7480]  }
0x10e: {  	v11 =	vld [tilespmem:s9+$0x7470]  }
0x10f: {  	v4 =	vld [tilespmem:s9+$0x2C20];
	v49, _, _ =	vpop (xrf2)  }
0x110: {  	v10 =	vld [tilespmem:s9+$0x5CB0];
	v50, _, _ =	vpop (xrf2)  }
0x111: {  	v13 =	vld [tilespmem:s9+$0x5CA0];
	(v2sf) =	vpush v50, $0xF  }
0x112: {  	v14 =	vld [tilespmem:s9+$0x5C90];
	(v2sf) =	vpush v49, $0xF  }
0x113: {  	v57 =	vld [tilespmem:s9+$0x2CB0]  }
0x114: {  	v12 =	vld [tilespmem:s9+$0x7460]  }
0x115: {  	v2 =	vld [tilespmem:s9+$0x4440]  }
0x116: {  	v1 =	vld [tilespmem:s9+$0x4420]  }
0x117: {  	v56 =	vld [tilespmem:s9+$0x44B0]  }
0x118: {  	v44 =	vld [tilespmem:s9+$0x8C60]  }
0x119: {  	v3 =	vld [tilespmem:s9+$0x2C00]  }
0x11a: {  	v45 =	vld [tilespmem:s9+$0x8C50]  }
0x11b: {  	v46 =	vld [tilespmem:s9+$0x4430]  }
0x11c: {  	v51 =	vadd.f32 v51, v52;
	v52 =	vadd.f32 v56, v57;
	v56 =	vld [tilespmem:s9+$0x5C60]  }
0x11d: {  	v57 =	vadd.f32 v60, v58;
	v58 =	vld [tilespmem:s9+$0x5C50]  }
0x11e: {  	v60 =	vld [tilespmem:s9+$0x5C00]  }
0x11f: {  	v47 =	vld [tilespmem:s9+$0x4410]  }
0x120: {  	v48 =	vld [tilespmem:s9+$0x2C10];
	s12 =	spop (v2sf)  }
0x121: {  	v5 =	vld [tilespmem:s9+$0x2C40];
	s11 =	smul.f32 $5.208333490e-03, s12;
	s13 =	spop (v2sf)  }
0x122: {  	v53 =	vadd.f32 v54, v53;
	v49 =	vld [tilespmem:s9+$0x2C30];
	s2 =	smul.f32 $5.208333490e-03, s13  }
0x123: {  	v55 =	vadd.f32 v55, v59;
	v54 =	vadd.f32 v62, v61;
	v50 =	vld [tilespmem:s9+$0x4450];
	s10 =	smul.f32 s11, s11  }
0x124: {  	v13 =	vadd.f32 v13, v51;
	v1 =	vadd.f32 v1, v4;
	v0 =	vld [tilespmem:s9+$0x4400]  }
0x125: {  	v61 =	vadd.f32 v10, v52;
	v52 =	vadd.f32 v14, v53;
	v53 =	vld [tilespmem:s9+$0x7450];
	s2 =	ssub.f32 s2, s10  }
0x126: {  	v10 =	vadd.f32 v17, v57;
	v2 =	vadd.f32 v2, v5;
	v5 =	vld [tilespmem:s9+$0x5C40]  }
0x127: {  	v14 =	vadd.f32 v56, v54;
	v4 =	vadd.f32 v46, v49;
	v46 =	vld [tilespmem:s9+$0x5C30];
	s2 =	sadd.f32 $9.999999960e-13, s2  }
0x128: {  	v56 =	vadd.f32 v18, v55;
	v54 =	vld [tilespmem:s9+$0x7440];
	v50 =	vadd.f32 v50, v63  }
0x129: {  	v0 =	vadd.f32 v0, v3;
	v3 =	vadd.f32 v47, v48;
	v49 =	vld [tilespmem:s9+$0x5C10];
	v63 =	vmov s2  }
0x12a: {  	v47 =	vld [tilespmem:s9+$0x5C20];
	v55 =	vadd.f32 v58, v50;
	v50 =	vshra.s32 v63, $0x1;
	v48 =	vmul.f32 $5.000000000e-01, v63  }
0x12b: {  	v61 =	vadd.f32 v6, v61;
	v62 =	vadd.f32 v5, v2;
	v2 =	vld [tilespmem:s9+$0x7420];
	v51 =	vsub.s32 $0x5F3759DF, v50  }
0x12c: {  	v0 =	vadd.f32 v60, v0;
	v5 =	vld [tilespmem:s9+$0x7400];
	v57 =	vadd.f32 v46, v4;
	v4 =	vmul.f32 v51, v48  }
0x12d: {  	v60 =	vadd.f32 v8, v52;
	v52 =	vadd.f32 v11, v56;
	v58 =	vld [tilespmem:s9+$0x7430]  }
0x12e: {  	v59 =	vadd.f32 v49, v3;
	v3 =	vadd.f32 v7, v13;
	v49 =	vld [tilespmem:s9+$0x8C40];
	v13 =	vmul.f32 v51, v4  }
0x12f: {  	v46 =	vld [tilespmem:s9+$0xBC10];
	v63 =	vadd.f32 v47, v1;
	v50 =	vadd.f32 v12, v14  }
0x130: {  	v22 =	vmovc v15;
	v23 =	vmov v16;
	s10 =	simm.s32 $0x600;
	s2 =	sor.u32 $0x20, s16;
	v1 =	vld [tilespmem:s9+$0x7410];
	v4 =	vadd.f32 v9, v10;
	v47 =	vsub.f32 $1.500000000e+00, v13  }
.LBB2_5:
0x131: {  	v56 =	vld [tilespmem:s9+$0x8C30]  }
0x132: {  	v9 =	vld [tilespmem:s9+$0x8C20];
	v39 =	vadd.f32 v39, v60;
	v47 =	vmul.f32 v51, v47  }
0x133: {  	v3 =	vadd.f32 v38, v3;
	v0 =	vadd.f32 v5, v0;
	v5 =	vld [tilespmem:s9+$0x8C10]  }
0x134: {  	v4 =	vadd.f32 v40, v4;
	v8 =	vmul.f32 v47, v48;
	v2 =	vadd.f32 v2, v63;
	v63 =	vld [tilespmem:s9+$0x8C00]  }
0x135: {  	v10 =	vld [tilespmem:s9+$0xA400];
	v42 =	vadd.f32 v42, v52;
	v54 =	vadd.f32 v54, v62  }
0x136: {  	v62 =	vld [tilespmem:s9+$0xA410];
	v57 =	vadd.f32 v58, v57;
	v58 =	vadd.f32 v37, v61;
	v37 =	vmul.f32 v8, v47  }
0x137: {  	v11 =	vld [tilespmem:s9+$0xA420];
	v53 =	vadd.f32 v53, v55;
	v1 =	vadd.f32 v1, v59  }
0x138: {  	v12 =	vld [tilespmem:s9+$0xBC00];
	v49 =	vadd.f32 v49, v54;
	v37 =	vsub.f32 $1.500000000e+00, v37  }
0x139: {  	v14 =	vld [tilespmem:s9+$0xBC20];
	v0 =	vadd.f32 v63, v0;
	v1 =	vadd.f32 v5, v1  }
0x13a: {  	v45 =	vadd.f32 v45, v53;
	v2 =	vadd.f32 v9, v2;
	v5 =	vld [tilespmem:s9+$0xA430];
	v15 =	vmul.f32 v37, v47  }
0x13b: {  	v0 =	vadd.f32 v10, v0;
	v1 =	vadd.f32 v62, v1  }
0x13c: {  	v13 =	vadd.f32 v56, v57;
	v54 =	vld [tilespmem:s9+$0xBC30];
	v2 =	vadd.f32 v11, v2;
	v55 =	vmul.f32 v15, v48  }
0x13d: {  	v6 =	vld [tilespmem:$0x1FEF0];
	v0 =	vadd.f32 v12, v0;
	v1 =	vadd.f32 v46, v1  }
0x13e: {  	v57 =	vld [tilespmem:s9+$0xBC40];
	v40 =	vadd.f32 v41, v45;
	v2 =	vadd.f32 v14, v2;
	v59 =	vmul.f32 v55, v15  }
0x13f: {  	v63 =	vld [tilespmem:s9+$0xBC50];
	v5 =	vadd.f32 v5, v13;
	v60 =	vmul.f32 v0, v0;
	v61 =	vmul.f32 v1, v1  }
0x140: {  	v52 =	vmov s11;
	v56 =	vadd.f32 v43, v49;
	v62 =	vld [tilespmem:s9+$0xA460];
	v43 =	vsub.f32 $1.500000000e+00, v59  }
0x141: {  	v9 =	vld [tilespmem:s9+$0xA470];
	v8 =	vmul.f32 v2, v2;
	v5 =	vadd.f32 v54, v5;
	v45 =	vadd.f32 v61, v60  }
0x142: {  	v44 =	vadd.f32 v44, v50;
	v35 =	vsub.f32 v35, v52;
	v11 =	vld [tilespmem:s9+$0xBC60];
	v43 =	vmul.f32 v43, v15  }
0x143: {  	v56 =	vadd.f32 v57, v56;
	v48 =	vld [tilespmem:s9+$0xA4B0];
	v13 =	vmul.f32 v5, v5;
	v12 =	vadd.f32 v8, v45  }
0x144: {  	v4 =	vadd.f32 v36, v4;
	v57 =	vadd.f32 v63, v40;
	v15 =	vld [tilespmem:s9+$0xBC70];
	v35 =	vmul.f32 v43, v35  }
0x145: {  	v38 =	vadd.f32 v62, v44;
	v54 =	vmul.f32 v56, v56;
	v61 =	vld [tilespmem:s9+$0xBC80];
	v36 =	vadd.f32 v13, v12  }
0x146: {  	v42 =	vadd.f32 v9, v42;
	v10 =	vadd.f32 $0.0e+00, v0;
	v35 =	vmul.f32 v35, v6;
	v6 =	vld [tilespmem:$0x1FED0]  }
0x147: {  	v55 =	vld [tilespmem:s9+$0xA490];
	v62 =	vmul.f32 v57, v57;
	v59 =	vadd.f32 v11, v38;
	v36 =	vadd.f32 v54, v36  }
0x148: {  	v9 =	vld [tilespmem:s9+$0xBC90];
	v58 =	vadd.f32 v48, v58;
	v14 =	vadd.f32 v1, v10  }
0x149: {  	v63 =	vld [tilespmem:s9+$0xA4A0];
	v10 =	vmul.f32 v59, v59;
	v44 =	vadd.f32 v15, v42;
	v36 =	vadd.f32 v62, v36  }
0x14a: {  	v50 =	vld [tilespmem:s9+$0xBCA0];
	v60 =	vadd.f32 v2, v14;
	v4 =	vadd.f32 v61, v4  }
0x14b: {  	s12 =	sshra.s32 s10, $0x2;
	v41 =	vld [tilespmem:s9+$0xBCB0];
	v13 =	vmul.f32 v44, v44;
	v35 =	vadd.f32 v35, v6;
	v12 =	vadd.f32 v10, v36  }
0x14c: {  	v37 =	vld [tilespmem:s12+$0x8CB0];
	v40 =	vadd.f32 v55, v39;
	v46 =	vadd.f32 v5, v60  }
0x14d: {  	v38 =	vld [tilespmem:s12+$0x8CA0];
	v14 =	vmul.f32 v4, v4;
	v6 =	vsub.f32 v32, v52;
	[tilespmem:s19+$0x17CB0] =	vst v35;
	v35 =	vadd.f32 v13, v12  }
0x14e: {  	v3 =	vadd.f32 v63, v3;
	v15 =	vadd.f32 v9, v40  }
0x14f: {  	v11 =	vadd.f32 v56, v46;
	v35 =	vadd.f32 v14, v35;
	v14 =	vmul.f32 v43, v6;
	v6 =	vld [tilespmem:$0x1FF70]  }
0x150: {  	v3 =	vadd.f32 v50, v3;
	v9 =	vsub.f32 v24, v52;
	v61 =	vmul.f32 v15, v15  }
0x151: {  	v42 =	vadd.f32 v57, v11;
	v62 =	vsub.f32 v25, v52;
	v46 =	vld [tilespmem:s12+$0x74B0]  }
0x152: {  	v25 =	vmovc v0;
	v11 =	vsub.f32 v27, v52;
	v36 =	vld [tilespmem:s12+$0xA480];
	v0 =	vadd.f32 v61, v35;
	v61 =	vmul.f32 v43, v9  }
0x153: {  	v63 =	vmul.f32 v3, v3;
	v39 =	vld [tilespmem:s12+$0x8C90];
	v35 =	vadd.f32 v41, v58  }
0x154: {  	v42 =	vadd.f32 v59, v42;
	v12 =	vmul.f32 v43, v11;
	v11 =	vmul.f32 v61, v6;
	v6 =	vld [tilespmem:$0x1FF80]  }
0x155: {  	v24 =	vmovc v1;
	v10 =	vsub.f32 v26, v52;
	v47 =	vld [tilespmem:s12+$0x74A0];
	v0 =	vadd.f32 v63, v0;
	v1 =	vmul.f32 v35, v35  }
0x156: {  	v48 =	vld [tilespmem:s12+$0x5CB0];
	v42 =	vadd.f32 v44, v42  }
0x157: {  	v40 =	vld [tilespmem:s12+$0x8C80];
	v0 =	vadd.f32 v1, v0;
	v1 =	vmul.f32 v43, v10  }
0x158: {  	v49 =	vld [tilespmem:s12+$0x7490];
	v8 =	vadd.f32 v4, v42  }
0x159: {  	v1 =	vmul.f32 v1, v6;
	v6 =	vld [tilespmem:$0x1FF90]  }
0x15a: {  	v26 =	vmov v2;
	v51 =	vld [tilespmem:s12+$0x5CA0];
	v2 =	vadd.f32 v15, v8  }
0x15b: {  	v54 =	vld [tilespmem:s12+$0x2CB0]  }
0x15c: {  	v7 =	vsub.f32 v34, v52;
	v34 =	vmov v3;
	v2 =	vadd.f32 v3, v2;
	v3 =	vld [tilespmem:$0x1FF60]  }
0x15d: {  	v55 =	vld [tilespmem:s12+$0x44B0]  }
0x15e: {  	v12 =	vmul.f32 v12, v6;
	v6 =	vld [tilespmem:$0x1FF00]  }
0x15f: {  	v50 =	vld [tilespmem:s12+$0x7480];
	v58 =	vmul.f32 v43, v62  }
0x160: {  	v53 =	vld [tilespmem:s12+$0x5C90]  }
0x161: {  	v42 =	vld [tilespmem:s12+$0x8C70];
	v3 =	vmul.f32 v58, v3  }
0x162: {  	v8 =	vsub.f32 v29, v52;
	v29 =	vmov v57;
	v57 =	vld [tilespmem:s12+$0x2CA0]  }
0x163: {  	v3 =	vadd.f32 v3, v6;
	v6 =	vld [tilespmem:$0x1FFA0]  }
0x164: {  	v27 =	vmov v5;
	v5 =	vsub.f32 v28, v52;
	v41 =	vld [tilespmem:s12+$0xA450]  }
0x165: {  	v13 =	vsub.f32 v33, v52;
	v9 =	vsub.f32 v31, v52;
	v31 =	vmov v44;
	v44 =	vld [tilespmem:s12+$0x8C60]  }
0x166: {  	v33 =	vmovc v15;
	v15 =	vmul.f32 v43, v7;
	v7 =	vld [tilespmem:$0x1FF10];
	(xrf2) =	vadd.scan.msk.f32 $0xffff, v0;
	v0 =	vmul.f32 v43, v5  }
0x167: {  	v63 =	vld [tilespmem:s12+$0x2C90]  }
0x168: {  	v0 =	vmul.f32 v0, v6;
	v6 =	vld [tilespmem:$0x1FFB0]  }
0x169: {  	v5 =	vsub.f32 v30, v52;
	v30 =	vmov v59;
	v59 =	vld [tilespmem:s12+$0x44A0]  }
0x16a: {  	v2 =	vadd.f32 v35, v2;
	v52 =	vld [tilespmem:s12+$0x7470]  }
0x16b: {  	v32 =	vmov v4;
	v4 =	vmul.f32 v43, v13;
	v10 =	vmul.f32 v43, v8;
	v58 =	vld [tilespmem:s12+$0x5C80]  }
0x16c: {  	(xrf2) =	vadd.scan.msk.f32 $0xffff, v2;
	v2 =	vmul.f32 v43, v9;
	v5 =	vmul.f32 v43, v5;
	v43 =	vld [tilespmem:s12+$0xA440]  }
0x16d: {  	v62 =	vmul.f32 v10, v6;
	v6 =	vld [tilespmem:s12+$0x4490]  }
0x16e: {  	v7 =	vadd.f32 v11, v7;
	[tilespmem:s19+$0x17C00] =	vst v3;
	v3 =	vld [tilespmem:$0x1FF20]  }
0x16f: {  	v45 =	vld [tilespmem:s12+$0x8C50]  }
0x170: {  	[tilespmem:s19+$0x17C10] =	vst v7;
	v7 =	vld [tilespmem:$0x1FF30];
	_ =	sdelay $0x2  }
0x171: {  	v1 =	vadd.f32 v1, v3  }
0x172: {  	v9 =	vld [tilespmem:$0x1FF40]  }
0x173: {  	v28 =	vmov v56;
	v56 =	vld [tilespmem:s12+$0x7460];
	v7 =	vadd.f32 v12, v7;
	[tilespmem:s19+$0x17C20] =	vst v1  }
0x174: {  	v61 =	vld [tilespmem:s12+$0x5C70]  }
0x175: {  	[tilespmem:s19+$0x17C30] =	vst v7;
	v7 =	vld [tilespmem:$0x1FFD0];
	_ =	sdelay $0x2  }
0x176: {  	v3 =	vmul.f32 v14, v21  }
0x177: {  	v8 =	vld [tilespmem:$0x1FFE0];
	v0 =	vadd.f32 v0, v9  }
0x178: {  	v3 =	vadd.f32 v3, v7;
	v7 =	vld [tilespmem:s12+$0x2C80]  }
0x179: {  	[tilespmem:s19+$0x17C40] =	vst v0;
	v0 =	vld [tilespmem:$0x1FFC0];
	_ =	sdelay $0x1  }
0x17a: {  	v14 =	vld [tilespmem:$0x1FFF0]  }
0x17b: {  	v4 =	vmul.f32 v4, v8;
	v1 =	vld [tilespmem:$0x1FF50];
	_ =	sdelay $0x1  }
0x17c: {  	v0 =	vadd.f32 v4, v0;
	v4 =	vld [tilespmem:$0x1FEE0];
	_ =	sdelay $0x1  }
0x17d: {  	v2 =	vmul.f32 v2, v20;
	v5 =	vmul.f32 v5, v19  }
0x17e: {  	v13, _, _ =	vpop (xrf2);
	v60 =	vmul.f32 v15, v14;
	v1 =	vadd.f32 v62, v1  }
0x17f: {  	v2 =	vadd.f32 v2, v23;
	v5 =	vadd.f32 v5, v22;
	v15, _, _ =	vpop (xrf2)  }
0x180: {  	(v2sf) =	vpush v15, $0xF;
	v4 =	vadd.f32 v60, v4;
	v60 =	vld [tilespmem:s12+$0x4480];
	[tilespmem:s19+$0x17C50] =	vst v1  }
0x181: {  	(v2sf) =	vpush v13, $0xF;
	v1 =	vld [tilespmem:s12+$0x2C70];
	[tilespmem:s19+$0x17C60] =	vst v5  }
0x182: {  	v5 =	vld [tilespmem:s12+$0x4470];
	[tilespmem:s19+$0x17C70] =	vst v2  }
0x183: {  	v2 =	vld [tilespmem:s12+$0x2C60];
	[tilespmem:s19+$0x17C80] =	vst v3  }
0x184: {  	v3 =	vld [tilespmem:s12+$0x4460];
	[tilespmem:s19+$0x17C90] =	vst v0  }
0x185: {  	v0 =	vld [tilespmem:s12+$0x2C50];
	[tilespmem:s19+$0x17CA0] =	vst v4;
	s19 =	smov.u32 s9;
	s9 =	smov.u32 s12  }
0x186: {  	v4 =	vld [tilespmem:s9+$0x4450]  }
0x187: {  	v8 =	vld [tilespmem:s9+$0x2C40]  }
0x188: {  	v62 =	vld [tilespmem:s9+$0x4440]  }
0x189: {  	v9 =	vld [tilespmem:s9+$0x2C30]  }
0x18a: {  	v10 =	vld [tilespmem:s9+$0x4430]  }
0x18b: {  	v11 =	vld [tilespmem:s9+$0x2C20]  }
0x18c: {  	v12 =	vld [tilespmem:s9+$0x4420]  }
0x18d: {  	v13 =	vld [tilespmem:s9+$0x2C10]  }
0x18e: {  	v14 =	vld [tilespmem:s9+$0x4410]  }
0x18f: {  	s13 =	spop (v2sf);
	v15 =	vld [tilespmem:s9+$0x2C00]  }
0x190: {  	v54 =	vadd.f32 v55, v54;
	v6 =	vadd.f32 v6, v63;
	s11 =	smul.f32 $5.208333490e-03, s13;
	s12 =	spop (v2sf);
	v16 =	vld [tilespmem:s9+$0x4400]  }
0x191: {  	v57 =	vadd.f32 v59, v57;
	v7 =	vadd.f32 v60, v7;
	v55 =	vld [tilespmem:s9+$0x5C60];
	s12 =	smul.f32 $5.208333490e-03, s12  }
0x192: {  	v6 =	vadd.f32 v53, v6;
	v60 =	vld [tilespmem:s9+$0x5C50];
	s13 =	smul.f32 s11, s11;
	v1 =	vadd.f32 v5, v1  }
0x193: {  	v63 =	vld [tilespmem:s9+$0x5C30];
	v7 =	vadd.f32 v58, v7;
	v2 =	vadd.f32 v3, v2  }
0x194: {  	v53 =	vld [tilespmem:s9+$0x7450];
	s12 =	ssub.f32 s12, s13;
	v18 =	vadd.f32 v61, v1;
	v3 =	vadd.f32 v62, v8  }
0x195: {  	v5 =	vld [tilespmem:s9+$0x5C40];
	v0 =	vadd.f32 v4, v0;
	v4 =	vadd.f32 v12, v11  }
0x196: {  	s12 =	sadd.f32 $9.999999960e-13, s12;
	v62 =	vadd.f32 v10, v9;
	v10 =	vadd.f32 v16, v15;
	v12 =	vld [tilespmem:s9+$0x5C20]  }
0x197: {  	v58 =	vld [tilespmem:s9+$0x7430];
	v11 =	vadd.f32 v14, v13;
	v14 =	vadd.f32 v51, v57  }
0x198: {  	v13 =	vld [tilespmem:s9+$0x5C10];
	v15 =	vadd.f32 v48, v54;
	v17 =	vadd.f32 v55, v2;
	v1 =	vmov s12  }
0x199: {  	v16 =	vld [tilespmem:s9+$0x5C00];
	v55 =	vadd.f32 v60, v0;
	v0 =	vshra.s32 v1, $0x1;
	v48 =	vmul.f32 $5.000000000e-01, v1  }
0x19a: {  	p1 =	sne.s32 s10, $0x5D00;
	v54 =	vld [tilespmem:s9+$0x7440];
	v52 =	vadd.f32 v52, v18;
	v57 =	vadd.f32 v63, v62;
	v51 =	vsub.s32 $0x5F3759DF, v0  }
.Ltmp1:
0x19b: {  	v2 =	vld [tilespmem:s9+$0x7420];
	v62 =	vadd.f32 v5, v3;
	v63 =	vadd.f32 v12, v4;
	v4 =	vmul.f32 v51, v48;
	(pc) =	sbr.rel @p1 .LBB2_5-.Ltmp1, $4  }
0x19c: {  	v1 =	vld [tilespmem:s9+$0x7410];
	v61 =	vadd.f32 v46, v15;
	v60 =	vadd.f32 v49, v6  }
0x19d: {  	v5 =	vld [tilespmem:s9+$0x7400];
	v3 =	vadd.f32 v47, v14;
	v59 =	vadd.f32 v13, v11;
	v6 =	vmul.f32 v51, v4  }
0x19e: {  	v49 =	vld [tilespmem:s9+$0x8C40];
	v0 =	vadd.f32 v16, v10;
	v4 =	vadd.f32 v50, v7  }
0x19f: {  	s10 =	sadd.s32 $0x300, s10;
	v46 =	vld [tilespmem:s9+$0xBC10];
	v50 =	vadd.f32 v56, v17;
	v47 =	vsub.f32 $1.500000000e+00, v6  }
0x1a0: {  	v6 =	vld [tilespmem:s9+$0x8C30]  }
0x1a1: {  	v7 =	vld [tilespmem:s9+$0xA410]  }
0x1a2: {  	v8 =	vadd.f32 v54, v62;
	v9 =	vadd.f32 v53, v55;
	v10 =	vld [tilespmem:s9+$0x8C10]  }
0x1a3: {  	v2 =	vadd.f32 v2, v63;
	v11 =	vadd.f32 v58, v57;
	v12 =	vld [tilespmem:s9+$0x8C00]  }
0x1a4: {  	v3 =	vadd.f32 v38, v3;
	v0 =	vadd.f32 v5, v0;
	v5 =	vld [tilespmem:s9+$0x8C20]  }
0x1a5: {  	v13 =	vadd.f32 v37, v61;
	v14 =	vld [tilespmem:s9+$0xA400];
	v4 =	vadd.f32 v40, v4  }
0x1a6: {  	v15 =	vadd.f32 v39, v60;
	v16 =	vld [tilespmem:s9+$0xA420];
	v1 =	vadd.f32 v1, v59  }
0x1a7: {  	v18 =	vadd.f32 v42, v52;
	v63 =	vld [tilespmem:s9+$0xBC00];
	v17 =	vadd.f32 v44, v50  }
0x1a8: {  	v0 =	vadd.f32 v12, v0;
	v1 =	vadd.f32 v10, v1;
	v12 =	vld [tilespmem:s9+$0xA430]  }
0x1a9: {  	v8 =	vadd.f32 v49, v8;
	v2 =	vadd.f32 v5, v2;
	v5 =	vld [tilespmem:s9+$0xBC20]  }
0x1aa: {  	v0 =	vadd.f32 v14, v0;
	v1 =	vadd.f32 v7, v1  }
0x1ab: {  	v6 =	vadd.f32 v6, v11;
	v7 =	vld [tilespmem:s9+$0xBC30];
	v2 =	vadd.f32 v16, v2  }
0x1ac: {  	v38 =	vadd.f32 v63, v0;
	v37 =	vadd.f32 v46, v1  }
0x1ad: {  	v0 =	vadd.f32 v45, v9;
	v1 =	vadd.f32 v12, v6;
	v6 =	vld [tilespmem:s9+$0xBC40]  }
0x1ae: {  	v45 =	vld [tilespmem:s9+$0xBC50];
	v14 =	vmul.f32 v38, v38;
	v44 =	vmul.f32 v37, v37;
	v39 =	vadd.f32 v5, v2  }
0x1af: {  	v46 =	vadd.f32 $0.0e+00, v38;
	v2 =	vld [tilespmem:s9+$0xA460];
	v5 =	vadd.f32 v43, v8  }
0x1b0: {  	v49 =	vld [tilespmem:s9+$0xA470];
	v40 =	vadd.f32 v7, v1;
	v1 =	vadd.f32 v44, v14;
	v7 =	vmul.f32 v39, v39  }
0x1b1: {  	v50 =	vld [tilespmem:s9+$0xBC60];
	v0 =	vadd.f32 v41, v0;
	v11 =	vadd.f32 v37, v46  }
0x1b2: {  	v42 =	vadd.f32 v6, v5;
	v1 =	vadd.f32 v7, v1;
	v7 =	vmul.f32 v40, v40  }
0x1b3: {  	v41 =	vadd.f32 v45, v0;
	v5 =	vld [tilespmem:s9+$0xBC70];
	v6 =	vadd.f32 v39, v11  }
0x1b4: {  	v53 =	vld [tilespmem:s9+$0xBC80];
	v2 =	vadd.f32 v2, v17;
	v1 =	vadd.f32 v7, v1;
	v7 =	vmul.f32 v42, v42  }
0x1b5: {  	v52 =	vadd.f32 v49, v18;
	v0 =	vld [tilespmem:s9+$0xA490];
	v6 =	vadd.f32 v40, v6  }
0x1b6: {  	v43 =	vadd.f32 v50, v2;
	v2 =	vld [tilespmem:s9+$0xA4A0];
	v1 =	vadd.f32 v7, v1;
	v7 =	vmul.f32 v41, v41  }
0x1b7: {  	v54 =	vld [tilespmem:s9+$0xBC90];
	v4 =	vadd.f32 v36, v4;
	v6 =	vadd.f32 v42, v6  }
0x1b8: {  	v55 =	vld [tilespmem:s9+$0xA4B0];
	v36 =	vadd.f32 v5, v52;
	v1 =	vadd.f32 v7, v1;
	v7 =	vmul.f32 v43, v43  }
0x1b9: {  	v45 =	vadd.f32 v53, v4;
	v5 =	vld [tilespmem:s9+$0xBCA0];
	v6 =	vadd.f32 v41, v6  }
0x1ba: {  	v0 =	vadd.f32 v0, v15;
	v1 =	vadd.f32 v7, v1;
	v7 =	vmul.f32 v36, v36  }
0x1bb: {  	v4 =	vld [tilespmem:s9+$0xBCB0];
	v2 =	vadd.f32 v2, v3;
	v3 =	vadd.f32 v43, v6  }
0x1bc: {  	v44 =	vadd.f32 v54, v0;
	v6 =	vmul.f32 v45, v45;
	v1 =	vadd.f32 v7, v1  }
0x1bd: {  	v0 =	vadd.f32 v55, v13;
	v3 =	vadd.f32 v36, v3  }
0x1be: {  	v46 =	vadd.f32 v5, v2;
	v1 =	vadd.f32 v6, v1;
	v6 =	vmul.f32 v44, v44  }
0x1bf: {  	v2 =	vadd.f32 v45, v3  }
0x1c0: {  	v0 =	vadd.f32 v4, v0;
	v3 =	vmul.f32 v46, v46;
	v1 =	vadd.f32 v6, v1  }
0x1c1: {  	v2 =	vadd.f32 v44, v2  }
0x1c2: {  	v1 =	vadd.f32 v3, v1;
	v3 =	vmul.f32 v0, v0  }
0x1c3: {  	v2 =	vadd.f32 v46, v2  }
0x1c4: {  	v1 =	vadd.f32 v3, v1  }
0x1c5: {  	v2 =	vadd.f32 v0, v2  }
0x1c6: {  	(xrf2) =	vadd.scan.msk.f32 $0xffff, v1  }
0x1c7: {  	(xrf2) =	vadd.scan.msk.f32 $0xffff, v2;
	_ =	sdelay $0x8  }
0x1c8: {  	v1, _, _ =	vpop (xrf2)  }
0x1c9: {  	v2, _, _ =	vpop (xrf2)  }
0x1ca: {  	(v2sf) =	vpush v2, $0xF  }
0x1cb: {  	(v2sf) =	vpush v1, $0xF;
	_ =	sdelay $0xb  }
0x1cc: {  	v1 =	vmul.f32 v51, v47;
	_ =	sdelay $0x1  }
0x1cd: {  	v2 =	vmul.f32 v1, v48;
	s10 =	spop (v2sf)  }
0x1ce: {  	s10 =	smul.f32 $5.208333490e-03, s10;
	s12 =	spop (v2sf)  }
0x1cf: {  	v2 =	vmul.f32 v2, v1;
	s12 =	smul.f32 $5.208333490e-03, s12  }
0x1d0: {  	s13 =	smul.f32 s10, s10  }
0x1d1: {  	v2 =	vsub.f32 $1.500000000e+00, v2  }
0x1d2: {  	s12 =	ssub.f32 s12, s13  }
0x1d3: {  	v1 =	vmul.f32 v2, v1  }
0x1d4: {  	s12 =	sadd.f32 $9.999999960e-13, s12  }
0x1d5: {  	v2 =	vmul.f32 v1, v48  }
0x1d6: {  	v5 =	vmov s11;
	v3 =	vmov s12  }
0x1d7: {  	v2 =	vmul.f32 v2, v1;
	v4 =	vshra.s32 v3, $0x1;
	v3 =	vmul.f32 $5.000000000e-01, v3  }
0x1d8: {  	v18 =	vld [tilespmem:$0x1FEF0];
	v7 =	vsub.f32 v25, v5;
	v56 =	vsub.f32 v24, v5;
	v4 =	vsub.s32 $0x5F3759DF, v4  }
0x1d9: {  	v17 =	vld [tilespmem:$0x1FED0];
	v57 =	vsub.f32 v26, v5;
	v2 =	vsub.f32 $1.500000000e+00, v2;
	v6 =	vmul.f32 v4, v3  }
0x1da: {  	v52 =	vld [tilespmem:$0x1FFE0];
	v58 =	vsub.f32 v27, v5;
	v59 =	vsub.f32 v28, v5  }
0x1db: {  	v28 =	vld [tilespmem:$0x1FF60];
	v1 =	vmul.f32 v2, v1;
	v2 =	vsub.f32 v35, v5;
	v6 =	vmul.f32 v4, v6  }
0x1dc: {  	v60 =	vsub.f32 v29, v5;
	v62 =	vsub.f32 v30, v5;
	v29 =	vld [tilespmem:$0x1FF70]  }
0x1dd: {  	v30 =	vld [tilespmem:$0x1FF80];
	v2 =	vmul.f32 v1, v2;
	v7 =	vmul.f32 v1, v7;
	v6 =	vsub.f32 $1.500000000e+00, v6  }
0x1de: {  	v63 =	vsub.f32 v31, v5;
	v31 =	vld [tilespmem:$0x1FF90];
	v9 =	vmul.f32 v1, v57;
	v8 =	vmul.f32 v1, v58  }
0x1df: {  	v16 =	vsub.f32 v33, v5;
	v33 =	vld [tilespmem:$0x1FFB0];
	v10 =	vmul.f32 v1, v59;
	v4 =	vmul.f32 v4, v6  }
0x1e0: {  	v24 =	vld [tilespmem:$0x1FF00];
	v35 =	vsub.f32 v32, v5;
	v11 =	vmul.f32 v1, v60;
	v13 =	vmul.f32 v1, v62  }
0x1e1: {  	v32 =	vld [tilespmem:$0x1FFA0];
	v14 =	vmul.f32 v1, v63;
	v61 =	vmul.f32 v4, v3  }
0x1e2: {  	v25 =	vld [tilespmem:$0x1FF10];
	v5 =	vsub.f32 v34, v5;
	v15 =	vmul.f32 v1, v35;
	v16 =	vmul.f32 v1, v16  }
0x1e3: {  	v26 =	vld [tilespmem:$0x1FF20];
	v59 =	vmov s10;
	v2 =	vmul.f32 v2, v18;
	v12 =	vmul.f32 v61, v4  }
0x1e4: {  	v62 =	vld [tilespmem:$0x1FFC0];
	v0 =	vsub.f32 v0, v59;
	v8 =	vmul.f32 v8, v31;
	v48 =	vmul.f32 v11, v33  }
0x1e5: {  	v50 =	vmul.f32 v14, v20;
	v57 =	vmul.f32 v16, v52;
	v16 =	vld [tilespmem:$0x1FF40];
	v12 =	vsub.f32 $1.500000000e+00, v12  }
0x1e6: {  	v27 =	vld [tilespmem:$0x1FF50];
	v54 =	vsub.f32 v36, v59;
	v47 =	vmul.f32 v10, v32;
	v6 =	vmul.f32 v1, v56  }
0x1e7: {  	v60 =	vld [tilespmem:$0x1FFF0];
	v55 =	vsub.f32 v45, v59;
	v1 =	vmul.f32 v1, v5;
	v4 =	vmul.f32 v12, v4  }
0x1e8: {  	v2 =	vadd.f32 v2, v17;
	v5 =	vmul.f32 v7, v28;
	v56 =	vmul.f32 v15, v21;
	v15 =	vld [tilespmem:$0x1FF30]  }
0x1e9: {  	v34 =	vld [tilespmem:$0x1FEE0];
	v63 =	vadd.f32 v57, v62;
	v6 =	vmul.f32 v6, v29;
	v3 =	vmul.f32 v4, v3  }
0x1ea: {  	v58 =	vadd.f32 v47, v16;
	v7 =	vmul.f32 v9, v30;
	v5 =	vadd.f32 v5, v24  }
0x1eb: {  	[tilespmem:s19+$0x17CB0] =	vst v2;
	v47 =	vsub.f32 v39, v59;
	v6 =	vadd.f32 v6, v25;
	v3 =	vmul.f32 v3, v4  }
0x1ec: {  	v7 =	vadd.f32 v7, v26;
	v1 =	vmul.f32 v1, v60;
	[tilespmem:s19+$0x17C00] =	vst v5;
	v5 =	vadd.f32 v48, v27;
	v61 =	vld [tilespmem:$0x1FFD0]  }
0x1ed: {  	v2 =	vadd.f32 v8, v15;
	[tilespmem:s19+$0x17C10] =	vst v6;
	v3 =	vsub.f32 $1.500000000e+00, v3  }
0x1ee: {  	v49 =	vmul.f32 v13, v19;
	v1 =	vadd.f32 v1, v34;
	v6 =	vadd.f32 v50, v23;
	[tilespmem:s19+$0x17C50] =	vst v5  }
0x1ef: {  	v5 =	vsub.f32 v40, v59;
	[tilespmem:s19+$0x17C30] =	vst v2;
	v2 =	vsub.f32 v38, v59;
	v3 =	vmul.f32 v3, v4  }
0x1f0: {  	[tilespmem:s19+$0x17C20] =	vst v7;
	v38 =	vsub.f32 v37, v59;
	v4 =	vadd.f32 v49, v22  }
0x1f1: {  	[tilespmem:s19+$0x17C70] =	vst v6;
	v6 =	vsub.f32 v41, v59;
	v7 =	vadd.f32 v56, v61;
	v0 =	vmul.f32 v3, v0  }
0x1f2: {  	v49 =	vsub.f32 v42, v59;
	v2 =	vmul.f32 v3, v2;
	[tilespmem:s19+$0x17C60] =	vst v4;
	v4 =	vmul.f32 v3, v38  }
0x1f3: {  	[tilespmem:s19+$0x17C90] =	vst v63;
	v56 =	vsub.f32 v46, v59;
	v50 =	vmul.f32 v3, v47;
	v0 =	vmul.f32 v0, v18  }
0x1f4: {  	[tilespmem:s19+$0x17C80] =	vst v7;
	v7 =	vsub.f32 v43, v59;
	v51 =	vmul.f32 v3, v49;
	v2 =	vmul.f32 v2, v28  }
0x1f5: {  	[tilespmem:s19+$0x17C40] =	vst v58;
	v5 =	vmul.f32 v3, v5;
	v4 =	vmul.f32 v4, v29;
	v0 =	vadd.f32 v0, v17  }
0x1f6: {  	[tilespmem:s19+$0x17CA0] =	vst v1;
	v6 =	vmul.f32 v3, v6;
	v57 =	vmul.f32 v51, v32;
	v2 =	vadd.f32 v2, v24  }
0x1f7: {  	v1 =	vmul.f32 v3, v7;
	v7 =	vmul.f32 v50, v30;
	v4 =	vadd.f32 v4, v25;
	[tilespmem:s9+$0x17CB0] =	vst v0  }
0x1f8: {  	v5 =	vmul.f32 v5, v31;
	v6 =	vmul.f32 v6, v33;
	v9 =	vadd.f32 v57, v16;
	[tilespmem:s9+$0x17C00] =	vst v2  }
0x1f9: {  	v0 =	vsub.f32 v44, v59;
	v2 =	vadd.f32 v7, v26;
	v7 =	vmul.f32 v3, v54;
	[tilespmem:s9+$0x17C10] =	vst v4  }
0x1fa: {  	v1 =	vmul.f32 v1, v19;
	v4 =	vadd.f32 v5, v15;
	v5 =	vmul.f32 v3, v55;
	[tilespmem:s9+$0x17C40] =	vst v9  }
0x1fb: {  	v6 =	vadd.f32 v6, v27;
	[tilespmem:s9+$0x17C20] =	vst v2;
	v0 =	vmul.f32 v3, v0;
	v2 =	vmul.f32 v7, v20  }
0x1fc: {  	v1 =	vadd.f32 v1, v22;
	[tilespmem:s9+$0x17C30] =	vst v4;
	v3 =	vmul.f32 v3, v56;
	v4 =	vmul.f32 v5, v21  }
0x1fd: {  	[tilespmem:s9+$0x17C50] =	vst v6;
	v0 =	vmul.f32 v0, v52;
	v2 =	vadd.f32 v2, v23  }
0x1fe: {  	[tilespmem:s9+$0x17C60] =	vst v1;
	v3 =	vmul.f32 v3, v60;
	v4 =	vadd.f32 v4, v61  }
0x1ff: {  	s19 =	sadd.s32 s6, s16;
	v0 =	vadd.f32 v0, v62;
	[tilespmem:s9+$0x17C70] =	vst v2  }
0x200: {  	s10 =	smul.u32 $0x18, s19;
	v1 =	vadd.f32 v3, v34;
	[tilespmem:s9+$0x17C80] =	vst v4  }
0x201: {  	[tilespmem:s9+$0x17C90] =	vst v0  }
0x202: {  	p1 =	seq.s32 s1, $0xF;
	s10 =	sadd.s32 s4, s10;
	[tilespmem:s9+$0x17CA0] =	vst v1  }
0x203: {  	[hbm4b:s10+s5] =	stream.linear.scatter [tilespmem:s28], [sflag:$0x3], $0x1800, $0x38;
	[tilespmem:$0x1AD80] =	vst v63  }
0x204: {  	s11 =	simm.s32 @!p1 $0x2C00;
	s9 =	sadd.s32 @!p1 $0x1440, s16;
	s10 =	simm.s32 @!p1 $0x20  }
0x205: {  	[tilespmem:s11], [sflag:$0x1] =	stream.indirect.gather @!p1 [hbm4b:s7+s10], $0xC0, s9, s10, $0xb8;
	[tilespmem:$0x1AD80] =	vst v63  }
0x206: {  	s9 =	sadd.s32 @!p1 $0x1840, s16;
	s11 =	simm.s32 @!p1 $0x4400  }
0x207: {  	[tilespmem:s11], [sflag:$0x1] =	stream.indirect.gather @!p1 [hbm4b:s7+s10], $0xC0, s9, s10, $0xb8;
	[tilespmem:$0x1AD80] =	vst v63  }
0x208: {  	s9 =	sadd.s32 @!p1 $0x1C40, s16;
	s11 =	simm.s32 @!p1 $0x5C00  }
0x209: {  	[tilespmem:s11], [sflag:$0x1] =	stream.indirect.gather @!p1 [hbm4b:s7+s10], $0xC0, s9, s10, $0xb8;
	[tilespmem:$0x1AD80] =	vst v63  }
0x20a: {  	s9 =	sadd.s32 @!p1 $0x2040, s16;
	s11 =	simm.s32 @!p1 $0x7400  }
0x20b: {  	[tilespmem:s11], [sflag:$0x1] =	stream.indirect.gather @!p1 [hbm4b:s7+s10], $0xC0, s9, s10, $0xb8;
	[tilespmem:$0x1AD80] =	vst v63  }
0x20c: {  	s9 =	sadd.s32 @!p1 $0x2440, s16;
	s11 =	simm.s32 @!p1 $0x8C00  }
0x20d: {  	[tilespmem:s11], [sflag:$0x1] =	stream.indirect.gather @!p1 [hbm4b:s7+s10], $0xC0, s9, s10, $0xb8;
	[tilespmem:$0x1AD80] =	vst v63  }
0x20e: {  	s9 =	sadd.s32 @!p1 $0x2840, s16;
	s11 =	simm.s32 @!p1 $0xA400  }
0x20f: {  	[tilespmem:s11], [sflag:$0x1] =	stream.indirect.gather @!p1 [hbm4b:s7+s10], $0xC0, s9, s10, $0xb8;
	[tilespmem:$0x1AD80] =	vst v63  }
0x210: {  	s9 =	sadd.s32 @!p1 $0x1040, s16;
	s11 =	simm.s32 @!p1 $0xBC00  }
0x211: {  	[tilespmem:s11], [sflag:$0x1] =	stream.indirect.gather @!p1 [hbm4b:s8+s10], $0xC0, s9, s10, $0xb8;
	[tilespmem:$0x1AD80] =	vst v63  }
0x212: {  	_ =	swait.ge [sflag:s29], $0x1800  }
0x213: {  	[sflag:s29] =	ssyncset.done $0x0  }
0x214: {  	[sflag:s29] =	ssyncadd.s32 $0xFFFFE800  }
0x215: {  	_ =	swait.ge [sflag:s29], $0x1800  }
0x216: {  	[sflag:s29] =	ssyncset.done $0x0  }
0x217: {  	[sflag:s29] =	ssyncadd.s32 $0xFFFFE800  }
0x218: {  	_ =	swait.ge [sflag:s29], $0x1800  }
0x219: {  	[sflag:s29] =	ssyncset.done $0x0  }
0x21a: {  	[sflag:s29] =	ssyncadd.s32 $0xFFFFE800  }
0x21b: {  	_ =	swait.ge [sflag:s29], $0x1800  }
0x21c: {  	[sflag:s29] =	ssyncset.done $0x0  }
0x21d: {  	[sflag:s29] =	ssyncadd.s32 $0xFFFFE800  }
0x21e: {  	_ =	swait.ge [sflag:s29], $0x1800  }
0x21f: {  	[sflag:s29] =	ssyncset.done $0x0  }
0x220: {  	[sflag:s29] =	ssyncadd.s32 $0xFFFFE800  }
0x221: {  	_ =	swait.ge [sflag:s29], $0x1800  }
0x222: {  	[sflag:s29] =	ssyncset.done $0x0  }
0x223: {  	[sflag:s29] =	ssyncadd.s32 $0xFFFFE800  }
0x224: {  	_ =	swait.ge [sflag:s29], $0x1800  }
0x225: {  	[sflag:s29] =	ssyncset.done $0x0  }
0x226: {  	s9 =	simm.s32 @!p0 $0x4;
	[sflag:s29] =	ssyncadd.s32 $0xFFFFE800  }
0x227: {  	_ =	swait.ge @!p0 [sflag:s9], $0x1800  }
0x228: {  	[sflag:s9] =	ssyncset.done @!p0 $0x0  }
0x229: {  	s16 =	simm.s32 $0x0;
	[sflag:s9] =	ssyncadd.s32 @!p0 $0xFFFFE800  }
0x22a: {  	v0 =	vld [tilespmem:s16+$0x134B0]  }
0x22b: {  	v1 =	vld [tilespmem:s16+$0x134A0]  }
0x22c: {  	v2 =	vld [tilespmem:s16+$0x11CB0]  }
0x22d: {  	v31 =	vld [tilespmem:s16+$0x14C80]  }
0x22e: {  	v3 =	vld [tilespmem:s16+$0x13490]  }
0x22f: {  	v4 =	vld [tilespmem:s16+$0x11CA0]  }
0x230: {  	v5 =	vld [tilespmem:s16+$0x104B0]  }
0x231: {  	v6 =	vld [tilespmem:s16+$0x13480]  }
0x232: {  	v7 =	vld [tilespmem:s16+$0x11C90]  }
0x233: {  	v8 =	vld [tilespmem:s16+$0x104A0]  }
0x234: {  	v9 =	vld [tilespmem:s16+$0xD4B0]  }
0x235: {  	v10 =	vld [tilespmem:s16+$0xECB0]  }
0x236: {  	v11 =	vld [tilespmem:s16+$0x13470]  }
0x237: {  	v12 =	vld [tilespmem:s16+$0x11C80]  }
0x238: {  	v13 =	vld [tilespmem:s16+$0x10490]  }
0x239: {  	v14 =	vld [tilespmem:s16+$0xD4A0]  }
0x23a: {  	v15 =	vld [tilespmem:s16+$0xECA0]  }
0x23b: {  	v16 =	vld [tilespmem:s16+$0x14C50]  }
0x23c: {  	v17 =	vld [tilespmem:s16+$0x13460]  }
0x23d: {  	v18 =	vld [tilespmem:s16+$0x11C70]  }
0x23e: {  	v24 =	vld [tilespmem:s16+$0x10480]  }
0x23f: {  	v25 =	vld [tilespmem:s16+$0xD490]  }
0x240: {  	v26 =	vld [tilespmem:s16+$0xEC90]  }
0x241: {  	v27 =	vld [tilespmem:s16+$0x14C40]  }
0x242: {  	v28 =	vld [tilespmem:s16+$0x13450]  }
0x243: {  	v29 =	vld [tilespmem:s16+$0x11C60]  }
0x244: {  	v30 =	vld [tilespmem:s16+$0x10470]  }
0x245: {  	v32 =	vld [tilespmem:s16+$0xD480]  }
0x246: {  	v58 =	vld [tilespmem:s16+$0xEC80]  }
0x247: {  	v34 =	vld [tilespmem:s16+$0xD470]  }
0x248: {  	v35 =	vld [tilespmem:s16+$0xEC70]  }
0x249: {  	v59 =	vld [tilespmem:s16+$0xD460]  }
0x24a: {  	v60 =	vld [tilespmem:s16+$0xEC60]  }
0x24b: {  	v38 =	vld [tilespmem:s16+$0xD450]  }
0x24c: {  	v39 =	vld [tilespmem:s16+$0xEC50]  }
0x24d: {  	v40 =	vld [tilespmem:s16+$0xD440]  }
0x24e: {  	v61 =	vld [tilespmem:s16+$0xEC40]  }
0x24f: {  	v42 =	vld [tilespmem:s16+$0xD430]  }
0x250: {  	v43 =	vld [tilespmem:s16+$0xEC30]  }
0x251: {  	v62 =	vld [tilespmem:s16+$0xD420]  }
0x252: {  	v63 =	vld [tilespmem:s16+$0xEC20]  }
0x253: {  	v46 =	vld [tilespmem:s16+$0xD410]  }
0x254: {  	v47 =	vld [tilespmem:s16+$0xEC10]  }
0x255: {  	v56 =	vld [tilespmem:s16+$0xD400]  }
0x256: {  	v57 =	vld [tilespmem:s16+$0xEC00]  }
0x257: {  	v50 =	vld [tilespmem:s16+$0x10460]  }
0x258: {  	v51 =	vld [tilespmem:s16+$0x10450]  }
0x259: {  	v52 =	vld [tilespmem:s16+$0x10440]  }
0x25a: {  	v53 =	vld [tilespmem:s16+$0x10430]  }
0x25b: {  	v37 =	vld [tilespmem:s16+$0x11C50];
	v14 =	vadd.f32 v15, v14;
	v9 =	vadd.f32 v10, v9  }
0x25c: {  	v45 =	vld [tilespmem:s16+$0x11C40];
	v58 =	vadd.f32 v58, v32;
	v25 =	vadd.f32 v26, v25  }
0x25d: {  	v54 =	vld [tilespmem:s16+$0x11C30];
	v59 =	vadd.f32 v60, v59;
	v60 =	vadd.f32 v35, v34  }
0x25e: {  	v55 =	vld [tilespmem:s16+$0x11C20];
	v35 =	vadd.f32 v61, v40;
	v61 =	vadd.f32 v39, v38  }
0x25f: {  	s9 =	simm.s32 $0xC0;
	v41 =	vld [tilespmem:s16+$0x13410];
	v62 =	vadd.f32 v63, v62;
	v63 =	vadd.f32 v43, v42  }
0x260: {  	v36 =	vld [tilespmem:s9+$0x14C80];
	v48 =	vadd.f32 v57, v56;
	v49 =	vadd.f32 v47, v46  }
0x261: {  	v10 =	vld [tilespmem:s16+$0x10420];
	v8 =	vadd.f32 v8, v14;
	v5 =	vadd.f32 v5, v9  }
0x262: {  	v26 =	vld [tilespmem:s16+$0x10410];
	v56 =	vadd.f32 v24, v58;
	v13 =	vadd.f32 v13, v25  }
0x263: {  	v34 =	vld [tilespmem:s16+$0x10400];
	v24 =	vadd.f32 v50, v59;
	v25 =	vadd.f32 v30, v60  }
0x264: {  	v57 =	vld [tilespmem:s16+$0x11C10];
	v58 =	vadd.f32 v51, v61;
	v59 =	vadd.f32 v53, v63  }
0x265: {  	v46 =	vld [tilespmem:s16+$0x16420];
	v35 =	vadd.f32 v52, v35;
	v2 =	vadd.f32 v2, v5  }
0x266: {  	v30 =	vld [tilespmem:s16+$0x11C00];
	v5 =	vadd.f32 v7, v13;
	v4 =	vadd.f32 v4, v8  }
0x267: {  	v60 =	vld [tilespmem:s16+$0x13440];
	v63 =	vadd.f32 v18, v25;
	v12 =	vadd.f32 v12, v56  }
0x268: {  	v61 =	vld [tilespmem:s16+$0x16410];
	v42 =	vadd.f32 v29, v24;
	v24 =	vadd.f32 v45, v35  }
0x269: {  	v7 =	vld [tilespmem:s16+$0x14C10];
	v29 =	vadd.f32 v37, v58;
	v44 =	vadd.f32 v54, v59  }
0x26a: {  	v18 =	vld [tilespmem:s16+$0x13400];
	v26 =	vadd.f32 v26, v49;
	v10 =	vadd.f32 v10, v62  }
0x26b: {  	v25 =	vld [tilespmem:s16+$0x13420];
	v34 =	vadd.f32 v34, v48;
	v1 =	vadd.f32 v1, v4  }
0x26c: {  	v45 =	vld [tilespmem:s16+$0x14C00];
	v0 =	vadd.f32 v0, v2;
	v4 =	vadd.f32 v6, v12  }
0x26d: {  	v62 =	vld [tilespmem:s16+$0x13430];
	v3 =	vadd.f32 v3, v5;
	v6 =	vadd.f32 v17, v42  }
0x26e: {  	v30 =	vadd.f32 v30, v34;
	v15 =	vadd.f32 v57, v26;
	v26 =	vld [tilespmem:s16+$0x14C20]  }
0x26f: {  	v2 =	vld [tilespmem:s16+$0x16400];
	v8 =	vadd.f32 v11, v63;
	v9 =	vadd.f32 v55, v10  }
0x270: {  	v5 =	vld [tilespmem:s16+$0x14C30];
	v47 =	vadd.f32 v18, v30;
	v13 =	vadd.f32 v41, v15  }
0x271: {  	v38 =	vld [tilespmem:s9+$0x134A0];
	v49 =	vadd.f32 v60, v24;
	v9 =	vadd.f32 v25, v9  }
0x272: {  	v39 =	vld [tilespmem:s9+$0x13490];
	v12 =	vadd.f32 v45, v47;
	v7 =	vadd.f32 v7, v13  }
0x273: {  	v48 =	vld [tilespmem:s16+$0x16430];
	v10 =	vadd.f32 v62, v44;
	v9 =	vadd.f32 v26, v9  }
0x274: {  	v40 =	vld [tilespmem:s9+$0x13480];
	v25 =	vadd.f32 v2, v12;
	v24 =	vadd.f32 v61, v7  }
0x275: {  	v18 =	vld [tilespmem:s16+$0x16440];
	v5 =	vadd.f32 v5, v10;
	v7 =	vadd.f32 v28, v29  }
0x276: {  	v2 =	vld [tilespmem:s16+$0x14C60];
	v26 =	vadd.f32 v46, v9;
	v12 =	vmul.f32 v25, v25;
	v28 =	vmul.f32 v24, v24  }
0x277: {  	v51 =	vld [tilespmem:s16+$0x16450];
	v53 =	vadd.f32 v27, v49;
	v54 =	vadd.f32 $0.0e+00, v25  }
0x278: {  	v52 =	vld [tilespmem:s16+$0x14C70];
	v27 =	vadd.f32 v48, v5;
	v55 =	vmul.f32 v26, v26;
	v5 =	vadd.f32 v28, v12  }
0x279: {  	v30 =	vld [tilespmem:s16+$0x16460];
	v7 =	vadd.f32 v16, v7;
	v15 =	vadd.f32 v24, v54  }
0x27a: {  	v43 =	vld [tilespmem:s9+$0x14C40];
	v57 =	vmul.f32 v27, v27;
	v28 =	vadd.f32 v18, v53;
	v5 =	vadd.f32 v55, v5  }
0x27b: {  	v16 =	vld [tilespmem:s16+$0x16470];
	v2 =	vadd.f32 v2, v6;
	v6 =	vadd.f32 v26, v15  }
0x27c: {  	v58 =	vld [tilespmem:s16+$0x14C90];
	v29 =	vadd.f32 v51, v7;
	v60 =	vmul.f32 v28, v28;
	v5 =	vadd.f32 v57, v5  }
0x27d: {  	v59 =	vld [tilespmem:s16+$0x16480];
	v8 =	vadd.f32 v52, v8;
	v6 =	vadd.f32 v27, v6  }
0x27e: {  	v61 =	vld [tilespmem:s16+$0x16490];
	v10 =	vmul.f32 v29, v29;
	v30 =	vadd.f32 v30, v2;
	v5 =	vadd.f32 v60, v5  }
0x27f: {  	v7 =	vld [tilespmem:s16+$0x14CA0];
	v2 =	vadd.f32 v31, v4;
	v4 =	vadd.f32 v28, v6  }
0x280: {  	v56 =	vld [tilespmem:s16+$0x14CB0];
	v31 =	vadd.f32 v16, v8;
	v6 =	vmul.f32 v30, v30;
	v5 =	vadd.f32 v10, v5  }
0x281: {  	v50 =	vld [tilespmem:s16+$0x164A0];
	v3 =	vadd.f32 v58, v3;
	v4 =	vadd.f32 v29, v4  }
0x282: {  	v14 =	vld [tilespmem:s9+$0xEC90];
	v32 =	vadd.f32 v59, v2;
	v5 =	vadd.f32 v6, v5;
	v6 =	vmul.f32 v31, v31  }
0x283: {  	v17 =	vld [tilespmem:s16+$0x164B0];
	v33 =	vadd.f32 v61, v3;
	v2 =	vadd.f32 v30, v4  }
0x284: {  	v37 =	vld [tilespmem:s9+$0x134B0];
	v1 =	vadd.f32 v7, v1;
	v4 =	vadd.f32 v6, v5;
	v5 =	vmul.f32 v32, v32  }
0x285: {  	v42 =	vld [tilespmem:s9+$0x13470];
	v0 =	vadd.f32 v56, v0;
	v2 =	vadd.f32 v31, v2  }
0x286: {  	v11 =	vld [tilespmem:s9+$0xD4A0];
	v34 =	vadd.f32 v50, v1;
	v4 =	vadd.f32 v5, v4;
	v5 =	vmul.f32 v33, v33  }
0x287: {  	v63 =	vld [tilespmem:s9+$0xEC00];
	v2 =	vadd.f32 v32, v2  }
0x288: {  	v52 =	vld [tilespmem:s9+$0xD440];
	v35 =	vadd.f32 v17, v0;
	v4 =	vadd.f32 v5, v4;
	v5 =	vmul.f32 v34, v34  }
0x289: {  	v41 =	vld [tilespmem:s9+$0x14C50];
	v2 =	vadd.f32 v33, v2  }
0x28a: {  	v49 =	vld [tilespmem:s9+$0xEC60];
	v4 =	vadd.f32 v5, v4;
	v5 =	vmul.f32 v35, v35  }
0x28b: {  	v56 =	vld [tilespmem:s9+$0xD420];
	v2 =	vadd.f32 v34, v2  }
0x28c: {  	v58 =	vld [tilespmem:s9+$0xD410];
	v4 =	vadd.f32 v5, v4  }
0x28d: {  	v44 =	vld [tilespmem:s9+$0x13460];
	v2 =	vadd.f32 v35, v2  }
0x28e: {  	v0 =	vld [tilespmem:s9+$0xD4B0];
	(xrf2) =	vadd.scan.msk.f32 $0xffff, v4  }
0x28f: {  	v13 =	vld [tilespmem:s9+$0xD490];
	(xrf2) =	vadd.scan.msk.f32 $0xffff, v2  }
0x290: {  	v45 =	vld [tilespmem:s9+$0x13450]  }
0x291: {  	v17 =	vld [tilespmem:s9+$0x10470]  }
0x292: {  	v47 =	vld [tilespmem:s9+$0xEC80]  }
0x293: {  	v9 =	vld [tilespmem:s9+$0xECB0]  }
0x294: {  	v46 =	vld [tilespmem:s9+$0xD470]  }
0x295: {  	v48 =	vld [tilespmem:s9+$0xD460]  }
0x296: {  	v13 =	vadd.f32 v14, v13;
	v14 =	vld [tilespmem:s9+$0x10460]  }
0x297: {  	v12 =	vld [tilespmem:s9+$0x11C70]  }
0x298: {  	v18 =	vld [tilespmem:s9+$0xD480];
	v16, _, _ =	vpop (xrf2)  }
0x299: {  	v51 =	vld [tilespmem:s9+$0xEC50];
	v62, _, _ =	vpop (xrf2)  }
0x29a: {  	v53 =	vld [tilespmem:s9+$0xEC40];
	(v2sf) =	vpush v62, $0xF  }
0x29b: {  	v54 =	vld [tilespmem:s9+$0xD430];
	(v2sf) =	vpush v16, $0xF  }
0x29c: {  	v3 =	vld [tilespmem:s9+$0x104B0]  }
0x29d: {  	v15 =	vld [tilespmem:s9+$0x11C60]  }
0x29e: {  	v55 =	vld [tilespmem:s9+$0xEC30]  }
0x29f: {  	v8 =	vld [tilespmem:s9+$0x11CB0]  }
0x2a0: {  	v57 =	vld [tilespmem:s9+$0xEC20]  }
0x2a1: {  	v7 =	vld [tilespmem:s9+$0x11CA0]  }
0x2a2: {  	v59 =	vld [tilespmem:s9+$0xEC10]  }
0x2a3: {  	v60 =	vld [tilespmem:s9+$0xD400]  }
0x2a4: {  	v1 =	vld [tilespmem:s9+$0x104A0]  }
0x2a5: {  	v50 =	vld [tilespmem:s9+$0xD450]  }
0x2a6: {  	v10 =	vld [tilespmem:s9+$0x11C80]  }
0x2a7: {  	v4 =	vld [tilespmem:s9+$0xECA0]  }
0x2a8: {  	v0 =	vadd.f32 v9, v0;
	v9 =	vadd.f32 v63, v60;
	v60 =	vld [tilespmem:s9+$0x10420]  }
0x2a9: {  	v16 =	vld [tilespmem:s9+$0xEC70];
	s11 =	spop (v2sf)  }
0x2aa: {  	v5 =	vld [tilespmem:s9+$0x10490];
	s19 =	smul.f32 $5.208333490e-03, s11;
	s12 =	spop (v2sf)  }
0x2ab: {  	v61 =	vadd.f32 v3, v0;
	v2 =	vld [tilespmem:s9+$0x10480];
	s10 =	smul.f32 $5.208333490e-03, s12  }
0x2ac: {  	v6 =	vld [tilespmem:s9+$0x11C90];
	v4 =	vadd.f32 v4, v11;
	v11 =	vadd.f32 v47, v18;
	s13 =	smul.f32 s19, s19  }
0x2ad: {  	v18 =	vadd.f32 v49, v48;
	v48 =	vadd.f32 v53, v52;
	v52 =	vld [tilespmem:s9+$0x10430]  }
0x2ae: {  	v61 =	vadd.f32 v8, v61;
	v16 =	vadd.f32 v16, v46;
	v46 =	vld [tilespmem:s9+$0x10450];
	s10 =	ssub.f32 s10, s13  }
0x2af: {  	v5 =	vadd.f32 v5, v13;
	v4 =	vadd.f32 v1, v4;
	v1 =	vld [tilespmem:s9+$0x10410]  }
0x2b0: {  	v47 =	vadd.f32 v51, v50;
	v11 =	vadd.f32 v2, v11;
	v2 =	vld [tilespmem:s9+$0x10400];
	s10 =	sadd.f32 $9.999999960e-13, s10  }
0x2b1: {  	v49 =	vld [tilespmem:s9+$0x10440];
	v50 =	vadd.f32 v57, v56;
	v51 =	vadd.f32 v55, v54  }
0x2b2: {  	v56 =	vadd.f32 v59, v58;
	v53 =	vld [tilespmem:s9+$0x11C50];
	v13 =	vadd.f32 v14, v18;
	v0 =	vmov s10  }
0x2b3: {  	v54 =	vld [tilespmem:s9+$0x11C40];
	v55 =	vadd.f32 v46, v47;
	v3 =	vshra.s32 v0, $0x1;
	v47 =	vmul.f32 $5.000000000e-01, v0  }
0x2b4: {  	v59 =	vld [tilespmem:s9+$0x11C30];
	v57 =	vadd.f32 v52, v51;
	v58 =	vadd.f32 v1, v56;
	v51 =	vsub.s32 $0x5F3759DF, v3  }
0x2b5: {  	v62 =	vadd.f32 v2, v9;
	v2 =	vld [tilespmem:s9+$0x11C10];
	v14 =	vadd.f32 v17, v16;
	v16 =	vmul.f32 v51, v47  }
0x2b6: {  	v1 =	vadd.f32 v60, v50;
	v60 =	vadd.f32 v6, v5;
	v5 =	vld [tilespmem:s9+$0x11C00]  }
0x2b7: {  	v63 =	vadd.f32 v7, v4;
	v0 =	vadd.f32 v49, v48;
	v49 =	vld [tilespmem:s9+$0x13440];
	v6 =	vmul.f32 v51, v16  }
0x2b8: {  	v4 =	vadd.f32 v10, v11;
	v50 =	vadd.f32 v15, v13;
	v48 =	vld [tilespmem:s9+$0x16410]  }
0x2b9: {  	v52 =	vadd.f32 v12, v14;
	s10 =	simm.s32 $0x600;
	v3 =	vld [tilespmem:s9+$0x11C20];
	v46 =	vsub.f32 $1.500000000e+00, v6  }
.LBB2_7:
0x2ba: {  	v6 =	vld [tilespmem:s9+$0x13430]  }
0x2bb: {  	v8 =	vld [tilespmem:s9+$0x14C10]  }
0x2bc: {  	v10 =	vld [tilespmem:s9+$0x13410]  }
0x2bd: {  	v11 =	vld [tilespmem:s9+$0x13400];
	v13 =	vadd.f32 v37, v61  }
0x2be: {  	v15 =	vld [tilespmem:s9+$0x13420];
	v12 =	vadd.f32 v38, v63;
	v4 =	vadd.f32 v40, v4  }
0x2bf: {  	v56 =	vld [tilespmem:s9+$0x14C70];
	v16 =	vadd.f32 v39, v60;
	v18 =	vadd.f32 v44, v50  }
0x2c0: {  	v17 =	vld [tilespmem:s9+$0x14C00];
	v63 =	vadd.f32 v42, v52;
	v4 =	vadd.f32 v36, v4  }
0x2c1: {  	v61 =	vld [tilespmem:s9+$0x14C90];
	v9 =	vmul.f32 v51, v46;
	v0 =	vadd.f32 v54, v0;
	v7 =	vadd.f32 v53, v55  }
0x2c2: {  	v42 =	vld [tilespmem:s9+$0x14C20];
	v1 =	vadd.f32 v3, v1;
	v3 =	vadd.f32 v59, v57  }
0x2c3: {  	v44 =	vld [tilespmem:s9+$0x16400];
	v14 =	vmul.f32 v9, v47;
	v5 =	vadd.f32 v5, v62;
	v2 =	vadd.f32 v2, v58  }
0x2c4: {  	v46 =	vld [tilespmem:s9+$0x16420];
	v62 =	vadd.f32 v56, v63;
	v0 =	vadd.f32 v49, v0  }
0x2c5: {  	v53 =	vld [tilespmem:s9+$0x14C60];
	v14 =	vmul.f32 v14, v9;
	v7 =	vadd.f32 v45, v7;
	v3 =	vadd.f32 v6, v3  }
0x2c6: {  	v59 =	vld [tilespmem:s9+$0x14CB0];
	v5 =	vadd.f32 v11, v5;
	v2 =	vadd.f32 v10, v2  }
0x2c7: {  	s11 =	sshra.s32 s10, $0x2;
	v51 =	vld [tilespmem:s9+$0x16440];
	v1 =	vadd.f32 v15, v1;
	v6 =	vsub.f32 $1.500000000e+00, v14  }
0x2c8: {  	v37 =	vld [tilespmem:s11+$0x134B0];
	v5 =	vadd.f32 v17, v5;
	v2 =	vadd.f32 v8, v2  }
0x2c9: {  	v45 =	vld [tilespmem:s9+$0x14C30];
	v1 =	vadd.f32 v42, v1;
	v7 =	vadd.f32 v41, v7;
	v6 =	vmul.f32 v6, v9  }
0x2ca: {  	v38 =	vld [tilespmem:s11+$0x134A0];
	v0 =	vadd.f32 v43, v0;
	v8 =	vadd.f32 v61, v16  }
0x2cb: {  	v49 =	vld [tilespmem:s9+$0x16430];
	v11 =	vadd.f32 v53, v18;
	v10 =	vadd.f32 v59, v13;
	v50 =	vmul.f32 v6, v47  }
0x2cc: {  	v54 =	vld [tilespmem:s9+$0x16450];
	v41 =	vmov s19;
	v5 =	vadd.f32 v44, v5;
	v2 =	vadd.f32 v48, v2  }
0x2cd: {  	v57 =	vld [tilespmem:s9+$0x16460];
	v56 =	vsub.f32 v25, v41;
	v1 =	vadd.f32 v46, v1;
	v14 =	vmul.f32 v50, v6  }
0x2ce: {  	v63 =	vld [tilespmem:s9+$0x16480];
	v3 =	vadd.f32 v45, v3;
	v17 =	vmul.f32 v5, v5;
	v52 =	vmul.f32 v2, v2  }
0x2cf: {  	v15 =	vld [tilespmem:s9+$0x164A0];
	v39 =	vadd.f32 $0.0e+00, v5;
	v14 =	vsub.f32 $1.500000000e+00, v14  }
0x2d0: {  	v48 =	vld [tilespmem:$0x1FEF0];
	v55 =	vmul.f32 v1, v1;
	v3 =	vadd.f32 v49, v3;
	v17 =	vadd.f32 v52, v17  }
0x2d1: {  	v9 =	vld [tilespmem:s9+$0x164B0];
	v60 =	vadd.f32 v2, v39;
	v43 =	vmul.f32 v14, v6;
	v6 =	vsub.f32 v35, v41  }
0x2d2: {  	v0 =	vadd.f32 v51, v0;
	v51 =	vld [tilespmem:$0x1FED0];
	v58 =	vadd.f32 v55, v17;
	v17 =	vmul.f32 v3, v3  }
0x2d3: {  	v18 =	vld [tilespmem:s9+$0x16470];
	v59 =	vsub.f32 v24, v41;
	v35 =	vadd.f32 v1, v60;
	v6 =	vmul.f32 v43, v6  }
0x2d4: {  	v7 =	vadd.f32 v54, v7;
	v45 =	vld [tilespmem:$0x1FF70];
	v14 =	vadd.f32 v17, v58;
	v17 =	vmul.f32 v0, v0  }
0x2d5: {  	v11 =	vadd.f32 v57, v11;
	v49 =	vld [tilespmem:s9+$0x14CA0];
	v35 =	vadd.f32 v3, v35;
	v6 =	vmul.f32 v6, v48  }
0x2d6: {  	v50 =	vld [tilespmem:s9+$0x16490];
	v58 =	vmul.f32 v43, v56;
	v14 =	vadd.f32 v17, v14;
	v17 =	vmul.f32 v7, v7  }
0x2d7: {  	v60 =	vmul.f32 v43, v59;
	v56 =	vld [tilespmem:$0x1FF80];
	v35 =	vadd.f32 v0, v35;
	v6 =	vadd.f32 v6, v51  }
0x2d8: {  	v18 =	vadd.f32 v18, v62;
	v59 =	vld [tilespmem:$0x1FFA0];
	v14 =	vadd.f32 v17, v14;
	v17 =	vmul.f32 v11, v11  }
0x2d9: {  	v16 =	vadd.f32 v7, v35;
	v35 =	vadd.f32 v9, v10;
	v9 =	vmul.f32 v60, v45;
	v60 =	vld [tilespmem:$0x1FFB0];
	[tilespmem:s16+$0x194B0] =	vst v6  }
0x2da: {  	v4 =	vadd.f32 v63, v4;
	v52 =	vmul.f32 v18, v18;
	v6 =	vadd.f32 v17, v14;
	v46 =	vld [tilespmem:s11+$0x11CB0]  }
0x2db: {  	v12 =	vadd.f32 v49, v12;
	v36 =	vld [tilespmem:s11+$0x14C80]  }
0x2dc: {  	v53 =	vmul.f32 v4, v4;
	v8 =	vadd.f32 v50, v8;
	v39 =	vld [tilespmem:s11+$0x13490];
	v6 =	vadd.f32 v52, v6  }
0x2dd: {  	v16 =	vadd.f32 v11, v16;
	v48 =	vld [tilespmem:s11+$0x11CA0]  }
0x2de: {  	v54 =	vmul.f32 v8, v8;
	v12 =	vadd.f32 v15, v12;
	v47 =	vld [tilespmem:s11+$0x104B0];
	v6 =	vadd.f32 v53, v6  }
0x2df: {  	v61 =	vsub.f32 v27, v41;
	v40 =	vld [tilespmem:s11+$0x13480];
	v55 =	vadd.f32 v18, v16  }
0x2e0: {  	v63 =	vsub.f32 v33, v41;
	v25 =	vmovc v5;
	v49 =	vld [tilespmem:s11+$0x11C90];
	v5 =	vadd.f32 v54, v6;
	v6 =	vmul.f32 v12, v12  }
0x2e1: {  	v62 =	vsub.f32 v32, v41;
	v51 =	vld [tilespmem:s11+$0x104A0];
	v57 =	vadd.f32 v4, v55  }
0x2e2: {  	v24 =	vmovc v2;
	v42 =	vld [tilespmem:s11+$0x13470];
	v16 =	vsub.f32 v34, v41;
	v2 =	vadd.f32 v6, v5;
	v5 =	vmul.f32 v35, v35  }
0x2e3: {  	v32 =	vmovc v4;
	v27 =	vmovc v3;
	v50 =	vld [tilespmem:s11+$0x11C80];
	v6 =	vsub.f32 v26, v41;
	v26 =	vmov v1;
	v1 =	vadd.f32 v8, v57  }
0x2e4: {  	v33 =	vmovc v8;
	v13 =	vld [tilespmem:s11+$0xD4A0];
	v4 =	vmul.f32 v43, v63;
	v2 =	vadd.f32 v5, v2;
	v5 =	vsub.f32 v28, v41  }
0x2e5: {  	v44 =	vld [tilespmem:s11+$0x13460];
	v8 =	vmul.f32 v43, v16;
	v3 =	vmul.f32 v43, v6;
	v28 =	vmovc v0;
	v0 =	vadd.f32 v12, v1  }
0x2e6: {  	v14 =	vld [tilespmem:s11+$0xD490];
	v6 =	vsub.f32 v29, v41;
	(xrf2) =	vadd.scan.msk.f32 $0xffff, v2;
	v2 =	vmul.f32 v43, v5;
	v5 =	vsub.f32 v30, v41  }
0x2e7: {  	v15 =	vld [tilespmem:s11+$0xEC90];
	v1 =	vmul.f32 v43, v61;
	v29 =	vmovc v7;
	v7 =	vsub.f32 v31, v41;
	v0 =	vadd.f32 v35, v0  }
0x2e8: {  	v52 =	vld [tilespmem:s11+$0x11C70];
	v6 =	vmul.f32 v43, v6;
	v5 =	vmul.f32 v43, v5  }
0x2e9: {  	(xrf2) =	vadd.scan.msk.f32 $0xffff, v0;
	v0 =	vmul.f32 v43, v7;
	v7 =	vmul.f32 v43, v62;
	v43 =	vld [tilespmem:$0x1FF60]  }
0x2ea: {  	v55 =	vld [tilespmem:s11+$0xECB0]  }
0x2eb: {  	v53 =	vld [tilespmem:s11+$0x10490]  }
0x2ec: {  	v54 =	vld [tilespmem:s11+$0xD4B0]  }
0x2ed: {  	v57 =	vld [tilespmem:$0x1FF90]  }
0x2ee: {  	v10 =	vmul.f32 v58, v43;
	v58 =	vld [tilespmem:$0x1FF00]  }
0x2ef: {  	v16 =	vld [tilespmem:$0x1FF10]  }
0x2f0: {  	v34 =	vmov v12;
	v12 =	vld [tilespmem:s11+$0x10480]  }
0x2f1: {  	v61 =	vld [tilespmem:$0x1FF20]  }
0x2f2: {  	v30 =	vmov v11;
	v11 =	vld [tilespmem:s11+$0xECA0]  }
0x2f3: {  	v41 =	vld [tilespmem:s11+$0x14C50];
	v10 =	vadd.f32 v10, v58  }
0x2f4: {  	v3 =	vmul.f32 v3, v56;
	v9 =	vadd.f32 v9, v16;
	v2 =	vmul.f32 v2, v59;
	v59 =	vld [tilespmem:$0x1FF30]  }
0x2f5: {  	v43 =	vld [tilespmem:s11+$0x14C40];
	[tilespmem:s16+$0x19400] =	vst v10  }
0x2f6: {  	v3 =	vadd.f32 v3, v61;
	v45 =	vld [tilespmem:s11+$0x13450];
	[tilespmem:s16+$0x19410] =	vst v9  }
0x2f7: {  	v56 =	vld [tilespmem:s11+$0x11C60]  }
0x2f8: {  	[tilespmem:s16+$0x19420] =	vst v3;
	v3 =	vld [tilespmem:$0x1FF50];
	_ =	sdelay $0x1  }
0x2f9: {  	v1 =	vmul.f32 v1, v57  }
0x2fa: {  	v6 =	vmul.f32 v6, v60  }
0x2fb: {  	v60 =	vld [tilespmem:$0x1FF40];
	v1 =	vadd.f32 v1, v59  }
0x2fc: {  	v3 =	vadd.f32 v6, v3;
	v6 =	vld [tilespmem:s11+$0x10470]  }
0x2fd: {  	[tilespmem:s16+$0x19430] =	vst v1;
	v1 =	vld [tilespmem:$0x1FFD0];
	_ =	sdelay $0x2  }
0x2fe: {  	v7 =	vmul.f32 v7, v21  }
0x2ff: {  	v62 =	vld [tilespmem:$0x1FFE0];
	v2 =	vadd.f32 v2, v60  }
0x300: {  	v1 =	vadd.f32 v7, v1;
	v7 =	vld [tilespmem:s11+$0xD480]  }
0x301: {  	[tilespmem:s16+$0x19440] =	vst v2;
	v2 =	vld [tilespmem:$0x1FFC0];
	_ =	sdelay $0x2  }
0x302: {  	v61 =	vld [tilespmem:$0x1FFF0];
	v4 =	vmul.f32 v4, v62;
	_ =	sdelay $0x1  }
0x303: {  	v2 =	vadd.f32 v4, v2;
	v4 =	vld [tilespmem:$0x1FEE0];
	_ =	sdelay $0x1  }
0x304: {  	v5 =	vmul.f32 v5, v19;
	v63, _, _ =	vpop (xrf2)  }
0x305: {  	v0 =	vmul.f32 v0, v20;
	v8 =	vmul.f32 v8, v61;
	v62, _, _ =	vpop (xrf2)  }
0x306: {  	v5 =	vadd.f32 v5, v22;
	(v2sf) =	vpush v62, $0xF  }
0x307: {  	v0 =	vadd.f32 v0, v23;
	v4 =	vadd.f32 v8, v4;
	v8 =	vld [tilespmem:s11+$0xEC80];
	[tilespmem:s16+$0x19450] =	vst v3  }
0x308: {  	v3 =	vld [tilespmem:s11+$0xD470];
	[tilespmem:s16+$0x19460] =	vst v5  }
0x309: {  	(v2sf) =	vpush v63, $0xF;
	v5 =	vld [tilespmem:s11+$0xEC70];
	[tilespmem:s16+$0x19470] =	vst v0  }
0x30a: {  	v0 =	vld [tilespmem:s11+$0xD460];
	[tilespmem:s16+$0x19480] =	vst v1  }
0x30b: {  	v1 =	vld [tilespmem:s11+$0xEC60];
	[tilespmem:s16+$0x19490] =	vst v2  }
0x30c: {  	v2 =	vld [tilespmem:s11+$0xD450];
	[tilespmem:s16+$0x194A0] =	vst v4;
	s16 =	smov.u32 s9;
	s9 =	smov.u32 s11  }
0x30d: {  	v4 =	vld [tilespmem:s9+$0xEC50]  }
0x30e: {  	v9 =	vld [tilespmem:s9+$0xD440]  }
0x30f: {  	v10 =	vld [tilespmem:s9+$0xEC40]  }
0x310: {  	v16 =	vld [tilespmem:s9+$0xD430]  }
0x311: {  	v17 =	vld [tilespmem:s9+$0xEC30]  }
0x312: {  	v31 =	vmov v18;
	v18 =	vld [tilespmem:s9+$0xD420]  }
0x313: {  	v57 =	vld [tilespmem:s9+$0xEC20]  }
0x314: {  	v58 =	vld [tilespmem:s9+$0xD410]  }
0x315: {  	v11 =	vadd.f32 v11, v13;
	s12 =	spop (v2sf);
	v59 =	vld [tilespmem:s9+$0xEC10]  }
0x316: {  	s19 =	smul.f32 $5.208333490e-03, s12;
	v60 =	vld [tilespmem:s9+$0xD400]  }
0x317: {  	v11 =	vadd.f32 v51, v11;
	v63 =	vadd.f32 v55, v54;
	v61 =	vld [tilespmem:s9+$0xEC00]  }
0x318: {  	v55 =	vadd.f32 v15, v14;
	s13 =	spop (v2sf);
	s12 =	smul.f32 s19, s19;
	v54 =	vld [tilespmem:s9+$0x10460]  }
0x319: {  	v13 =	vadd.f32 v47, v63;
	v63 =	vadd.f32 v48, v11;
	s11 =	smul.f32 $5.208333490e-03, s13;
	v14 =	vld [tilespmem:s9+$0x10450]  }
0x31a: {  	v7 =	vadd.f32 v8, v7;
	v8 =	vadd.f32 v53, v55;
	v53 =	vld [tilespmem:s9+$0x11C50]  }
0x31b: {  	s11 =	ssub.f32 s11, s12;
	v0 =	vadd.f32 v1, v0;
	v1 =	vadd.f32 v5, v3;
	v5 =	vld [tilespmem:s9+$0x10440]  }
0x31c: {  	v2 =	vadd.f32 v4, v2;
	v4 =	vadd.f32 v57, v18;
	v57 =	vld [tilespmem:s9+$0x10430]  }
0x31d: {  	s11 =	sadd.f32 $9.999999960e-13, s11;
	v3 =	vadd.f32 v10, v9;
	v9 =	vadd.f32 v17, v16;
	v17 =	vld [tilespmem:s9+$0x10420]  }
0x31e: {  	v7 =	vadd.f32 v12, v7;
	v15 =	vadd.f32 v61, v60;
	v18 =	vld [tilespmem:s9+$0x10410]  }
0x31f: {  	v16 =	vadd.f32 v59, v58;
	v60 =	vld [tilespmem:s9+$0x10400];
	v12 =	vadd.f32 v54, v0;
	v0 =	vmov s11  }
0x320: {  	v48 =	vld [tilespmem:s9+$0x16410];
	v6 =	vadd.f32 v6, v1;
	v1 =	vshra.s32 v0, $0x1;
	v47 =	vmul.f32 $5.000000000e-01, v0  }
0x321: {  	p0 =	sne.s32 s10, $0x5D00;
	v54 =	vld [tilespmem:s9+$0x11C40];
	v61 =	vadd.f32 v46, v13;
	v55 =	vadd.f32 v14, v2;
	v51 =	vsub.s32 $0x5F3759DF, v1  }
.Ltmp2:
0x322: {  	v59 =	vld [tilespmem:s9+$0x11C30];
	v52 =	vadd.f32 v52, v6;
	v1 =	vadd.f32 v17, v4;
	v4 =	vmul.f32 v51, v47;
	(pc) =	sbr.rel @p0 .LBB2_7-.Ltmp2, $4  }
0x323: {  	v2 =	vld [tilespmem:s9+$0x11C10];
	v0 =	vadd.f32 v5, v3;
	v57 =	vadd.f32 v57, v9  }
0x324: {  	v3 =	vld [tilespmem:s9+$0x11C20];
	v58 =	vadd.f32 v18, v16;
	v62 =	vadd.f32 v60, v15;
	v46 =	vmul.f32 v51, v4  }
0x325: {  	v5 =	vld [tilespmem:s9+$0x11C00];
	v60 =	vadd.f32 v49, v8;
	v4 =	vadd.f32 v50, v7  }
0x326: {  	s10 =	sadd.s32 $0x300, s10;
	v49 =	vld [tilespmem:s9+$0x13440];
	v50 =	vadd.f32 v56, v12;
	v46 =	vsub.f32 $1.500000000e+00, v46  }
0x327: {  	v6 =	vld [tilespmem:s9+$0x13430]  }
0x328: {  	v7 =	vld [tilespmem:s9+$0x14C10]  }
0x329: {  	v0 =	vadd.f32 v54, v0;
	v8 =	vadd.f32 v53, v55;
	v9 =	vld [tilespmem:s9+$0x13410]  }
0x32a: {  	v59 =	vadd.f32 v59, v57;
	v10 =	vld [tilespmem:s9+$0x13400];
	v12 =	vadd.f32 v38, v63  }
0x32b: {  	v11 =	vld [tilespmem:s9+$0x13420];
	v13 =	vadd.f32 v37, v61;
	v4 =	vadd.f32 v40, v4  }
0x32c: {  	v14 =	vld [tilespmem:s9+$0x14C00];
	v15 =	vadd.f32 v39, v60;
	v18 =	vadd.f32 v42, v52  }
0x32d: {  	v16 =	vld [tilespmem:s9+$0x14C20];
	v2 =	vadd.f32 v2, v58;
	v5 =	vadd.f32 v5, v62  }
0x32e: {  	v63 =	vld [tilespmem:s9+$0x16400];
	v17 =	vadd.f32 v44, v50;
	v1 =	vadd.f32 v3, v1  }
0x32f: {  	v40 =	vld [tilespmem:s9+$0x14C30];
	v5 =	vadd.f32 v10, v5;
	v2 =	vadd.f32 v9, v2  }
0x330: {  	v42 =	vld [tilespmem:s9+$0x16420];
	v0 =	vadd.f32 v49, v0;
	v1 =	vadd.f32 v11, v1  }
0x331: {  	v5 =	vadd.f32 v14, v5;
	v2 =	vadd.f32 v7, v2  }
0x332: {  	v44 =	vld [tilespmem:s9+$0x16430];
	v3 =	vadd.f32 v6, v59;
	v1 =	vadd.f32 v16, v1  }
0x333: {  	v37 =	vadd.f32 v63, v5;
	v38 =	vadd.f32 v48, v2  }
0x334: {  	v50 =	vld [tilespmem:s9+$0x16440];
	v49 =	vadd.f32 v45, v8;
	v3 =	vadd.f32 v40, v3  }
0x335: {  	v54 =	vld [tilespmem:s9+$0x14C60];
	v39 =	vadd.f32 v42, v1;
	v52 =	vmul.f32 v37, v37;
	v53 =	vmul.f32 v38, v38  }
0x336: {  	v55 =	vld [tilespmem:s9+$0x16450];
	v0 =	vadd.f32 v43, v0;
	v56 =	vadd.f32 $0.0e+00, v37  }
0x337: {  	v59 =	vld [tilespmem:s9+$0x14C70];
	v40 =	vadd.f32 v44, v3;
	v58 =	vmul.f32 v39, v39;
	v57 =	vadd.f32 v53, v52  }
0x338: {  	v60 =	vld [tilespmem:s9+$0x16460];
	v2 =	vadd.f32 v41, v49;
	v10 =	vadd.f32 v38, v56  }
0x339: {  	v41 =	vadd.f32 v50, v0;
	v61 =	vmul.f32 v40, v40;
	v3 =	vadd.f32 v58, v57  }
0x33a: {  	v62 =	vld [tilespmem:s9+$0x16470];
	v1 =	vadd.f32 v54, v17;
	v63 =	vadd.f32 v39, v10  }
0x33b: {  	v48 =	vld [tilespmem:s9+$0x14C90];
	v45 =	vmul.f32 v41, v41;
	v42 =	vadd.f32 v55, v2;
	v0 =	vadd.f32 v61, v3  }
0x33c: {  	v49 =	vld [tilespmem:s9+$0x16480];
	v7 =	vadd.f32 v59, v18;
	v6 =	vadd.f32 v40, v63  }
0x33d: {  	v1 =	vadd.f32 v60, v1;
	v50 =	vmul.f32 v42, v42;
	v52 =	vld [tilespmem:s9+$0x14CA0];
	v0 =	vadd.f32 v45, v0  }
0x33e: {  	v4 =	vadd.f32 v36, v4;
	v53 =	vld [tilespmem:s9+$0x16490];
	v6 =	vadd.f32 v41, v6  }
0x33f: {  	v54 =	vld [tilespmem:s9+$0x14CB0];
	v5 =	vadd.f32 v62, v7;
	v55 =	vmul.f32 v1, v1;
	v0 =	vadd.f32 v50, v0  }
0x340: {  	v56 =	vld [tilespmem:s9+$0x164A0];
	v2 =	vadd.f32 v48, v15;
	v6 =	vadd.f32 v42, v6  }
0x341: {  	v4 =	vadd.f32 v49, v4;
	v57 =	vmul.f32 v5, v5;
	v0 =	vadd.f32 v55, v0  }
0x342: {  	v58 =	vld [tilespmem:s9+$0x164B0];
	v8 =	vadd.f32 v52, v12;
	v6 =	vadd.f32 v1, v6  }
0x343: {  	v59 =	vmul.f32 v4, v4;
	v2 =	vadd.f32 v53, v2;
	v0 =	vadd.f32 v57, v0  }
0x344: {  	v3 =	vadd.f32 v54, v13;
	v6 =	vadd.f32 v5, v6  }
0x345: {  	v7 =	vadd.f32 v56, v8;
	v60 =	vmul.f32 v2, v2;
	v0 =	vadd.f32 v59, v0  }
0x346: {  	v6 =	vadd.f32 v4, v6  }
0x347: {  	v3 =	vadd.f32 v58, v3;
	v61 =	vmul.f32 v7, v7;
	v0 =	vadd.f32 v60, v0  }
0x348: {  	v6 =	vadd.f32 v2, v6  }
0x349: {  	v62 =	vmul.f32 v3, v3;
	v0 =	vadd.f32 v61, v0  }
0x34a: {  	v6 =	vadd.f32 v7, v6  }
0x34b: {  	v0 =	vadd.f32 v62, v0  }
0x34c: {  	v6 =	vadd.f32 v3, v6  }
0x34d: {  	(xrf2) =	vadd.scan.msk.f32 $0xffff, v0  }
0x34e: {  	(xrf2) =	vadd.scan.msk.f32 $0xffff, v6;
	_ =	sdelay $0x8  }
0x34f: {  	v0, _, _ =	vpop (xrf2)  }
0x350: {  	v6, _, _ =	vpop (xrf2)  }
0x351: {  	(v2sf) =	vpush v6, $0xF  }
0x352: {  	(v2sf) =	vpush v0, $0xF;
	_ =	sdelay $0xc  }
0x353: {  	v63 =	vmul.f32 v51, v46  }
0x354: {  	s10 =	spop (v2sf)  }
0x355: {  	v36 =	vmul.f32 v63, v47;
	s10 =	smul.f32 $5.208333490e-03, s10;
	s11 =	spop (v2sf)  }
0x356: {  	s11 =	smul.f32 $5.208333490e-03, s11  }
0x357: {  	v6 =	vmul.f32 v36, v63;
	s12 =	smul.f32 s10, s10;
	_ =	sdelay $0x1  }
0x358: {  	v6 =	vsub.f32 $1.500000000e+00, v6;
	s11 =	ssub.f32 s11, s12;
	_ =	sdelay $0x1  }
0x359: {  	v0 =	vmul.f32 v6, v63;
	s11 =	sadd.f32 $9.999999960e-13, s11;
	_ =	sdelay $0x1  }
0x35a: {  	v47 =	vmul.f32 v0, v47;
	v43 =	vmov s11  }
0x35b: {  	v44 =	vshra.s32 v43, $0x1;
	v8 =	vmul.f32 $5.000000000e-01, v43  }
0x35c: {  	v49 =	vmov s19;
	v10 =	vmul.f32 v47, v0;
	v9 =	vsub.s32 $0x5F3759DF, v44  }
0x35d: {  	v14 =	vsub.f32 v27, v49;
	v45 =	vmul.f32 v9, v8  }
0x35e: {  	v15 =	vsub.f32 v28, v49;
	v58 =	vld [tilespmem:$0x1FF00];
	v48 =	vsub.f32 $1.500000000e+00, v10  }
0x35f: {  	v16 =	vsub.f32 v29, v49;
	v17 =	vsub.f32 v30, v49;
	v55 =	vld [tilespmem:$0x1FF60];
	v46 =	vmul.f32 v9, v45  }
0x360: {  	v18 =	vsub.f32 v31, v49;
	v12 =	vsub.f32 v25, v49;
	v57 =	vld [tilespmem:$0x1FF80];
	v0 =	vmul.f32 v48, v0  }
0x361: {  	v13 =	vsub.f32 v26, v49;
	v47 =	vld [tilespmem:$0x1FFB0];
	v6 =	vsub.f32 $1.500000000e+00, v46  }
0x362: {  	v30 =	vld [tilespmem:$0x1FF20];
	v51 =	vsub.f32 v35, v49;
	v54 =	vsub.f32 v33, v49;
	v12 =	vmul.f32 v0, v12  }
0x363: {  	v52 =	vsub.f32 v24, v49;
	v61 =	vld [tilespmem:$0x1FF50];
	v13 =	vmul.f32 v0, v13;
	v6 =	vmul.f32 v9, v6  }
0x364: {  	v53 =	vsub.f32 v32, v49;
	v16 =	vmul.f32 v0, v16;
	v12 =	vmul.f32 v12, v55  }
0x365: {  	v10 =	vsub.f32 v34, v49;
	v13 =	vmul.f32 v13, v57;
	v50 =	vmul.f32 v6, v8  }
0x366: {  	v14 =	vmul.f32 v0, v14;
	v16 =	vmul.f32 v16, v47;
	v12 =	vadd.f32 v12, v58;
	v45 =	vld [tilespmem:$0x1FF90]  }
0x367: {  	v13 =	vadd.f32 v13, v30;
	v62 =	vmov s10;
	v11 =	vmul.f32 v50, v6  }
0x368: {  	v31 =	vld [tilespmem:$0x1FF30];
	v15 =	vmul.f32 v0, v15;
	v16 =	vadd.f32 v16, v61;
	v3 =	vsub.f32 v3, v62  }
0x369: {  	v17 =	vmul.f32 v0, v17;
	v37 =	vsub.f32 v37, v62;
	v46 =	vld [tilespmem:$0x1FFA0];
	v11 =	vsub.f32 $1.500000000e+00, v11  }
0x36a: {  	v35 =	vld [tilespmem:$0x1FED0];
	v18 =	vmul.f32 v0, v18;
	v48 =	vsub.f32 v38, v62;
	v49 =	vsub.f32 v39, v62  }
0x36b: {  	v60 =	vld [tilespmem:$0x1FF40];
	v1 =	vsub.f32 v1, v62;
	v14 =	vmul.f32 v14, v45;
	v6 =	vmul.f32 v11, v6  }
0x36c: {  	v36 =	vld [tilespmem:$0x1FEF0];
	v24 =	vmul.f32 v0, v53;
	v5 =	vsub.f32 v5, v62;
	v4 =	vsub.f32 v4, v62  }
0x36d: {  	v56 =	vld [tilespmem:$0x1FF70];
	[tilespmem:s16+$0x19420] =	vst v13;
	v13 =	vmul.f32 v17, v19;
	v14 =	vadd.f32 v14, v31;
	v8 =	vmul.f32 v6, v8  }
0x36e: {  	v59 =	vld [tilespmem:$0x1FF10];
	v2 =	vsub.f32 v2, v62;
	v17 =	vmovc v22;
	v9 =	vmul.f32 v0, v51;
	v15 =	vmul.f32 v15, v46  }
0x36f: {  	v13 =	vadd.f32 v13, v22;
	v22 =	vld [tilespmem:$0x1FFE0];
	[tilespmem:s16+$0x19430] =	vst v14;
	v14 =	vmul.f32 v18, v20;
	v8 =	vmul.f32 v8, v6  }
0x370: {  	v63 =	vmul.f32 v0, v54;
	v7 =	vsub.f32 v7, v62;
	v15 =	vadd.f32 v15, v60;
	v18 =	vld [tilespmem:$0x1FFD0]  }
0x371: {  	[tilespmem:s16+$0x19450] =	vst v16;
	v16 =	vmovc v23;
	v9 =	vmul.f32 v9, v36;
	v14 =	vadd.f32 v14, v23;
	v23 =	vld [tilespmem:$0x1FFF0];
	v8 =	vsub.f32 $1.500000000e+00, v8  }
0x372: {  	[tilespmem:s16+$0x19400] =	vst v12;
	v12 =	vsub.f32 v40, v62;
	v51 =	vsub.f32 v42, v62;
	v11 =	vmul.f32 v0, v52;
	v52 =	vld [tilespmem:$0x1FFC0]  }
0x373: {  	v53 =	vld [tilespmem:$0x1FEE0];
	v9 =	vadd.f32 v9, v35;
	[tilespmem:s16+$0x19440] =	vst v15;
	v15 =	vmul.f32 v24, v21;
	v6 =	vmul.f32 v8, v6  }
0x374: {  	[tilespmem:s16+$0x19460] =	vst v13;
	v50 =	vsub.f32 v41, v62;
	v0 =	vmul.f32 v0, v10;
	v11 =	vmul.f32 v11, v56  }
0x375: {  	[tilespmem:s16+$0x194B0] =	vst v9;
	v9 =	vmul.f32 v63, v22;
	v13 =	vadd.f32 v15, v18;
	v3 =	vmul.f32 v6, v3  }
0x376: {  	[tilespmem:s16+$0x19470] =	vst v14;
	v11 =	vadd.f32 v11, v59;
	v0 =	vmul.f32 v0, v23;
	v15 =	vmul.f32 v6, v37  }
0x377: {  	[tilespmem:s16+$0x19480] =	vst v13;
	v9 =	vadd.f32 v9, v52;
	v14 =	vmul.f32 v6, v48;
	v3 =	vmul.f32 v3, v36  }
0x378: {  	[tilespmem:s16+$0x19410] =	vst v11;
	v0 =	vadd.f32 v0, v53;
	v10 =	vmul.f32 v6, v49;
	v13 =	vmul.f32 v15, v55  }
0x379: {  	[tilespmem:s16+$0x19490] =	vst v9;
	v54 =	vmul.f32 v6, v12;
	v12 =	vmul.f32 v14, v56;
	v3 =	vadd.f32 v3, v35  }
0x37a: {  	[tilespmem:s16+$0x194A0] =	vst v0;
	v1 =	vmul.f32 v6, v1;
	v56 =	vmul.f32 v10, v57;
	v57 =	vadd.f32 v13, v58  }
0x37b: {  	v2 =	vmul.f32 v6, v2;
	v9 =	vmul.f32 v54, v45;
	v59 =	vadd.f32 v12, v59;
	[tilespmem:s9+$0x194B0] =	vst v3  }
0x37c: {  	v55 =	vmul.f32 v6, v50;
	v1 =	vmul.f32 v1, v19;
	v8 =	vadd.f32 v56, v30;
	[tilespmem:s9+$0x19400] =	vst v57  }
0x37d: {  	v2 =	vmul.f32 v2, v22;
	v58 =	vmul.f32 v6, v51;
	v9 =	vadd.f32 v9, v31;
	[tilespmem:s9+$0x19410] =	vst v59  }
0x37e: {  	v5 =	vmul.f32 v6, v5;
	v0 =	vmul.f32 v55, v46;
	v1 =	vadd.f32 v1, v17;
	[tilespmem:s9+$0x19420] =	vst v8  }
0x37f: {  	v4 =	vmul.f32 v6, v4;
	v2 =	vadd.f32 v2, v52;
	v3 =	vmul.f32 v58, v47;
	[tilespmem:s9+$0x19430] =	vst v9  }
0x380: {  	v5 =	vmul.f32 v5, v20;
	v6 =	vmul.f32 v6, v7;
	v0 =	vadd.f32 v0, v60;
	[tilespmem:s9+$0x19460] =	vst v1  }
0x381: {  	s1 =	sadd.s32 $0x1, s1;
	v60 =	vmul.f32 v4, v21;
	[tilespmem:s9+$0x19490] =	vst v2;
	v3 =	vadd.f32 v3, v61  }
0x382: {  	p0 =	sne.s32 s1, $0x10;
	v62 =	vmul.f32 v6, v23;
	[tilespmem:s9+$0x19440] =	vst v0;
	v61 =	vadd.f32 v5, v16  }
.Ltmp3:
0x383: {  	s2 =	sadd.s32 s6, s2;
	v0 =	vadd.f32 v60, v18;
	[tilespmem:s9+$0x19450] =	vst v3;
	(pc) =	sbr.rel @p0 .LBB2_4-.Ltmp3, $4  }
0x384: {  	s2 =	smul.u32 $0x18, s2;
	v63 =	vadd.f32 v62, v53;
	[tilespmem:s9+$0x19470] =	vst v61  }
0x385: {  	[tilespmem:s9+$0x19480] =	vst v0  }
0x386: {  	s2 =	sadd.s32 s4, s2;
	[tilespmem:s9+$0x194A0] =	vst v63  }
0x387: {  	v15 =	vmov v17;
	[hbm4b:s2+s5] =	stream.linear.scatter [tilespmem:s30], [sflag:$0x4], $0x1800, $0x38;
	[tilespmem:$0x1AD80] =	vst v63  }
0x388: {  	s3 =	sadd.s32 $0x1, s3  }
0x389: {  	_ =	swait.ge [sflag:s31], $0x1800;
	p0 =	sne.s32 s3, s14  }
.Ltmp4:
0x38a: {  	[sflag:s31] =	ssyncset.done $0x0;
	(pc) =	sbr.rel @p0 .LBB2_1-.Ltmp4, $4  }
0x38b: {  	[sflag:s31] =	ssyncadd.s32 $0xFFFFE800  }
0x38c: {  	_ =	swait.ge [sflag:s0], $0x1800  }
0x38d: {  	[sflag:s0] =	ssyncset.done $0x0  }
0x38e: {  	s10 =	simm.s32 $0x1000;
	[sflag:s0] =	ssyncadd.s32 $0xFFFFE800  }
0x38f: {  	_ =	sfence.sel $0x180000  }
0x390: {  	[bflag:$0x0] =	sbarrier.arrive $0xFFFF  }
0x391: {  	_ =	strace $0x90000047  }
0x392: {  	s0 =	stileid.u32;
	[bflag:$0x2] =	sbarrier.arrive $0xFFFF  }
0x393: {  	p0 =	sne.s32 s0, $0x0;
	s0 =	rddreg [dreg:$0x4]  }
0x394: {  	s0 =	sadd.s32 @!p0 $0x100000, s0  }
0x395: {  	[sflag:s0] =	ssyncadd.tile.s32 @!p0 $0x1;
	_ =	shalt  }
.Lfunc_end2:
_tile_overlayer_lowered:
.L_overlay_start_2:
0x396: {  	(tag) =	ssettag $0x2  }
0x397: {  	s0 =	rddreg [dreg:$0x0];
	s2 =	stileid.u32  }
0x398: {  	s1 =	rddreg [dreg:$0x1];
	p0 =	sne.s32 s2, $0x0  }
0x399: {  	s3 =	rddreg [dreg:$0x2];
	[bflag:$0x3] =	sbarrier.arrive $0xFFFF;
	s2 =	simm.s32 @!p0 $0x1C05  }
0x39a: {  	[timem:s3], [sflag:s2] =	dma.local @!p0 [hbm:s0], s1  }
0x39b: {  	s0 =	simm.s32 @!p0 $0x5  }
0x39c: {  	_ =	swait.ge @!p0 [sflag:s0], s1  }
0x39d: {  	s1 =	ssub.s32 @!p0 $0x0, s1;
	[sflag:s0] =	ssyncset.done @!p0 $0x0  }
0x39e: {  	[sflag:s0] =	ssyncadd.s32 @!p0 s1  }
0x39f: {  	[bflag:$0x3] =	sbarrier.arrive $0xFFFF  }
0x3a0: {  	_ =	shalt  }

</sc_bundles>
